<compile_context>
chip_gen: v7x
topology: tpu7x:2x2x1
jax: 0.10.2.dev20260603
libtpu: 0.0.44.dev20260713+nightly
codegen_flags: <defaults>
</compile_context>

<pallas_src>
import jax
import jax.numpy as jnp
from jax import lax
from jax.experimental import pallas as pl
from jax.experimental.pallas import tpu as pltpu
from jax.experimental.pallas import tpu_sc as plsc

B, C, H, W = 8, 3, 512, 512
MAX_DISP = 32.0
NC, NS = 2, 16
NW = NC * NS
W_PER_B = NW // B
ROWS_PER_W = H // W_PER_B
RBLK = 16
RH = 8
NBLK = ROWS_PER_W // RBLK
NCH = W // 16
F2P23 = 8388608.0


def _body(image_hbm, depth_hbm, out_l_hbm, out_r_hbm,
          inb, cnt_v, acc_v, in_sem0, in_sem1, out_sem0, out_sem1):
    wid = lax.axis_index("s") * NC + lax.axis_index("c")
    b = wid // W_PER_B
    y_base = (wid % W_PER_B) * ROWS_PER_W
    in_sems = (in_sem0, in_sem1)
    out_sems = (out_sem0, out_sem1)
    out_hbms = (out_l_hbm, out_r_hbm)

    xiota = lax.iota(jnp.int32, 16)
    ones = jnp.ones((16,), jnp.float32)
    zeros = jnp.zeros((16,), jnp.float32)
    dvecs = [jnp.full((16,), di, jnp.int32) for di in range(2)]
    cvecs = [jnp.full((16,), c, jnp.int32) for c in range(C)]

    def issue_in(h, buf):
        ys = y_base + h * RH
        pltpu.async_copy(image_hbm.at[b, :, pl.ds(ys, RH), :],
                         inb.at[buf, pl.ds(0, C)], in_sems[buf])
        pltpu.async_copy(depth_hbm.at[b, pl.ds(ys, RH), :],
                         inb.at[buf, C], in_sems[buf])

    def wait_in(buf):
        pltpu.make_async_copy(image_hbm.at[0, :, pl.ds(0, RH), :],
                              inb.at[buf, pl.ds(0, C)], in_sems[buf]).wait()
        pltpu.make_async_copy(depth_hbm.at[0, pl.ds(0, RH), :],
                              inb.at[buf, C], in_sems[buf]).wait()

    def issue_out(blk, di):
        ys = y_base + blk * RBLK
        pltpu.async_copy(acc_v.at[di],
                         out_hbms[di].at[b, :, pl.ds(ys, RBLK), :],
                         out_sems[di])

    def wait_out(di):
        pltpu.make_async_copy(acc_v.at[di],
                              out_hbms[di].at[0, :, pl.ds(0, RBLK), :],
                              out_sems[di]).wait()

    def zero_dir(di):
        @plsc.parallel_loop(0, RBLK * NCH, 1, unroll=4)
        def zero_k(k):
            r = k // NCH
            xo = (k % NCH) * 16
            cnt_v[di, r, pl.ds(xo, 16)] = zeros
            for c in range(C):
                acc_v[di, c, r, pl.ds(xo, 16)] = zeros

    def scatter_half(buf, roff):
        @plsc.parallel_loop(0, RH * NCH, 1, unroll=2)
        def scat_k(k):
            r = k // NCH
            xo = (k % NCH) * 16
            d16 = inb[buf, C, r, pl.ds(xo, 16)]
            disp = ((d16 * MAX_DISP + F2P23) - F2P23).astype(jnp.int32)
            xb = xiota + xo
            rr = jnp.broadcast_to(r + roff, (16,))
            vals = [inb[buf, c, r, pl.ds(xo, 16)] for c in range(C)]
            for di in range(2):
                xt = xb - disp if di == 0 else xb + disp
                msk = (xt >= 0) & (xt < W)
                xtc = jnp.clip(xt, 0, W - 1)
                plsc.addupdate_scatter(cnt_v, [dvecs[di], rr, xtc],
                                       ones, mask=msk)
                for c in range(C):
                    plsc.addupdate_scatter(acc_v, [dvecs[di], cvecs[c], rr, xtc],
                                           vals[c], mask=msk)

    def fin_dir(di):
        @plsc.parallel_loop(0, RBLK * NCH, 1, unroll=4)
        def fin_k(k):
            r = k // NCH
            xo = (k % NCH) * 16
            cnt = cnt_v[di, r, pl.ds(xo, 16)]
            inv = 1.0 / jnp.maximum(cnt, 1.0)
            for c in range(C):
                a = acc_v[di, c, r, pl.ds(xo, 16)]
                acc_v[di, c, r, pl.ds(xo, 16)] = jnp.clip(a * inv, 0.0, 1.0)

    issue_in(0, 0)

    def do_block(blk, carry):
        issue_in(2 * blk + 1, 1)
        for di in range(2):
            @pl.when(blk > 0)
            def _():
                wait_out(di)
            zero_dir(di)
        wait_in(0)
        scatter_half(0, 0)

        @pl.when(blk < NBLK - 1)
        def _():
            issue_in(2 * blk + 2, 0)
        wait_in(1)
        scatter_half(1, RH)

        for di in range(2):
            fin_dir(di)
            issue_out(blk, di)
        return carry

    lax.fori_loop(0, NBLK, do_block, 0)
    wait_out(0)
    wait_out(1)


def kernel(image, depth):
    mesh = plsc.VectorSubcoreMesh(core_axis_name="c", subcore_axis_name="s",
                                  num_cores=NC, num_subcores=NS)
    f = pl.kernel(
        _body,
        out_type=(jax.ShapeDtypeStruct((B, C, H, W), jnp.float32),
                  jax.ShapeDtypeStruct((B, C, H, W), jnp.float32)),
        mesh=mesh,
        scratch_types=[
            pltpu.VMEM((2, C + 1, RH, W), jnp.float32),
            pltpu.VMEM((2, RBLK, W), jnp.float32),
            pltpu.VMEM((2, C, RBLK, W), jnp.float32),
            pltpu.SemaphoreType.DMA,
            pltpu.SemaphoreType.DMA,
            pltpu.SemaphoreType.DMA,
            pltpu.SemaphoreType.DMA,
        ],
        compiler_params=pltpu.CompilerParams(needs_layout_passes=False),
    )
    return f(image, depth)

# --- scband reference (transcript-rebuilt; emitter-appended) ---
"""Pipeline reference for scband-image-warping-layer-9749575762160 (READ-ONLY COPY).

The authoritative reference and input builder live on the scoring server;
editing this copy changes nothing except your own understanding.
"""

import jax, jax.numpy as jnp
import numpy as np

MAX_DISP = 32.0


def _warp(image_bhwc, depth, direction):
    # Faithful re-implementation of the DiffImageWarping.ImageWarping CUDA kernel:
    # each source pixel is forward-splatted to column x + direction*disparity.
    # Contributions are written as +/- corner stamps so that the subsequent
    # double cumsum (summed-area table) in the layer reconstructs the
    # accumulated values and hit counts.
    b, h, w, c = image_bhwc.shape
    disp = jnp.round(depth * MAX_DISP).astype(jnp.int32)
    bb = jnp.broadcast_to(jnp.arange(b)[:, None, None], (b, h, w))
    yy = jnp.broadcast_to(jnp.arange(h)[None, :, None], (b, h, w))
    xx = jnp.broadcast_to(jnp.arange(w)[None, None, :], (b, h, w))
    xt = xx + direction * disp
    base_ok = (xt >= 0) & (xt < w)

    count = jnp.zeros((b, h, w), image_bhwc.dtype)
    img = jnp.zeros((b, h, w, c), image_bhwc.dtype)

    ones = jnp.where(base_ok, 1.0, 0.0).astype(image_bhwc.dtype)
    vimg = image_bhwc * ones[..., None]

    def sc(buf, y, x, vals, chan):
        ok = (y >= 0) & (y < h) & (x >= 0) & (x < w)
        yc = jnp.clip(y, 0, h - 1)
        xc = jnp.clip(x, 0, w - 1)
        if chan:
            v = jnp.where(ok[..., None], vals, 0.0)
        else:
            v = jnp.where(ok, vals, 0.0)
        return buf.at[bb, yc, xc].add(v)

    for dy, dx, s in [(0, 0, 1.0), (0, 1, -1.0), (1, 0, -1.0), (1, 1, 1.0)]:
        count = sc(count, yy + dy, xt + dx, s * ones, False)
        img = sc(img, yy + dy, xt + dx, s * vimg, True)
    return count, img


def _finish(count, img):
    # count_final = count.cumsum(h).cumsum(w); clamp-to-1; img SAT / count; clamp [0,1]
    sat_c = jnp.cumsum(jnp.cumsum(count, axis=1), axis=2)
    sat_c = jnp.where(sat_c <= 1.0, 1.0, sat_c)
    sat_i = jnp.cumsum(jnp.cumsum(img, axis=1), axis=2)
    avg = sat_i / sat_c[..., None]
    return jnp.clip(avg, 0.0, 1.0)


def setup_inputs(seed: int = 0) -> dict:
    key = jax.random.key(seed)
    k1, k2 = jax.random.split(key)
    image = jax.random.uniform(k1, (8, 3, 512, 512), dtype=jnp.float32)
    depth = jax.random.uniform(k2, (8, 512, 512), dtype=jnp.float32)
    return {"image": image, "depth": depth}


def reference(image, depth):
    img_bhwc = jnp.transpose(image, (0, 2, 3, 1))
    cl, il = _warp(img_bhwc, depth, -1)
    cr, ir = _warp(img_bhwc, depth, +1)
    img_left_avg = jnp.transpose(_finish(cl, il), (0, 3, 1, 2))
    img_right_avg = jnp.transpose(_finish(cr, ir), (0, 3, 1, 2))
    return (img_left_avg, img_right_avg)

if __name__ == "__main__":
    import jax
    _d = setup_inputs()
    print(jax.jit(kernel)(*tuple(_d.values())))

</pallas_src>

<mosaic_0001>
#map = affine_map<(d0, d1) -> (0, 0, 0, 0)>
#map1 = affine_map<(d0, d1) -> (0, 0, 0)>
module attributes {stable_mosaic.version = 14 : i64} {
  func.func @_body(%arg0: i32, %arg1: i32, %arg2: memref<8x3x512x512xf32, #tpu.memory_space<hbm>>, %arg3: memref<8x512x512xf32, #tpu.memory_space<hbm>>, %arg4: memref<8x3x512x512xf32, #tpu.memory_space<hbm>>, %arg5: memref<8x3x512x512xf32, #tpu.memory_space<hbm>>, %arg6: memref<2x4x8x512xf32, #tpu.memory_space<vmem>>, %arg7: memref<2x16x512xf32, #tpu.memory_space<vmem>>, %arg8: memref<2x3x16x512xf32, #tpu.memory_space<vmem>>, %arg9: memref<!tpu.dma_semaphore, #tpu.memory_space<semaphore_mem>>, %arg10: memref<!tpu.dma_semaphore, #tpu.memory_space<semaphore_mem>>, %arg11: memref<!tpu.dma_semaphore, #tpu.memory_space<semaphore_mem>>, %arg12: memref<!tpu.dma_semaphore, #tpu.memory_space<semaphore_mem>>) attributes {dimension_semantics = [#tpu.dimension_semantics<core_parallel>, #tpu.dimension_semantics<subcore_parallel>], iteration_bounds = array<i64: 2, 16>, scalar_prefetch = 0 : i64, scratch_operands = 7 : i64, tpu.core_type = #tpu.core_type<sc_vector_subcore>, window_params = [{transform_indices = #map}, {transform_indices = #map1}, {transform_indices = #map}, {transform_indices = #map}]} {
    %mul3A = arith.constant 2 : i32
    %mul3A_0 = arith.muli %arg1, %mul3A : i32
    %add3A = arith.addi %mul3A_0, %arg0 : i32
    %jit3A = arith.constant 4 : i32
    %div3A = arith.divsi %add3A, %jit3A : i32
    %sign3A = arith.constant 0 : i32
    %sign3A_1 = arith.cmpi sgt, %add3A, %sign3A : i32
    %sign3A_2 = arith.extui %sign3A_1 : i1 to i32
    %sign3A_3 = arith.constant 0 : i32
    %sign3A_4 = arith.cmpi slt, %add3A, %sign3A_3 : i32
    %sign3A_5 = arith.extui %sign3A_4 : i1 to i32
    %sign3A_6 = arith.subi %sign3A_2, %sign3A_5 : i32
    %sign3A_7 = arith.constant 0 : i32
    %sign3A_8 = arith.cmpi sgt, %jit3A, %sign3A_7 : i32
    %sign3A_9 = arith.extui %sign3A_8 : i1 to i32
    %sign3A_10 = arith.constant 0 : i32
    %sign3A_11 = arith.cmpi slt, %jit3A, %sign3A_10 : i32
    %sign3A_12 = arith.extui %sign3A_11 : i1 to i32
    %sign3A_13 = arith.subi %sign3A_9, %sign3A_12 : i32
    %ne3A = arith.cmpi ne, %sign3A_6, %sign3A_13 : i32
    %rem3A = arith.remsi %add3A, %jit3A : i32
    %ne3A_14 = arith.constant 0 : i32
    %ne3A_15 = arith.cmpi ne, %rem3A, %ne3A_14 : i32
    %and3A = arith.andi %ne3A, %ne3A_15 : i1
    %sub3A = arith.constant 1 : i32
    %sub3A_16 = arith.subi %div3A, %sub3A : i32
    %select_n3A = arith.select %and3A, %sub3A_16, %div3A : i32
    %jit3A_17 = arith.constant 4 : i32
    %eq3A = arith.constant 0 : i32
    %eq3A_18 = arith.cmpi eq, %jit3A_17, %eq3A : i32
    %jit3A_19 = arith.constant 1 : i32
    %select_n3A_20 = arith.select %eq3A_18, %jit3A_19, %jit3A_17 : i32
    %rem3A_21 = arith.remsi %add3A, %select_n3A_20 : i32
    %ne3A_22 = arith.constant 0 : i32
    %ne3A_23 = arith.cmpi ne, %rem3A_21, %ne3A_22 : i32
    %lt3A = arith.constant 0 : i32
    %lt3A_24 = arith.cmpi slt, %rem3A_21, %lt3A : i32
    %lt3A_25 = arith.constant 0 : i32
    %lt3A_26 = arith.cmpi slt, %select_n3A_20, %lt3A_25 : i32
    %ne3A_27 = arith.xori %lt3A_24, %lt3A_26 : i1
    %and3A_28 = arith.andi %ne3A_27, %ne3A_23 : i1
    %add3A_29 = arith.addi %rem3A_21, %select_n3A_20 : i32
    %select_n3A_30 = arith.select %and3A_28, %add3A_29, %rem3A_21 : i32
    %mul3A_31 = arith.constant 128 : i32
    %mul3A_32 = arith.muli %select_n3A_30, %mul3A_31 : i32
    %iota3A = tpu.iota {dimensions = array<i32: 0>} : vector<16xi32>
    %broadcast_in_dim3A = arith.constant 1.000000e+00 : f32
    %broadcast_in_dim3A_33 = vector.broadcast %broadcast_in_dim3A : f32 to vector<16xf32>
    %broadcast_in_dim3A_34 = arith.constant 0.000000e+00 : f32
    %broadcast_in_dim3A_35 = vector.broadcast %broadcast_in_dim3A_34 : f32 to vector<16xf32>
    %broadcast_in_dim3A_36 = arith.constant 0 : i32
    %broadcast_in_dim3A_37 = vector.broadcast %broadcast_in_dim3A_36 : i32 to vector<16xi32>
    %broadcast_in_dim3A_38 = arith.constant 1 : i32
    %broadcast_in_dim3A_39 = vector.broadcast %broadcast_in_dim3A_38 : i32 to vector<16xi32>
    %broadcast_in_dim3A_40 = arith.constant 0 : i32
    %broadcast_in_dim3A_41 = vector.broadcast %broadcast_in_dim3A_40 : i32 to vector<16xi32>
    %broadcast_in_dim3A_42 = arith.constant 1 : i32
    %broadcast_in_dim3A_43 = vector.broadcast %broadcast_in_dim3A_42 : i32 to vector<16xi32>
    %broadcast_in_dim3A_44 = arith.constant 2 : i32
    %broadcast_in_dim3A_45 = vector.broadcast %broadcast_in_dim3A_44 : i32 to vector<16xi32>
    %add3A_46 = arith.constant 0 : i32
    %add3A_47 = arith.addi %mul3A_32, %add3A_46 : i32
    %dma_start3A = arith.constant 0 : i32
    %dma_start3A_48 = arith.constant 0 : i32
    %dma_start3A_49 = arith.constant 0 : i32
    %dma_start3A_50 = arith.constant 0 : i32
    %dma_start3A_51 = tpu.memref_slice %arg6[%dma_start3A, %dma_start3A_48, %dma_start3A_49, %dma_start3A_50] : memref<2x4x8x512xf32, #tpu.memory_space<vmem>> -> memref<1x3x8x512xf32, #tpu.memory_space<vmem>>
    %dma_start3A_52 = tpu.memref_squeeze %dma_start3A_51 : memref<1x3x8x512xf32, #tpu.memory_space<vmem>> -> memref<3x8x512xf32, #tpu.memory_space<vmem>>
    %dma_start3A_53 = arith.constant 0 : i32
    %dma_start3A_54 = arith.constant 0 : i32
    %dma_start3A_55 = tpu.memref_slice %arg2[%select_n3A, %dma_start3A_53, %add3A_47, %dma_start3A_54] : memref<8x3x512x512xf32, #tpu.memory_space<hbm>> -> memref<1x3x8x512xf32, #tpu.memory_space<hbm>>
    %dma_start3A_56 = tpu.memref_squeeze %dma_start3A_55 : memref<1x3x8x512xf32, #tpu.memory_space<hbm>> -> memref<3x8x512xf32, #tpu.memory_space<hbm>>
    %dma_start3A_57 = arith.constant 0 : i32
    %dma_start3A_58 = arith.constant 0 : i32
    %dma_start3A_59 = arith.constant 0 : i32
    %dma_start3A_60 = tpu.memref_slice %arg6[%dma_start3A, %dma_start3A_57, %dma_start3A_58, %dma_start3A_59] : memref<2x4x8x512xf32, #tpu.memory_space<vmem>> -> memref<1x3x8x512xf32, #tpu.memory_space<vmem>>
    %dma_start3A_61 = tpu.memref_squeeze %dma_start3A_60 : memref<1x3x8x512xf32, #tpu.memory_space<vmem>> -> memref<3x8x512xf32, #tpu.memory_space<vmem>>
    %dma_start3A_62 = arith.constant 0 : i32
    %dma_start3A_63 = arith.constant 0 : i32
    %dma_start3A_64 = tpu.memref_slice %arg2[%select_n3A, %dma_start3A_62, %add3A_47, %dma_start3A_63] : memref<8x3x512x512xf32, #tpu.memory_space<hbm>> -> memref<1x3x8x512xf32, #tpu.memory_space<hbm>>
    %dma_start3A_65 = tpu.memref_squeeze %dma_start3A_64 : memref<1x3x8x512xf32, #tpu.memory_space<hbm>> -> memref<3x8x512xf32, #tpu.memory_space<hbm>>
    tpu.enqueue_dma source(%dma_start3A_65 : memref<3x8x512xf32, #tpu.memory_space<hbm>>) target(%dma_start3A_61 : memref<3x8x512xf32, #tpu.memory_space<vmem>>) target_semaphore(%arg9 : memref<!tpu.dma_semaphore, #tpu.memory_space<semaphore_mem>>)
    %dma_start3A_66 = arith.constant 0 : i32
    %dma_start3A_67 = arith.constant 3 : i32
    %dma_start3A_68 = arith.constant 0 : i32
    %dma_start3A_69 = arith.constant 0 : i32
    %dma_start3A_70 = tpu.memref_slice %arg6[%dma_start3A_66, %dma_start3A_67, %dma_start3A_68, %dma_start3A_69] : memref<2x4x8x512xf32, #tpu.memory_space<vmem>> -> memref<1x1x8x512xf32, #tpu.memory_space<vmem>>
    %dma_start3A_71 = tpu.memref_squeeze %dma_start3A_70 : memref<1x1x8x512xf32, #tpu.memory_space<vmem>> -> memref<8x512xf32, #tpu.memory_space<vmem>>
    %dma_start3A_72 = arith.constant 0 : i32
    %dma_start3A_73 = tpu.memref_slice %arg3[%select_n3A, %add3A_47, %dma_start3A_72] : memref<8x512x512xf32, #tpu.memory_space<hbm>> -> memref<1x8x512xf32, #tpu.memory_space<hbm>>
    %dma_start3A_74 = tpu.memref_squeeze %dma_start3A_73 : memref<1x8x512xf32, #tpu.memory_space<hbm>> -> memref<8x512xf32, #tpu.memory_space<hbm>>
    %dma_start3A_75 = arith.constant 0 : i32
    %dma_start3A_76 = arith.constant 0 : i32
    %dma_start3A_77 = tpu.memref_slice %arg6[%dma_start3A_66, %dma_start3A_67, %dma_start3A_75, %dma_start3A_76] : memref<2x4x8x512xf32, #tpu.memory_space<vmem>> -> memref<1x1x8x512xf32, #tpu.memory_space<vmem>>
    %dma_start3A_78 = tpu.memref_squeeze %dma_start3A_77 : memref<1x1x8x512xf32, #tpu.memory_space<vmem>> -> memref<8x512xf32, #tpu.memory_space<vmem>>
    %dma_start3A_79 = arith.constant 0 : i32
    %dma_start3A_80 = tpu.memref_slice %arg3[%select_n3A, %add3A_47, %dma_start3A_79] : memref<8x512x512xf32, #tpu.memory_space<hbm>> -> memref<1x8x512xf32, #tpu.memory_space<hbm>>
    %dma_start3A_81 = tpu.memref_squeeze %dma_start3A_80 : memref<1x8x512xf32, #tpu.memory_space<hbm>> -> memref<8x512xf32, #tpu.memory_space<hbm>>
    tpu.enqueue_dma source(%dma_start3A_81 : memref<8x512xf32, #tpu.memory_space<hbm>>) target(%dma_start3A_78 : memref<8x512xf32, #tpu.memory_space<vmem>>) target_semaphore(%arg9 : memref<!tpu.dma_semaphore, #tpu.memory_space<semaphore_mem>>)
    %scan3A = arith.constant 0 : i32
    %scan3A_82 = arith.constant 0 : i32
    %scan3A_83 = arith.constant 8 : i32
    %scan3A_84 = arith.addi %scan3A_82, %scan3A_83 : i32
    %scan3A_85 = arith.constant 1 : i32
    scf.for %scan3A_130 = %scan3A_82 to %scan3A_84 step %scan3A_85  : i32 {
      %mul3A_131 = arith.constant 2 : i32
      %mul3A_132 = arith.muli %mul3A_131, %scan3A_130 : i32
      %add3A_133 = arith.constant 1 : i32
      %add3A_134 = arith.addi %mul3A_132, %add3A_133 : i32
      %mul3A_135 = arith.constant 8 : i32
      %mul3A_136 = arith.muli %add3A_134, %mul3A_135 : i32
      %add3A_137 = arith.addi %mul3A_32, %mul3A_136 : i32
      %dma_start3A_138 = arith.constant 1 : i32
      %dma_start3A_139 = arith.constant 0 : i32
      %dma_start3A_140 = arith.constant 0 : i32
      %dma_start3A_141 = arith.constant 0 : i32
      %dma_start3A_142 = tpu.memref_slice %arg6[%dma_start3A_138, %dma_start3A_139, %dma_start3A_140, %dma_start3A_141] : memref<2x4x8x512xf32, #tpu.memory_space<vmem>> -> memref<1x3x8x512xf32, #tpu.memory_space<vmem>>
      %dma_start3A_143 = tpu.memref_squeeze %dma_start3A_142 : memref<1x3x8x512xf32, #tpu.memory_space<vmem>> -> memref<3x8x512xf32, #tpu.memory_space<vmem>>
      %dma_start3A_144 = arith.constant 0 : i32
      %dma_start3A_145 = arith.constant 0 : i32
      %dma_start3A_146 = tpu.memref_slice %arg2[%select_n3A, %dma_start3A_144, %add3A_137, %dma_start3A_145] : memref<8x3x512x512xf32, #tpu.memory_space<hbm>> -> memref<1x3x8x512xf32, #tpu.memory_space<hbm>>
      %dma_start3A_147 = tpu.memref_squeeze %dma_start3A_146 : memref<1x3x8x512xf32, #tpu.memory_space<hbm>> -> memref<3x8x512xf32, #tpu.memory_space<hbm>>
      %dma_start3A_148 = arith.constant 0 : i32
      %dma_start3A_149 = arith.constant 0 : i32
      %dma_start3A_150 = arith.constant 0 : i32
      %dma_start3A_151 = tpu.memref_slice %arg6[%dma_start3A_138, %dma_start3A_148, %dma_start3A_149, %dma_start3A_150] : memref<2x4x8x512xf32, #tpu.memory_space<vmem>> -> memref<1x3x8x512xf32, #tpu.memory_space<vmem>>
      %dma_start3A_152 = tpu.memref_squeeze %dma_start3A_151 : memref<1x3x8x512xf32, #tpu.memory_space<vmem>> -> memref<3x8x512xf32, #tpu.memory_space<vmem>>
      %dma_start3A_153 = arith.constant 0 : i32
      %dma_start3A_154 = arith.constant 0 : i32
      %dma_start3A_155 = tpu.memref_slice %arg2[%select_n3A, %dma_start3A_153, %add3A_137, %dma_start3A_154] : memref<8x3x512x512xf32, #tpu.memory_space<hbm>> -> memref<1x3x8x512xf32, #tpu.memory_space<hbm>>
      %dma_start3A_156 = tpu.memref_squeeze %dma_start3A_155 : memref<1x3x8x512xf32, #tpu.memory_space<hbm>> -> memref<3x8x512xf32, #tpu.memory_space<hbm>>
      tpu.enqueue_dma source(%dma_start3A_156 : memref<3x8x512xf32, #tpu.memory_space<hbm>>) target(%dma_start3A_152 : memref<3x8x512xf32, #tpu.memory_space<vmem>>) target_semaphore(%arg10 : memref<!tpu.dma_semaphore, #tpu.memory_space<semaphore_mem>>)
      %dma_start3A_157 = arith.constant 1 : i32
      %dma_start3A_158 = arith.constant 3 : i32
      %dma_start3A_159 = arith.constant 0 : i32
      %dma_start3A_160 = arith.constant 0 : i32
      %dma_start3A_161 = tpu.memref_slice %arg6[%dma_start3A_157, %dma_start3A_158, %dma_start3A_159, %dma_start3A_160] : memref<2x4x8x512xf32, #tpu.memory_space<vmem>> -> memref<1x1x8x512xf32, #tpu.memory_space<vmem>>
      %dma_start3A_162 = tpu.memref_squeeze %dma_start3A_161 : memref<1x1x8x512xf32, #tpu.memory_space<vmem>> -> memref<8x512xf32, #tpu.memory_space<vmem>>
      %dma_start3A_163 = arith.constant 0 : i32
      %dma_start3A_164 = tpu.memref_slice %arg3[%select_n3A, %add3A_137, %dma_start3A_163] : memref<8x512x512xf32, #tpu.memory_space<hbm>> -> memref<1x8x512xf32, #tpu.memory_space<hbm>>
      %dma_start3A_165 = tpu.memref_squeeze %dma_start3A_164 : memref<1x8x512xf32, #tpu.memory_space<hbm>> -> memref<8x512xf32, #tpu.memory_space<hbm>>
      %dma_start3A_166 = arith.constant 0 : i32
      %dma_start3A_167 = arith.constant 0 : i32
      %dma_start3A_168 = tpu.memref_slice %arg6[%dma_start3A_157, %dma_start3A_158, %dma_start3A_166, %dma_start3A_167] : memref<2x4x8x512xf32, #tpu.memory_space<vmem>> -> memref<1x1x8x512xf32, #tpu.memory_space<vmem>>
      %dma_start3A_169 = tpu.memref_squeeze %dma_start3A_168 : memref<1x1x8x512xf32, #tpu.memory_space<vmem>> -> memref<8x512xf32, #tpu.memory_space<vmem>>
      %dma_start3A_170 = arith.constant 0 : i32
      %dma_start3A_171 = tpu.memref_slice %arg3[%select_n3A, %add3A_137, %dma_start3A_170] : memref<8x512x512xf32, #tpu.memory_space<hbm>> -> memref<1x8x512xf32, #tpu.memory_space<hbm>>
      %dma_start3A_172 = tpu.memref_squeeze %dma_start3A_171 : memref<1x8x512xf32, #tpu.memory_space<hbm>> -> memref<8x512xf32, #tpu.memory_space<hbm>>
      tpu.enqueue_dma source(%dma_start3A_172 : memref<8x512xf32, #tpu.memory_space<hbm>>) target(%dma_start3A_169 : memref<8x512xf32, #tpu.memory_space<vmem>>) target_semaphore(%arg10 : memref<!tpu.dma_semaphore, #tpu.memory_space<semaphore_mem>>)
      %gt3A = arith.constant 0 : i32
      %gt3A_173 = arith.cmpi sgt, %scan3A_130, %gt3A : i32
      %convert_element_type3A = arith.extui %gt3A_173 : i1 to i32
      %cond3A = arith.constant 0 : i32
      %cond3A_174 = arith.cmpi ne, %convert_element_type3A, %cond3A : i32
      scf.if %cond3A_174 {
        %dma_wait3A_328 = arith.constant 0 : i32
        %dma_wait3A_329 = arith.constant 0 : i32
        %dma_wait3A_330 = arith.constant 0 : i32
        %dma_wait3A_331 = arith.constant 0 : i32
        %dma_wait3A_332 = arith.constant 0 : i32
        %dma_wait3A_333 = tpu.memref_slice %arg8[%dma_wait3A_328, %dma_wait3A_330, %dma_wait3A_331, %dma_wait3A_332] : memref<2x3x16x512xf32, #tpu.memory_space<vmem>> -> memref<1x3x16x512xf32, #tpu.memory_space<vmem>>
        %dma_wait3A_334 = tpu.memref_squeeze %dma_wait3A_333 : memref<1x3x16x512xf32, #tpu.memory_space<vmem>> -> memref<3x16x512xf32, #tpu.memory_space<vmem>>
        %dma_wait3A_335 = arith.constant 0 : i32
        %dma_wait3A_336 = arith.constant 0 : i32
        %dma_wait3A_337 = arith.constant 0 : i32
        %dma_wait3A_338 = tpu.memref_slice %arg4[%dma_wait3A_329, %dma_wait3A_335, %dma_wait3A_336, %dma_wait3A_337] : memref<8x3x512x512xf32, #tpu.memory_space<hbm>> -> memref<1x3x16x512xf32, #tpu.memory_space<hbm>>
        %dma_wait3A_339 = tpu.memref_squeeze %dma_wait3A_338 : memref<1x3x16x512xf32, #tpu.memory_space<hbm>> -> memref<3x16x512xf32, #tpu.memory_space<hbm>>
        %dma_wait3A_340 = arith.constant 0 : i32
        %dma_wait3A_341 = arith.constant 0 : i32
        %dma_wait3A_342 = arith.constant 0 : i32
        %dma_wait3A_343 = tpu.memref_slice %arg4[%dma_wait3A_329, %dma_wait3A_340, %dma_wait3A_341, %dma_wait3A_342] : memref<8x3x512x512xf32, #tpu.memory_space<hbm>> -> memref<1x3x16x512xf32, #tpu.memory_space<hbm>>
        %dma_wait3A_344 = tpu.memref_squeeze %dma_wait3A_343 : memref<1x3x16x512xf32, #tpu.memory_space<hbm>> -> memref<3x16x512xf32, #tpu.memory_space<hbm>>
        %dma_wait3A_345 = arith.constant 0 : i32
        %dma_wait3A_346 = arith.constant 0 : i32
        %dma_wait3A_347 = arith.constant 0 : i32
        %dma_wait3A_348 = tpu.memref_slice %arg8[%dma_wait3A_328, %dma_wait3A_345, %dma_wait3A_346, %dma_wait3A_347] : memref<2x3x16x512xf32, #tpu.memory_space<vmem>> -> memref<1x3x16x512xf32, #tpu.memory_space<vmem>>
        %dma_wait3A_349 = tpu.memref_squeeze %dma_wait3A_348 : memref<1x3x16x512xf32, #tpu.memory_space<vmem>> -> memref<3x16x512xf32, #tpu.memory_space<vmem>>
        tpu.wait_dma2 semaphore(%arg11 : memref<!tpu.dma_semaphore, #tpu.memory_space<semaphore_mem>>) src(%dma_wait3A_349 : memref<3x16x512xf32, #tpu.memory_space<vmem>>) dst(%dma_wait3A_344 : memref<3x16x512xf32, #tpu.memory_space<hbm>>)
      } else {
      }
      %parallel_loop3A = arith.constant 0 : i32
      %parallel_loop3A_175 = arith.constant 512 : i32
      %parallel_loop3A_176 = arith.constant 1 : i32
      scf.for %parallel_loop3A_328 = %parallel_loop3A to %parallel_loop3A_175 step %parallel_loop3A_176  : i32 {
        %parallel_loop3A_329 = arith.constant 32 : i32
        %parallel_loop3A_330 = arith.divsi %parallel_loop3A_328, %parallel_loop3A_329 : i32
        %parallel_loop3A_331 = arith.constant 0 : i32
        %parallel_loop3A_332 = arith.cmpi sgt, %parallel_loop3A_328, %parallel_loop3A_331 : i32
        %parallel_loop3A_333 = arith.extui %parallel_loop3A_332 : i1 to i32
        %parallel_loop3A_334 = arith.constant 0 : i32
        %parallel_loop3A_335 = arith.cmpi slt, %parallel_loop3A_328, %parallel_loop3A_334 : i32
        %parallel_loop3A_336 = arith.extui %parallel_loop3A_335 : i1 to i32
        %parallel_loop3A_337 = arith.subi %parallel_loop3A_333, %parallel_loop3A_336 : i32
        %parallel_loop3A_338 = arith.constant 0 : i32
        %parallel_loop3A_339 = arith.cmpi sgt, %parallel_loop3A_329, %parallel_loop3A_338 : i32
        %parallel_loop3A_340 = arith.extui %parallel_loop3A_339 : i1 to i32
        %parallel_loop3A_341 = arith.constant 0 : i32
        %parallel_loop3A_342 = arith.cmpi slt, %parallel_loop3A_329, %parallel_loop3A_341 : i32
        %parallel_loop3A_343 = arith.extui %parallel_loop3A_342 : i1 to i32
        %parallel_loop3A_344 = arith.subi %parallel_loop3A_340, %parallel_loop3A_343 : i32
        %parallel_loop3A_345 = arith.cmpi ne, %parallel_loop3A_337, %parallel_loop3A_344 : i32
        %parallel_loop3A_346 = arith.remsi %parallel_loop3A_328, %parallel_loop3A_329 : i32
        %parallel_loop3A_347 = arith.constant 0 : i32
        %parallel_loop3A_348 = arith.cmpi ne, %parallel_loop3A_346, %parallel_loop3A_347 : i32
        %parallel_loop3A_349 = arith.andi %parallel_loop3A_345, %parallel_loop3A_348 : i1
        %parallel_loop3A_350 = arith.constant 1 : i32
        %parallel_loop3A_351 = arith.subi %parallel_loop3A_330, %parallel_loop3A_350 : i32
        %parallel_loop3A_352 = arith.select %parallel_loop3A_349, %parallel_loop3A_351, %parallel_loop3A_330 : i32
        %parallel_loop3A_353 = arith.constant 32 : i32
        %parallel_loop3A_354 = arith.constant 0 : i32
        %parallel_loop3A_355 = arith.cmpi eq, %parallel_loop3A_353, %parallel_loop3A_354 : i32
        %parallel_loop3A_356 = arith.constant 1 : i32
        %parallel_loop3A_357 = arith.select %parallel_loop3A_355, %parallel_loop3A_356, %parallel_loop3A_353 : i32
        %parallel_loop3A_358 = arith.remsi %parallel_loop3A_328, %parallel_loop3A_357 : i32
        %parallel_loop3A_359 = arith.constant 0 : i32
        %parallel_loop3A_360 = arith.cmpi ne, %parallel_loop3A_358, %parallel_loop3A_359 : i32
        %parallel_loop3A_361 = arith.constant 0 : i32
        %parallel_loop3A_362 = arith.cmpi slt, %parallel_loop3A_358, %parallel_loop3A_361 : i32
        %parallel_loop3A_363 = arith.constant 0 : i32
        %parallel_loop3A_364 = arith.cmpi slt, %parallel_loop3A_357, %parallel_loop3A_363 : i32
        %parallel_loop3A_365 = arith.xori %parallel_loop3A_362, %parallel_loop3A_364 : i1
        %parallel_loop3A_366 = arith.andi %parallel_loop3A_365, %parallel_loop3A_360 : i1
        %parallel_loop3A_367 = arith.addi %parallel_loop3A_358, %parallel_loop3A_357 : i32
        %parallel_loop3A_368 = arith.select %parallel_loop3A_366, %parallel_loop3A_367, %parallel_loop3A_358 : i32
        %parallel_loop3A_369 = arith.constant 16 : i32
        %parallel_loop3A_370 = arith.muli %parallel_loop3A_368, %parallel_loop3A_369 : i32
        %parallel_loop3A_371 = arith.constant 0 : i32
        %parallel_loop3A_372 = arith.index_cast %parallel_loop3A_371 : i32 to index
        %parallel_loop3A_373 = arith.index_cast %parallel_loop3A_352 : i32 to index
        %parallel_loop3A_374 = arith.index_cast %parallel_loop3A_370 : i32 to index
        %parallel_loop3A_375 = tpu.vector_load %arg7[%parallel_loop3A_372, %parallel_loop3A_373, %parallel_loop3A_374] {strides = array<i32>} : memref<2x16x512xf32, #tpu.memory_space<vmem>>, vector<16xf32>,
        tpu.vector_store %arg7[%parallel_loop3A_372, %parallel_loop3A_373, %parallel_loop3A_374], %broadcast_in_dim3A_35 {strides = array<i32>} : memref<2x16x512xf32, #tpu.memory_space<vmem>>, vector<16xf32>,
        %parallel_loop3A_376 = arith.constant 0 : i32
        %parallel_loop3A_377 = arith.constant 0 : i32
        %parallel_loop3A_378 = arith.index_cast %parallel_loop3A_376 : i32 to index
        %parallel_loop3A_379 = arith.index_cast %parallel_loop3A_377 : i32 to index
        %parallel_loop3A_380 = arith.index_cast %parallel_loop3A_352 : i32 to index
        %parallel_loop3A_381 = arith.index_cast %parallel_loop3A_370 : i32 to index
        %parallel_loop3A_382 = tpu.vector_load %arg8[%parallel_loop3A_378, %parallel_loop3A_379, %parallel_loop3A_380, %parallel_loop3A_381] {strides = array<i32>} : memref<2x3x16x512xf32, #tpu.memory_space<vmem>>, vector<16xf32>,
        tpu.vector_store %arg8[%parallel_loop3A_378, %parallel_loop3A_379, %parallel_loop3A_380, %parallel_loop3A_381], %broadcast_in_dim3A_35 {strides = array<i32>} : memref<2x3x16x512xf32, #tpu.memory_space<vmem>>, vector<16xf32>,
        %parallel_loop3A_383 = arith.constant 0 : i32
        %parallel_loop3A_384 = arith.constant 1 : i32
        %parallel_loop3A_385 = arith.index_cast %parallel_loop3A_383 : i32 to index
        %parallel_loop3A_386 = arith.index_cast %parallel_loop3A_384 : i32 to index
        %parallel_loop3A_387 = arith.index_cast %parallel_loop3A_352 : i32 to index
        %parallel_loop3A_388 = arith.index_cast %parallel_loop3A_370 : i32 to index
        %parallel_loop3A_389 = tpu.vector_load %arg8[%parallel_loop3A_385, %parallel_loop3A_386, %parallel_loop3A_387, %parallel_loop3A_388] {strides = array<i32>} : memref<2x3x16x512xf32, #tpu.memory_space<vmem>>, vector<16xf32>,
        tpu.vector_store %arg8[%parallel_loop3A_385, %parallel_loop3A_386, %parallel_loop3A_387, %parallel_loop3A_388], %broadcast_in_dim3A_35 {strides = array<i32>} : memref<2x3x16x512xf32, #tpu.memory_space<vmem>>, vector<16xf32>,
        %parallel_loop3A_390 = arith.constant 0 : i32
        %parallel_loop3A_391 = arith.constant 2 : i32
        %parallel_loop3A_392 = arith.index_cast %parallel_loop3A_390 : i32 to index
        %parallel_loop3A_393 = arith.index_cast %parallel_loop3A_391 : i32 to index
        %parallel_loop3A_394 = arith.index_cast %parallel_loop3A_352 : i32 to index
        %parallel_loop3A_395 = arith.index_cast %parallel_loop3A_370 : i32 to index
        %parallel_loop3A_396 = tpu.vector_load %arg8[%parallel_loop3A_392, %parallel_loop3A_393, %parallel_loop3A_394, %parallel_loop3A_395] {strides = array<i32>} : memref<2x3x16x512xf32, #tpu.memory_space<vmem>>, vector<16xf32>,
        tpu.vector_store %arg8[%parallel_loop3A_392, %parallel_loop3A_393, %parallel_loop3A_394, %parallel_loop3A_395], %broadcast_in_dim3A_35 {strides = array<i32>} : memref<2x3x16x512xf32, #tpu.memory_space<vmem>>, vector<16xf32>,
      } {sc.loop_unroll_factor = 4 : i64, sc.parallel_access}
      %gt3A_177 = arith.constant 0 : i32
      %gt3A_178 = arith.cmpi sgt, %scan3A_130, %gt3A_177 : i32
      %convert_element_type3A_179 = arith.extui %gt3A_178 : i1 to i32
      %cond3A_180 = arith.constant 0 : i32
      %cond3A_181 = arith.cmpi ne, %convert_element_type3A_179, %cond3A_180 : i32
      scf.if %cond3A_181 {
        %dma_wait3A_328 = arith.constant 1 : i32
        %dma_wait3A_329 = arith.constant 0 : i32
        %dma_wait3A_330 = arith.constant 0 : i32
        %dma_wait3A_331 = arith.constant 0 : i32
        %dma_wait3A_332 = arith.constant 0 : i32
        %dma_wait3A_333 = tpu.memref_slice %arg8[%dma_wait3A_328, %dma_wait3A_330, %dma_wait3A_331, %dma_wait3A_332] : memref<2x3x16x512xf32, #tpu.memory_space<vmem>> -> memref<1x3x16x512xf32, #tpu.memory_space<vmem>>
        %dma_wait3A_334 = tpu.memref_squeeze %dma_wait3A_333 : memref<1x3x16x512xf32, #tpu.memory_space<vmem>> -> memref<3x16x512xf32, #tpu.memory_space<vmem>>
        %dma_wait3A_335 = arith.constant 0 : i32
        %dma_wait3A_336 = arith.constant 0 : i32
        %dma_wait3A_337 = arith.constant 0 : i32
        %dma_wait3A_338 = tpu.memref_slice %arg5[%dma_wait3A_329, %dma_wait3A_335, %dma_wait3A_336, %dma_wait3A_337] : memref<8x3x512x512xf32, #tpu.memory_space<hbm>> -> memref<1x3x16x512xf32, #tpu.memory_space<hbm>>
        %dma_wait3A_339 = tpu.memref_squeeze %dma_wait3A_338 : memref<1x3x16x512xf32, #tpu.memory_space<hbm>> -> memref<3x16x512xf32, #tpu.memory_space<hbm>>
        %dma_wait3A_340 = arith.constant 0 : i32
        %dma_wait3A_341 = arith.constant 0 : i32
        %dma_wait3A_342 = arith.constant 0 : i32
        %dma_wait3A_343 = tpu.memref_slice %arg5[%dma_wait3A_329, %dma_wait3A_340, %dma_wait3A_341, %dma_wait3A_342] : memref<8x3x512x512xf32, #tpu.memory_space<hbm>> -> memref<1x3x16x512xf32, #tpu.memory_space<hbm>>
        %dma_wait3A_344 = tpu.memref_squeeze %dma_wait3A_343 : memref<1x3x16x512xf32, #tpu.memory_space<hbm>> -> memref<3x16x512xf32, #tpu.memory_space<hbm>>
        %dma_wait3A_345 = arith.constant 0 : i32
        %dma_wait3A_346 = arith.constant 0 : i32
        %dma_wait3A_347 = arith.constant 0 : i32
        %dma_wait3A_348 = tpu.memref_slice %arg8[%dma_wait3A_328, %dma_wait3A_345, %dma_wait3A_346, %dma_wait3A_347] : memref<2x3x16x512xf32, #tpu.memory_space<vmem>> -> memref<1x3x16x512xf32, #tpu.memory_space<vmem>>
        %dma_wait3A_349 = tpu.memref_squeeze %dma_wait3A_348 : memref<1x3x16x512xf32, #tpu.memory_space<vmem>> -> memref<3x16x512xf32, #tpu.memory_space<vmem>>
        tpu.wait_dma2 semaphore(%arg12 : memref<!tpu.dma_semaphore, #tpu.memory_space<semaphore_mem>>) src(%dma_wait3A_349 : memref<3x16x512xf32, #tpu.memory_space<vmem>>) dst(%dma_wait3A_344 : memref<3x16x512xf32, #tpu.memory_space<hbm>>)
      } else {
      }
      %parallel_loop3A_182 = arith.constant 0 : i32
      %parallel_loop3A_183 = arith.constant 512 : i32
      %parallel_loop3A_184 = arith.constant 1 : i32
      scf.for %parallel_loop3A_328 = %parallel_loop3A_182 to %parallel_loop3A_183 step %parallel_loop3A_184  : i32 {
        %parallel_loop3A_329 = arith.constant 32 : i32
        %parallel_loop3A_330 = arith.divsi %parallel_loop3A_328, %parallel_loop3A_329 : i32
        %parallel_loop3A_331 = arith.constant 0 : i32
        %parallel_loop3A_332 = arith.cmpi sgt, %parallel_loop3A_328, %parallel_loop3A_331 : i32
        %parallel_loop3A_333 = arith.extui %parallel_loop3A_332 : i1 to i32
        %parallel_loop3A_334 = arith.constant 0 : i32
        %parallel_loop3A_335 = arith.cmpi slt, %parallel_loop3A_328, %parallel_loop3A_334 : i32
        %parallel_loop3A_336 = arith.extui %parallel_loop3A_335 : i1 to i32
        %parallel_loop3A_337 = arith.subi %parallel_loop3A_333, %parallel_loop3A_336 : i32
        %parallel_loop3A_338 = arith.constant 0 : i32
        %parallel_loop3A_339 = arith.cmpi sgt, %parallel_loop3A_329, %parallel_loop3A_338 : i32
        %parallel_loop3A_340 = arith.extui %parallel_loop3A_339 : i1 to i32
        %parallel_loop3A_341 = arith.constant 0 : i32
        %parallel_loop3A_342 = arith.cmpi slt, %parallel_loop3A_329, %parallel_loop3A_341 : i32
        %parallel_loop3A_343 = arith.extui %parallel_loop3A_342 : i1 to i32
        %parallel_loop3A_344 = arith.subi %parallel_loop3A_340, %parallel_loop3A_343 : i32
        %parallel_loop3A_345 = arith.cmpi ne, %parallel_loop3A_337, %parallel_loop3A_344 : i32
        %parallel_loop3A_346 = arith.remsi %parallel_loop3A_328, %parallel_loop3A_329 : i32
        %parallel_loop3A_347 = arith.constant 0 : i32
        %parallel_loop3A_348 = arith.cmpi ne, %parallel_loop3A_346, %parallel_loop3A_347 : i32
        %parallel_loop3A_349 = arith.andi %parallel_loop3A_345, %parallel_loop3A_348 : i1
        %parallel_loop3A_350 = arith.constant 1 : i32
        %parallel_loop3A_351 = arith.subi %parallel_loop3A_330, %parallel_loop3A_350 : i32
        %parallel_loop3A_352 = arith.select %parallel_loop3A_349, %parallel_loop3A_351, %parallel_loop3A_330 : i32
        %parallel_loop3A_353 = arith.constant 32 : i32
        %parallel_loop3A_354 = arith.constant 0 : i32
        %parallel_loop3A_355 = arith.cmpi eq, %parallel_loop3A_353, %parallel_loop3A_354 : i32
        %parallel_loop3A_356 = arith.constant 1 : i32
        %parallel_loop3A_357 = arith.select %parallel_loop3A_355, %parallel_loop3A_356, %parallel_loop3A_353 : i32
        %parallel_loop3A_358 = arith.remsi %parallel_loop3A_328, %parallel_loop3A_357 : i32
        %parallel_loop3A_359 = arith.constant 0 : i32
        %parallel_loop3A_360 = arith.cmpi ne, %parallel_loop3A_358, %parallel_loop3A_359 : i32
        %parallel_loop3A_361 = arith.constant 0 : i32
        %parallel_loop3A_362 = arith.cmpi slt, %parallel_loop3A_358, %parallel_loop3A_361 : i32
        %parallel_loop3A_363 = arith.constant 0 : i32
        %parallel_loop3A_364 = arith.cmpi slt, %parallel_loop3A_357, %parallel_loop3A_363 : i32
        %parallel_loop3A_365 = arith.xori %parallel_loop3A_362, %parallel_loop3A_364 : i1
        %parallel_loop3A_366 = arith.andi %parallel_loop3A_365, %parallel_loop3A_360 : i1
        %parallel_loop3A_367 = arith.addi %parallel_loop3A_358, %parallel_loop3A_357 : i32
        %parallel_loop3A_368 = arith.select %parallel_loop3A_366, %parallel_loop3A_367, %parallel_loop3A_358 : i32
        %parallel_loop3A_369 = arith.constant 16 : i32
        %parallel_loop3A_370 = arith.muli %parallel_loop3A_368, %parallel_loop3A_369 : i32
        %parallel_loop3A_371 = arith.constant 1 : i32
        %parallel_loop3A_372 = arith.index_cast %parallel_loop3A_371 : i32 to index
        %parallel_loop3A_373 = arith.index_cast %parallel_loop3A_352 : i32 to index
        %parallel_loop3A_374 = arith.index_cast %parallel_loop3A_370 : i32 to index
        %parallel_loop3A_375 = tpu.vector_load %arg7[%parallel_loop3A_372, %parallel_loop3A_373, %parallel_loop3A_374] {strides = array<i32>} : memref<2x16x512xf32, #tpu.memory_space<vmem>>, vector<16xf32>,
        tpu.vector_store %arg7[%parallel_loop3A_372, %parallel_loop3A_373, %parallel_loop3A_374], %broadcast_in_dim3A_35 {strides = array<i32>} : memref<2x16x512xf32, #tpu.memory_space<vmem>>, vector<16xf32>,
        %parallel_loop3A_376 = arith.constant 1 : i32
        %parallel_loop3A_377 = arith.constant 0 : i32
        %parallel_loop3A_378 = arith.index_cast %parallel_loop3A_376 : i32 to index
        %parallel_loop3A_379 = arith.index_cast %parallel_loop3A_377 : i32 to index
        %parallel_loop3A_380 = arith.index_cast %parallel_loop3A_352 : i32 to index
        %parallel_loop3A_381 = arith.index_cast %parallel_loop3A_370 : i32 to index
        %parallel_loop3A_382 = tpu.vector_load %arg8[%parallel_loop3A_378, %parallel_loop3A_379, %parallel_loop3A_380, %parallel_loop3A_381] {strides = array<i32>} : memref<2x3x16x512xf32, #tpu.memory_space<vmem>>, vector<16xf32>,
        tpu.vector_store %arg8[%parallel_loop3A_378, %parallel_loop3A_379, %parallel_loop3A_380, %parallel_loop3A_381], %broadcast_in_dim3A_35 {strides = array<i32>} : memref<2x3x16x512xf32, #tpu.memory_space<vmem>>, vector<16xf32>,
        %parallel_loop3A_383 = arith.constant 1 : i32
        %parallel_loop3A_384 = arith.constant 1 : i32
        %parallel_loop3A_385 = arith.index_cast %parallel_loop3A_383 : i32 to index
        %parallel_loop3A_386 = arith.index_cast %parallel_loop3A_384 : i32 to index
        %parallel_loop3A_387 = arith.index_cast %parallel_loop3A_352 : i32 to index
        %parallel_loop3A_388 = arith.index_cast %parallel_loop3A_370 : i32 to index
        %parallel_loop3A_389 = tpu.vector_load %arg8[%parallel_loop3A_385, %parallel_loop3A_386, %parallel_loop3A_387, %parallel_loop3A_388] {strides = array<i32>} : memref<2x3x16x512xf32, #tpu.memory_space<vmem>>, vector<16xf32>,
        tpu.vector_store %arg8[%parallel_loop3A_385, %parallel_loop3A_386, %parallel_loop3A_387, %parallel_loop3A_388], %broadcast_in_dim3A_35 {strides = array<i32>} : memref<2x3x16x512xf32, #tpu.memory_space<vmem>>, vector<16xf32>,
        %parallel_loop3A_390 = arith.constant 1 : i32
        %parallel_loop3A_391 = arith.constant 2 : i32
        %parallel_loop3A_392 = arith.index_cast %parallel_loop3A_390 : i32 to index
        %parallel_loop3A_393 = arith.index_cast %parallel_loop3A_391 : i32 to index
        %parallel_loop3A_394 = arith.index_cast %parallel_loop3A_352 : i32 to index
        %parallel_loop3A_395 = arith.index_cast %parallel_loop3A_370 : i32 to index
        %parallel_loop3A_396 = tpu.vector_load %arg8[%parallel_loop3A_392, %parallel_loop3A_393, %parallel_loop3A_394, %parallel_loop3A_395] {strides = array<i32>} : memref<2x3x16x512xf32, #tpu.memory_space<vmem>>, vector<16xf32>,
        tpu.vector_store %arg8[%parallel_loop3A_392, %parallel_loop3A_393, %parallel_loop3A_394, %parallel_loop3A_395], %broadcast_in_dim3A_35 {strides = array<i32>} : memref<2x3x16x512xf32, #tpu.memory_space<vmem>>, vector<16xf32>,
      } {sc.loop_unroll_factor = 4 : i64, sc.parallel_access}
      %dma_wait3A_185 = arith.constant 0 : i32
      %dma_wait3A_186 = arith.constant 0 : i32
      %dma_wait3A_187 = arith.constant 0 : i32
      %dma_wait3A_188 = arith.constant 0 : i32
      %dma_wait3A_189 = arith.constant 0 : i32
      %dma_wait3A_190 = tpu.memref_slice %arg6[%dma_wait3A_186, %dma_wait3A_187, %dma_wait3A_188, %dma_wait3A_189] : memref<2x4x8x512xf32, #tpu.memory_space<vmem>> -> memref<1x3x8x512xf32, #tpu.memory_space<vmem>>
      %dma_wait3A_191 = tpu.memref_squeeze %dma_wait3A_190 : memref<1x3x8x512xf32, #tpu.memory_space<vmem>> -> memref<3x8x512xf32, #tpu.memory_space<vmem>>
      %dma_wait3A_192 = arith.constant 0 : i32
      %dma_wait3A_193 = arith.constant 0 : i32
      %dma_wait3A_194 = arith.constant 0 : i32
      %dma_wait3A_195 = tpu.memref_slice %arg2[%dma_wait3A_185, %dma_wait3A_192, %dma_wait3A_193, %dma_wait3A_194] : memref<8x3x512x512xf32, #tpu.memory_space<hbm>> -> memref<1x3x8x512xf32, #tpu.memory_space<hbm>>
      %dma_wait3A_196 = tpu.memref_squeeze %dma_wait3A_195 : memref<1x3x8x512xf32, #tpu.memory_space<hbm>> -> memref<3x8x512xf32, #tpu.memory_space<hbm>>
      %dma_wait3A_197 = arith.constant 0 : i32
      %dma_wait3A_198 = arith.constant 0 : i32
      %dma_wait3A_199 = arith.constant 0 : i32
      %dma_wait3A_200 = tpu.memref_slice %arg6[%dma_wait3A_186, %dma_wait3A_197, %dma_wait3A_198, %dma_wait3A_199] : memref<2x4x8x512xf32, #tpu.memory_space<vmem>> -> memref<1x3x8x512xf32, #tpu.memory_space<vmem>>
      %dma_wait3A_201 = tpu.memref_squeeze %dma_wait3A_200 : memref<1x3x8x512xf32, #tpu.memory_space<vmem>> -> memref<3x8x512xf32, #tpu.memory_space<vmem>>
      %dma_wait3A_202 = arith.constant 0 : i32
      %dma_wait3A_203 = arith.constant 0 : i32
      %dma_wait3A_204 = arith.constant 0 : i32
      %dma_wait3A_205 = tpu.memref_slice %arg2[%dma_wait3A_185, %dma_wait3A_202, %dma_wait3A_203, %dma_wait3A_204] : memref<8x3x512x512xf32, #tpu.memory_space<hbm>> -> memref<1x3x8x512xf32, #tpu.memory_space<hbm>>
      %dma_wait3A_206 = tpu.memref_squeeze %dma_wait3A_205 : memref<1x3x8x512xf32, #tpu.memory_space<hbm>> -> memref<3x8x512xf32, #tpu.memory_space<hbm>>
      tpu.wait_dma2 semaphore(%arg9 : memref<!tpu.dma_semaphore, #tpu.memory_space<semaphore_mem>>) src(%dma_wait3A_206 : memref<3x8x512xf32, #tpu.memory_space<hbm>>) dst(%dma_wait3A_201 : memref<3x8x512xf32, #tpu.memory_space<vmem>>)
      %dma_wait3A_207 = arith.constant 0 : i32
      %dma_wait3A_208 = arith.constant 0 : i32
      %dma_wait3A_209 = arith.constant 3 : i32
      %dma_wait3A_210 = arith.constant 0 : i32
      %dma_wait3A_211 = arith.constant 0 : i32
      %dma_wait3A_212 = tpu.memref_slice %arg6[%dma_wait3A_208, %dma_wait3A_209, %dma_wait3A_210, %dma_wait3A_211] : memref<2x4x8x512xf32, #tpu.memory_space<vmem>> -> memref<1x1x8x512xf32, #tpu.memory_space<vmem>>
      %dma_wait3A_213 = tpu.memref_squeeze %dma_wait3A_212 : memref<1x1x8x512xf32, #tpu.memory_space<vmem>> -> memref<8x512xf32, #tpu.memory_space<vmem>>
      %dma_wait3A_214 = arith.constant 0 : i32
      %dma_wait3A_215 = arith.constant 0 : i32
      %dma_wait3A_216 = tpu.memref_slice %arg3[%dma_wait3A_207, %dma_wait3A_214, %dma_wait3A_215] : memref<8x512x512xf32, #tpu.memory_space<hbm>> -> memref<1x8x512xf32, #tpu.memory_space<hbm>>
      %dma_wait3A_217 = tpu.memref_squeeze %dma_wait3A_216 : memref<1x8x512xf32, #tpu.memory_space<hbm>> -> memref<8x512xf32, #tpu.memory_space<hbm>>
      %dma_wait3A_218 = arith.constant 0 : i32
      %dma_wait3A_219 = arith.constant 0 : i32
      %dma_wait3A_220 = tpu.memref_slice %arg6[%dma_wait3A_208, %dma_wait3A_209, %dma_wait3A_218, %dma_wait3A_219] : memref<2x4x8x512xf32, #tpu.memory_space<vmem>> -> memref<1x1x8x512xf32, #tpu.memory_space<vmem>>
      %dma_wait3A_221 = tpu.memref_squeeze %dma_wait3A_220 : memref<1x1x8x512xf32, #tpu.memory_space<vmem>> -> memref<8x512xf32, #tpu.memory_space<vmem>>
      %dma_wait3A_222 = arith.constant 0 : i32
      %dma_wait3A_223 = arith.constant 0 : i32
      %dma_wait3A_224 = tpu.memref_slice %arg3[%dma_wait3A_207, %dma_wait3A_222, %dma_wait3A_223] : memref<8x512x512xf32, #tpu.memory_space<hbm>> -> memref<1x8x512xf32, #tpu.memory_space<hbm>>
      %dma_wait3A_225 = tpu.memref_squeeze %dma_wait3A_224 : memref<1x8x512xf32, #tpu.memory_space<hbm>> -> memref<8x512xf32, #tpu.memory_space<hbm>>
      tpu.wait_dma2 semaphore(%arg9 : memref<!tpu.dma_semaphore, #tpu.memory_space<semaphore_mem>>) src(%dma_wait3A_225 : memref<8x512xf32, #tpu.memory_space<hbm>>) dst(%dma_wait3A_221 : memref<8x512xf32, #tpu.memory_space<vmem>>)
      %parallel_loop3A_226 = arith.constant 0 : i32
      %parallel_loop3A_227 = arith.constant 256 : i32
      %parallel_loop3A_228 = arith.constant 1 : i32
      scf.for %parallel_loop3A_328 = %parallel_loop3A_226 to %parallel_loop3A_227 step %parallel_loop3A_228  : i32 {
        %parallel_loop3A_329 = arith.constant 32 : i32
        %parallel_loop3A_330 = arith.divsi %parallel_loop3A_328, %parallel_loop3A_329 : i32
        %parallel_loop3A_331 = arith.constant 0 : i32
        %parallel_loop3A_332 = arith.cmpi sgt, %parallel_loop3A_328, %parallel_loop3A_331 : i32
        %parallel_loop3A_333 = arith.extui %parallel_loop3A_332 : i1 to i32
        %parallel_loop3A_334 = arith.constant 0 : i32
        %parallel_loop3A_335 = arith.cmpi slt, %parallel_loop3A_328, %parallel_loop3A_334 : i32
        %parallel_loop3A_336 = arith.extui %parallel_loop3A_335 : i1 to i32
        %parallel_loop3A_337 = arith.subi %parallel_loop3A_333, %parallel_loop3A_336 : i32
        %parallel_loop3A_338 = arith.constant 0 : i32
        %parallel_loop3A_339 = arith.cmpi sgt, %parallel_loop3A_329, %parallel_loop3A_338 : i32
        %parallel_loop3A_340 = arith.extui %parallel_loop3A_339 : i1 to i32
        %parallel_loop3A_341 = arith.constant 0 : i32
        %parallel_loop3A_342 = arith.cmpi slt, %parallel_loop3A_329, %parallel_loop3A_341 : i32
        %parallel_loop3A_343 = arith.extui %parallel_loop3A_342 : i1 to i32
        %parallel_loop3A_344 = arith.subi %parallel_loop3A_340, %parallel_loop3A_343 : i32
        %parallel_loop3A_345 = arith.cmpi ne, %parallel_loop3A_337, %parallel_loop3A_344 : i32
        %parallel_loop3A_346 = arith.remsi %parallel_loop3A_328, %parallel_loop3A_329 : i32
        %parallel_loop3A_347 = arith.constant 0 : i32
        %parallel_loop3A_348 = arith.cmpi ne, %parallel_loop3A_346, %parallel_loop3A_347 : i32
        %parallel_loop3A_349 = arith.andi %parallel_loop3A_345, %parallel_loop3A_348 : i1
        %parallel_loop3A_350 = arith.constant 1 : i32
        %parallel_loop3A_351 = arith.subi %parallel_loop3A_330, %parallel_loop3A_350 : i32
        %parallel_loop3A_352 = arith.select %parallel_loop3A_349, %parallel_loop3A_351, %parallel_loop3A_330 : i32
        %parallel_loop3A_353 = arith.constant 32 : i32
        %parallel_loop3A_354 = arith.constant 0 : i32
        %parallel_loop3A_355 = arith.cmpi eq, %parallel_loop3A_353, %parallel_loop3A_354 : i32
        %parallel_loop3A_356 = arith.constant 1 : i32
        %parallel_loop3A_357 = arith.select %parallel_loop3A_355, %parallel_loop3A_356, %parallel_loop3A_353 : i32
        %parallel_loop3A_358 = arith.remsi %parallel_loop3A_328, %parallel_loop3A_357 : i32
        %parallel_loop3A_359 = arith.constant 0 : i32
        %parallel_loop3A_360 = arith.cmpi ne, %parallel_loop3A_358, %parallel_loop3A_359 : i32
        %parallel_loop3A_361 = arith.constant 0 : i32
        %parallel_loop3A_362 = arith.cmpi slt, %parallel_loop3A_358, %parallel_loop3A_361 : i32
        %parallel_loop3A_363 = arith.constant 0 : i32
        %parallel_loop3A_364 = arith.cmpi slt, %parallel_loop3A_357, %parallel_loop3A_363 : i32
        %parallel_loop3A_365 = arith.xori %parallel_loop3A_362, %parallel_loop3A_364 : i1
        %parallel_loop3A_366 = arith.andi %parallel_loop3A_365, %parallel_loop3A_360 : i1
        %parallel_loop3A_367 = arith.addi %parallel_loop3A_358, %parallel_loop3A_357 : i32
        %parallel_loop3A_368 = arith.select %parallel_loop3A_366, %parallel_loop3A_367, %parallel_loop3A_358 : i32
        %parallel_loop3A_369 = arith.constant 16 : i32
        %parallel_loop3A_370 = arith.muli %parallel_loop3A_368, %parallel_loop3A_369 : i32
        %parallel_loop3A_371 = arith.constant 0 : i32
        %parallel_loop3A_372 = arith.constant 3 : i32
        %parallel_loop3A_373 = arith.index_cast %parallel_loop3A_371 : i32 to index
        %parallel_loop3A_374 = arith.index_cast %parallel_loop3A_372 : i32 to index
        %parallel_loop3A_375 = arith.index_cast %parallel_loop3A_352 : i32 to index
        %parallel_loop3A_376 = arith.index_cast %parallel_loop3A_370 : i32 to index
        %parallel_loop3A_377 = tpu.vector_load %arg6[%parallel_loop3A_373, %parallel_loop3A_374, %parallel_loop3A_375, %parallel_loop3A_376] {strides = array<i32>} : memref<2x4x8x512xf32, #tpu.memory_space<vmem>>, vector<16xf32>,
        %parallel_loop3A_378 = arith.constant 3.200000e+01 : f32
        %parallel_loop3A_379 = vector.broadcast %parallel_loop3A_378 : f32 to vector<16xf32>
        %parallel_loop3A_380 = arith.mulf %parallel_loop3A_377, %parallel_loop3A_379 : vector<16xf32>
        %parallel_loop3A_381 = arith.constant 0x4B000000 : f32
        %parallel_loop3A_382 = vector.broadcast %parallel_loop3A_381 : f32 to vector<16xf32>
        %parallel_loop3A_383 = arith.addf %parallel_loop3A_380, %parallel_loop3A_382 : vector<16xf32>
        %parallel_loop3A_384 = arith.constant 0x4B000000 : f32
        %parallel_loop3A_385 = vector.broadcast %parallel_loop3A_384 : f32 to vector<16xf32>
        %parallel_loop3A_386 = arith.subf %parallel_loop3A_383, %parallel_loop3A_385 : vector<16xf32>
        %parallel_loop3A_387 = arith.fptosi %parallel_loop3A_386 : vector<16xf32> to vector<16xi32>
        %parallel_loop3A_388 = vector.broadcast %parallel_loop3A_370 : i32 to vector<16xi32>
        %parallel_loop3A_389 = arith.addi %iota3A, %parallel_loop3A_388 : vector<16xi32>
        %parallel_loop3A_390 = arith.constant 0 : i32
        %parallel_loop3A_391 = arith.addi %parallel_loop3A_352, %parallel_loop3A_390 : i32
        %parallel_loop3A_392 = vector.broadcast %parallel_loop3A_391 : i32 to vector<16xi32>
        %parallel_loop3A_393 = arith.constant 0 : i32
        %parallel_loop3A_394 = arith.constant 0 : i32
        %parallel_loop3A_395 = arith.index_cast %parallel_loop3A_393 : i32 to index
        %parallel_loop3A_396 = arith.index_cast %parallel_loop3A_394 : i32 to index
        %parallel_loop3A_397 = arith.index_cast %parallel_loop3A_352 : i32 to index
        %parallel_loop3A_398 = arith.index_cast %parallel_loop3A_370 : i32 to index
        %parallel_loop3A_399 = tpu.vector_load %arg6[%parallel_loop3A_395, %parallel_loop3A_396, %parallel_loop3A_397, %parallel_loop3A_398] {strides = array<i32>} : memref<2x4x8x512xf32, #tpu.memory_space<vmem>>, vector<16xf32>,
        %parallel_loop3A_400 = arith.constant 0 : i32
        %parallel_loop3A_401 = arith.constant 1 : i32
        %parallel_loop3A_402 = arith.index_cast %parallel_loop3A_400 : i32 to index
        %parallel_loop3A_403 = arith.index_cast %parallel_loop3A_401 : i32 to index
        %parallel_loop3A_404 = arith.index_cast %parallel_loop3A_352 : i32 to index
        %parallel_loop3A_405 = arith.index_cast %parallel_loop3A_370 : i32 to index
        %parallel_loop3A_406 = tpu.vector_load %arg6[%parallel_loop3A_402, %parallel_loop3A_403, %parallel_loop3A_404, %parallel_loop3A_405] {strides = array<i32>} : memref<2x4x8x512xf32, #tpu.memory_space<vmem>>, vector<16xf32>,
        %parallel_loop3A_407 = arith.constant 0 : i32
        %parallel_loop3A_408 = arith.constant 2 : i32
        %parallel_loop3A_409 = arith.index_cast %parallel_loop3A_407 : i32 to index
        %parallel_loop3A_410 = arith.index_cast %parallel_loop3A_408 : i32 to index
        %parallel_loop3A_411 = arith.index_cast %parallel_loop3A_352 : i32 to index
        %parallel_loop3A_412 = arith.index_cast %parallel_loop3A_370 : i32 to index
        %parallel_loop3A_413 = tpu.vector_load %arg6[%parallel_loop3A_409, %parallel_loop3A_410, %parallel_loop3A_411, %parallel_loop3A_412] {strides = array<i32>} : memref<2x4x8x512xf32, #tpu.memory_space<vmem>>, vector<16xf32>,
        %parallel_loop3A_414 = arith.subi %parallel_loop3A_389, %parallel_loop3A_387 : vector<16xi32>
        %parallel_loop3A_415 = arith.constant 0 : i32
        %parallel_loop3A_416 = vector.broadcast %parallel_loop3A_415 : i32 to vector<16xi32>
        %parallel_loop3A_417 = arith.cmpi sge, %parallel_loop3A_414, %parallel_loop3A_416 : vector<16xi32>
        %parallel_loop3A_418 = arith.constant 512 : i32
        %parallel_loop3A_419 = vector.broadcast %parallel_loop3A_418 : i32 to vector<16xi32>
        %parallel_loop3A_420 = arith.cmpi slt, %parallel_loop3A_414, %parallel_loop3A_419 : vector<16xi32>
        %parallel_loop3A_421 = arith.andi %parallel_loop3A_417, %parallel_loop3A_420 : vector<16xi1>
        %parallel_loop3A_422 = arith.constant 0 : i32
        %parallel_loop3A_423 = arith.constant 511 : i32
        %parallel_loop3A_424 = vector.broadcast %parallel_loop3A_422 : i32 to vector<16xi32>
        %parallel_loop3A_425 = arith.maxsi %parallel_loop3A_424, %parallel_loop3A_414 : vector<16xi32>
        %parallel_loop3A_426 = vector.broadcast %parallel_loop3A_423 : i32 to vector<16xi32>
        %parallel_loop3A_427 = arith.minsi %parallel_loop3A_426, %parallel_loop3A_425 : vector<16xi32>
        tpu.vector_store_idx %arg7[%broadcast_in_dim3A_37, %parallel_loop3A_392, %parallel_loop3A_427], %broadcast_in_dim3A_33 masked %parallel_loop3A_421 {add = true} : memref<2x16x512xf32, #tpu.memory_space<vmem>>[vector<16xi32>, vector<16xi32>, vector<16xi32>], vector<16xf32>, vector<16xi1>
        tpu.vector_store_idx %arg8[%broadcast_in_dim3A_37, %broadcast_in_dim3A_41, %parallel_loop3A_392, %parallel_loop3A_427], %parallel_loop3A_399 masked %parallel_loop3A_421 {add = true} : memref<2x3x16x512xf32, #tpu.memory_space<vmem>>[vector<16xi32>, vector<16xi32>, vector<16xi32>, vector<16xi32>], vector<16xf32>, vector<16xi1>
        tpu.vector_store_idx %arg8[%broadcast_in_dim3A_37, %broadcast_in_dim3A_43, %parallel_loop3A_392, %parallel_loop3A_427], %parallel_loop3A_406 masked %parallel_loop3A_421 {add = true} : memref<2x3x16x512xf32, #tpu.memory_space<vmem>>[vector<16xi32>, vector<16xi32>, vector<16xi32>, vector<16xi32>], vector<16xf32>, vector<16xi1>
        tpu.vector_store_idx %arg8[%broadcast_in_dim3A_37, %broadcast_in_dim3A_45, %parallel_loop3A_392, %parallel_loop3A_427], %parallel_loop3A_413 masked %parallel_loop3A_421 {add = true} : memref<2x3x16x512xf32, #tpu.memory_space<vmem>>[vector<16xi32>, vector<16xi32>, vector<16xi32>, vector<16xi32>], vector<16xf32>, vector<16xi1>
        %parallel_loop3A_428 = arith.addi %parallel_loop3A_389, %parallel_loop3A_387 : vector<16xi32>
        %parallel_loop3A_429 = arith.constant 0 : i32
        %parallel_loop3A_430 = vector.broadcast %parallel_loop3A_429 : i32 to vector<16xi32>
        %parallel_loop3A_431 = arith.cmpi sge, %parallel_loop3A_428, %parallel_loop3A_430 : vector<16xi32>
        %parallel_loop3A_432 = arith.constant 512 : i32
        %parallel_loop3A_433 = vector.broadcast %parallel_loop3A_432 : i32 to vector<16xi32>
        %parallel_loop3A_434 = arith.cmpi slt, %parallel_loop3A_428, %parallel_loop3A_433 : vector<16xi32>
        %parallel_loop3A_435 = arith.andi %parallel_loop3A_431, %parallel_loop3A_434 : vector<16xi1>
        %parallel_loop3A_436 = arith.constant 0 : i32
        %parallel_loop3A_437 = arith.constant 511 : i32
        %parallel_loop3A_438 = vector.broadcast %parallel_loop3A_436 : i32 to vector<16xi32>
        %parallel_loop3A_439 = arith.maxsi %parallel_loop3A_438, %parallel_loop3A_428 : vector<16xi32>
        %parallel_loop3A_440 = vector.broadcast %parallel_loop3A_437 : i32 to vector<16xi32>
        %parallel_loop3A_441 = arith.minsi %parallel_loop3A_440, %parallel_loop3A_439 : vector<16xi32>
        tpu.vector_store_idx %arg7[%broadcast_in_dim3A_39, %parallel_loop3A_392, %parallel_loop3A_441], %broadcast_in_dim3A_33 masked %parallel_loop3A_435 {add = true} : memref<2x16x512xf32, #tpu.memory_space<vmem>>[vector<16xi32>, vector<16xi32>, vector<16xi32>], vector<16xf32>, vector<16xi1>
        tpu.vector_store_idx %arg8[%broadcast_in_dim3A_39, %broadcast_in_dim3A_41, %parallel_loop3A_392, %parallel_loop3A_441], %parallel_loop3A_399 masked %parallel_loop3A_435 {add = true} : memref<2x3x16x512xf32, #tpu.memory_space<vmem>>[vector<16xi32>, vector<16xi32>, vector<16xi32>, vector<16xi32>], vector<16xf32>, vector<16xi1>
        tpu.vector_store_idx %arg8[%broadcast_in_dim3A_39, %broadcast_in_dim3A_43, %parallel_loop3A_392, %parallel_loop3A_441], %parallel_loop3A_406 masked %parallel_loop3A_435 {add = true} : memref<2x3x16x512xf32, #tpu.memory_space<vmem>>[vector<16xi32>, vector<16xi32>, vector<16xi32>, vector<16xi32>], vector<16xf32>, vector<16xi1>
        tpu.vector_store_idx %arg8[%broadcast_in_dim3A_39, %broadcast_in_dim3A_45, %parallel_loop3A_392, %parallel_loop3A_441], %parallel_loop3A_413 masked %parallel_loop3A_435 {add = true} : memref<2x3x16x512xf32, #tpu.memory_space<vmem>>[vector<16xi32>, vector<16xi32>, vector<16xi32>, vector<16xi32>], vector<16xf32>, vector<16xi1>
      } {sc.loop_unroll_factor = 2 : i64, sc.parallel_access}
      %lt3A_229 = arith.constant 7 : i32
      %lt3A_230 = arith.cmpi slt, %scan3A_130, %lt3A_229 : i32
      %convert_element_type3A_231 = arith.extui %lt3A_230 : i1 to i32
      %cond3A_232 = arith.constant 0 : i32
      %cond3A_233 = arith.cmpi ne, %convert_element_type3A_231, %cond3A_232 : i32
      scf.if %cond3A_233 {
        %mul3A_328 = arith.constant 2 : i32
        %mul3A_329 = arith.muli %mul3A_328, %scan3A_130 : i32
        %add3A_330 = arith.constant 2 : i32
        %add3A_331 = arith.addi %mul3A_329, %add3A_330 : i32
        %mul3A_332 = arith.constant 8 : i32
        %mul3A_333 = arith.muli %add3A_331, %mul3A_332 : i32
        %add3A_334 = arith.addi %mul3A_32, %mul3A_333 : i32
        %dma_start3A_335 = arith.constant 0 : i32
        %dma_start3A_336 = arith.constant 0 : i32
        %dma_start3A_337 = arith.constant 0 : i32
        %dma_start3A_338 = arith.constant 0 : i32
        %dma_start3A_339 = tpu.memref_slice %arg6[%dma_start3A_335, %dma_start3A_336, %dma_start3A_337, %dma_start3A_338] : memref<2x4x8x512xf32, #tpu.memory_space<vmem>> -> memref<1x3x8x512xf32, #tpu.memory_space<vmem>>
        %dma_start3A_340 = tpu.memref_squeeze %dma_start3A_339 : memref<1x3x8x512xf32, #tpu.memory_space<vmem>> -> memref<3x8x512xf32, #tpu.memory_space<vmem>>
        %dma_start3A_341 = arith.constant 0 : i32
        %dma_start3A_342 = arith.constant 0 : i32
        %dma_start3A_343 = tpu.memref_slice %arg2[%select_n3A, %dma_start3A_341, %add3A_334, %dma_start3A_342] : memref<8x3x512x512xf32, #tpu.memory_space<hbm>> -> memref<1x3x8x512xf32, #tpu.memory_space<hbm>>
        %dma_start3A_344 = tpu.memref_squeeze %dma_start3A_343 : memref<1x3x8x512xf32, #tpu.memory_space<hbm>> -> memref<3x8x512xf32, #tpu.memory_space<hbm>>
        %dma_start3A_345 = arith.constant 0 : i32
        %dma_start3A_346 = arith.constant 0 : i32
        %dma_start3A_347 = arith.constant 0 : i32
        %dma_start3A_348 = tpu.memref_slice %arg6[%dma_start3A_335, %dma_start3A_345, %dma_start3A_346, %dma_start3A_347] : memref<2x4x8x512xf32, #tpu.memory_space<vmem>> -> memref<1x3x8x512xf32, #tpu.memory_space<vmem>>
        %dma_start3A_349 = tpu.memref_squeeze %dma_start3A_348 : memref<1x3x8x512xf32, #tpu.memory_space<vmem>> -> memref<3x8x512xf32, #tpu.memory_space<vmem>>
        %dma_start3A_350 = arith.constant 0 : i32
        %dma_start3A_351 = arith.constant 0 : i32
        %dma_start3A_352 = tpu.memref_slice %arg2[%select_n3A, %dma_start3A_350, %add3A_334, %dma_start3A_351] : memref<8x3x512x512xf32, #tpu.memory_space<hbm>> -> memref<1x3x8x512xf32, #tpu.memory_space<hbm>>
        %dma_start3A_353 = tpu.memref_squeeze %dma_start3A_352 : memref<1x3x8x512xf32, #tpu.memory_space<hbm>> -> memref<3x8x512xf32, #tpu.memory_space<hbm>>
        tpu.enqueue_dma source(%dma_start3A_353 : memref<3x8x512xf32, #tpu.memory_space<hbm>>) target(%dma_start3A_349 : memref<3x8x512xf32, #tpu.memory_space<vmem>>) target_semaphore(%arg9 : memref<!tpu.dma_semaphore, #tpu.memory_space<semaphore_mem>>)
        %dma_start3A_354 = arith.constant 0 : i32
        %dma_start3A_355 = arith.constant 3 : i32
        %dma_start3A_356 = arith.constant 0 : i32
        %dma_start3A_357 = arith.constant 0 : i32
        %dma_start3A_358 = tpu.memref_slice %arg6[%dma_start3A_354, %dma_start3A_355, %dma_start3A_356, %dma_start3A_357] : memref<2x4x8x512xf32, #tpu.memory_space<vmem>> -> memref<1x1x8x512xf32, #tpu.memory_space<vmem>>
        %dma_start3A_359 = tpu.memref_squeeze %dma_start3A_358 : memref<1x1x8x512xf32, #tpu.memory_space<vmem>> -> memref<8x512xf32, #tpu.memory_space<vmem>>
        %dma_start3A_360 = arith.constant 0 : i32
        %dma_start3A_361 = tpu.memref_slice %arg3[%select_n3A, %add3A_334, %dma_start3A_360] : memref<8x512x512xf32, #tpu.memory_space<hbm>> -> memref<1x8x512xf32, #tpu.memory_space<hbm>>
        %dma_start3A_362 = tpu.memref_squeeze %dma_start3A_361 : memref<1x8x512xf32, #tpu.memory_space<hbm>> -> memref<8x512xf32, #tpu.memory_space<hbm>>
        %dma_start3A_363 = arith.constant 0 : i32
        %dma_start3A_364 = arith.constant 0 : i32
        %dma_start3A_365 = tpu.memref_slice %arg6[%dma_start3A_354, %dma_start3A_355, %dma_start3A_363, %dma_start3A_364] : memref<2x4x8x512xf32, #tpu.memory_space<vmem>> -> memref<1x1x8x512xf32, #tpu.memory_space<vmem>>
        %dma_start3A_366 = tpu.memref_squeeze %dma_start3A_365 : memref<1x1x8x512xf32, #tpu.memory_space<vmem>> -> memref<8x512xf32, #tpu.memory_space<vmem>>
        %dma_start3A_367 = arith.constant 0 : i32
        %dma_start3A_368 = tpu.memref_slice %arg3[%select_n3A, %add3A_334, %dma_start3A_367] : memref<8x512x512xf32, #tpu.memory_space<hbm>> -> memref<1x8x512xf32, #tpu.memory_space<hbm>>
        %dma_start3A_369 = tpu.memref_squeeze %dma_start3A_368 : memref<1x8x512xf32, #tpu.memory_space<hbm>> -> memref<8x512xf32, #tpu.memory_space<hbm>>
        tpu.enqueue_dma source(%dma_start3A_369 : memref<8x512xf32, #tpu.memory_space<hbm>>) target(%dma_start3A_366 : memref<8x512xf32, #tpu.memory_space<vmem>>) target_semaphore(%arg9 : memref<!tpu.dma_semaphore, #tpu.memory_space<semaphore_mem>>)
      } else {
      }
      %dma_wait3A_234 = arith.constant 0 : i32
      %dma_wait3A_235 = arith.constant 1 : i32
      %dma_wait3A_236 = arith.constant 0 : i32
      %dma_wait3A_237 = arith.constant 0 : i32
      %dma_wait3A_238 = arith.constant 0 : i32
      %dma_wait3A_239 = tpu.memref_slice %arg6[%dma_wait3A_235, %dma_wait3A_236, %dma_wait3A_237, %dma_wait3A_238] : memref<2x4x8x512xf32, #tpu.memory_space<vmem>> -> memref<1x3x8x512xf32, #tpu.memory_space<vmem>>
      %dma_wait3A_240 = tpu.memref_squeeze %dma_wait3A_239 : memref<1x3x8x512xf32, #tpu.memory_space<vmem>> -> memref<3x8x512xf32, #tpu.memory_space<vmem>>
      %dma_wait3A_241 = arith.constant 0 : i32
      %dma_wait3A_242 = arith.constant 0 : i32
      %dma_wait3A_243 = arith.constant 0 : i32
      %dma_wait3A_244 = tpu.memref_slice %arg2[%dma_wait3A_234, %dma_wait3A_241, %dma_wait3A_242, %dma_wait3A_243] : memref<8x3x512x512xf32, #tpu.memory_space<hbm>> -> memref<1x3x8x512xf32, #tpu.memory_space<hbm>>
      %dma_wait3A_245 = tpu.memref_squeeze %dma_wait3A_244 : memref<1x3x8x512xf32, #tpu.memory_space<hbm>> -> memref<3x8x512xf32, #tpu.memory_space<hbm>>
      %dma_wait3A_246 = arith.constant 0 : i32
      %dma_wait3A_247 = arith.constant 0 : i32
      %dma_wait3A_248 = arith.constant 0 : i32
      %dma_wait3A_249 = tpu.memref_slice %arg6[%dma_wait3A_235, %dma_wait3A_246, %dma_wait3A_247, %dma_wait3A_248] : memref<2x4x8x512xf32, #tpu.memory_space<vmem>> -> memref<1x3x8x512xf32, #tpu.memory_space<vmem>>
      %dma_wait3A_250 = tpu.memref_squeeze %dma_wait3A_249 : memref<1x3x8x512xf32, #tpu.memory_space<vmem>> -> memref<3x8x512xf32, #tpu.memory_space<vmem>>
      %dma_wait3A_251 = arith.constant 0 : i32
      %dma_wait3A_252 = arith.constant 0 : i32
      %dma_wait3A_253 = arith.constant 0 : i32
      %dma_wait3A_254 = tpu.memref_slice %arg2[%dma_wait3A_234, %dma_wait3A_251, %dma_wait3A_252, %dma_wait3A_253] : memref<8x3x512x512xf32, #tpu.memory_space<hbm>> -> memref<1x3x8x512xf32, #tpu.memory_space<hbm>>
      %dma_wait3A_255 = tpu.memref_squeeze %dma_wait3A_254 : memref<1x3x8x512xf32, #tpu.memory_space<hbm>> -> memref<3x8x512xf32, #tpu.memory_space<hbm>>
      tpu.wait_dma2 semaphore(%arg10 : memref<!tpu.dma_semaphore, #tpu.memory_space<semaphore_mem>>) src(%dma_wait3A_255 : memref<3x8x512xf32, #tpu.memory_space<hbm>>) dst(%dma_wait3A_250 : memref<3x8x512xf32, #tpu.memory_space<vmem>>)
      %dma_wait3A_256 = arith.constant 0 : i32
      %dma_wait3A_257 = arith.constant 1 : i32
      %dma_wait3A_258 = arith.constant 3 : i32
      %dma_wait3A_259 = arith.constant 0 : i32
      %dma_wait3A_260 = arith.constant 0 : i32
      %dma_wait3A_261 = tpu.memref_slice %arg6[%dma_wait3A_257, %dma_wait3A_258, %dma_wait3A_259, %dma_wait3A_260] : memref<2x4x8x512xf32, #tpu.memory_space<vmem>> -> memref<1x1x8x512xf32, #tpu.memory_space<vmem>>
      %dma_wait3A_262 = tpu.memref_squeeze %dma_wait3A_261 : memref<1x1x8x512xf32, #tpu.memory_space<vmem>> -> memref<8x512xf32, #tpu.memory_space<vmem>>
      %dma_wait3A_263 = arith.constant 0 : i32
      %dma_wait3A_264 = arith.constant 0 : i32
      %dma_wait3A_265 = tpu.memref_slice %arg3[%dma_wait3A_256, %dma_wait3A_263, %dma_wait3A_264] : memref<8x512x512xf32, #tpu.memory_space<hbm>> -> memref<1x8x512xf32, #tpu.memory_space<hbm>>
      %dma_wait3A_266 = tpu.memref_squeeze %dma_wait3A_265 : memref<1x8x512xf32, #tpu.memory_space<hbm>> -> memref<8x512xf32, #tpu.memory_space<hbm>>
      %dma_wait3A_267 = arith.constant 0 : i32
      %dma_wait3A_268 = arith.constant 0 : i32
      %dma_wait3A_269 = tpu.memref_slice %arg6[%dma_wait3A_257, %dma_wait3A_258, %dma_wait3A_267, %dma_wait3A_268] : memref<2x4x8x512xf32, #tpu.memory_space<vmem>> -> memref<1x1x8x512xf32, #tpu.memory_space<vmem>>
      %dma_wait3A_270 = tpu.memref_squeeze %dma_wait3A_269 : memref<1x1x8x512xf32, #tpu.memory_space<vmem>> -> memref<8x512xf32, #tpu.memory_space<vmem>>
      %dma_wait3A_271 = arith.constant 0 : i32
      %dma_wait3A_272 = arith.constant 0 : i32
      %dma_wait3A_273 = tpu.memref_slice %arg3[%dma_wait3A_256, %dma_wait3A_271, %dma_wait3A_272] : memref<8x512x512xf32, #tpu.memory_space<hbm>> -> memref<1x8x512xf32, #tpu.memory_space<hbm>>
      %dma_wait3A_274 = tpu.memref_squeeze %dma_wait3A_273 : memref<1x8x512xf32, #tpu.memory_space<hbm>> -> memref<8x512xf32, #tpu.memory_space<hbm>>
      tpu.wait_dma2 semaphore(%arg10 : memref<!tpu.dma_semaphore, #tpu.memory_space<semaphore_mem>>) src(%dma_wait3A_274 : memref<8x512xf32, #tpu.memory_space<hbm>>) dst(%dma_wait3A_270 : memref<8x512xf32, #tpu.memory_space<vmem>>)
      %parallel_loop3A_275 = arith.constant 0 : i32
      %parallel_loop3A_276 = arith.constant 256 : i32
      %parallel_loop3A_277 = arith.constant 1 : i32
      scf.for %parallel_loop3A_328 = %parallel_loop3A_275 to %parallel_loop3A_276 step %parallel_loop3A_277  : i32 {
        %parallel_loop3A_329 = arith.constant 32 : i32
        %parallel_loop3A_330 = arith.divsi %parallel_loop3A_328, %parallel_loop3A_329 : i32
        %parallel_loop3A_331 = arith.constant 0 : i32
        %parallel_loop3A_332 = arith.cmpi sgt, %parallel_loop3A_328, %parallel_loop3A_331 : i32
        %parallel_loop3A_333 = arith.extui %parallel_loop3A_332 : i1 to i32
        %parallel_loop3A_334 = arith.constant 0 : i32
        %parallel_loop3A_335 = arith.cmpi slt, %parallel_loop3A_328, %parallel_loop3A_334 : i32
        %parallel_loop3A_336 = arith.extui %parallel_loop3A_335 : i1 to i32
        %parallel_loop3A_337 = arith.subi %parallel_loop3A_333, %parallel_loop3A_336 : i32
        %parallel_loop3A_338 = arith.constant 0 : i32
        %parallel_loop3A_339 = arith.cmpi sgt, %parallel_loop3A_329, %parallel_loop3A_338 : i32
        %parallel_loop3A_340 = arith.extui %parallel_loop3A_339 : i1 to i32
        %parallel_loop3A_341 = arith.constant 0 : i32
        %parallel_loop3A_342 = arith.cmpi slt, %parallel_loop3A_329, %parallel_loop3A_341 : i32
        %parallel_loop3A_343 = arith.extui %parallel_loop3A_342 : i1 to i32
        %parallel_loop3A_344 = arith.subi %parallel_loop3A_340, %parallel_loop3A_343 : i32
        %parallel_loop3A_345 = arith.cmpi ne, %parallel_loop3A_337, %parallel_loop3A_344 : i32
        %parallel_loop3A_346 = arith.remsi %parallel_loop3A_328, %parallel_loop3A_329 : i32
        %parallel_loop3A_347 = arith.constant 0 : i32
        %parallel_loop3A_348 = arith.cmpi ne, %parallel_loop3A_346, %parallel_loop3A_347 : i32
        %parallel_loop3A_349 = arith.andi %parallel_loop3A_345, %parallel_loop3A_348 : i1
        %parallel_loop3A_350 = arith.constant 1 : i32
        %parallel_loop3A_351 = arith.subi %parallel_loop3A_330, %parallel_loop3A_350 : i32
        %parallel_loop3A_352 = arith.select %parallel_loop3A_349, %parallel_loop3A_351, %parallel_loop3A_330 : i32
        %parallel_loop3A_353 = arith.constant 32 : i32
        %parallel_loop3A_354 = arith.constant 0 : i32
        %parallel_loop3A_355 = arith.cmpi eq, %parallel_loop3A_353, %parallel_loop3A_354 : i32
        %parallel_loop3A_356 = arith.constant 1 : i32
        %parallel_loop3A_357 = arith.select %parallel_loop3A_355, %parallel_loop3A_356, %parallel_loop3A_353 : i32
        %parallel_loop3A_358 = arith.remsi %parallel_loop3A_328, %parallel_loop3A_357 : i32
        %parallel_loop3A_359 = arith.constant 0 : i32
        %parallel_loop3A_360 = arith.cmpi ne, %parallel_loop3A_358, %parallel_loop3A_359 : i32
        %parallel_loop3A_361 = arith.constant 0 : i32
        %parallel_loop3A_362 = arith.cmpi slt, %parallel_loop3A_358, %parallel_loop3A_361 : i32
        %parallel_loop3A_363 = arith.constant 0 : i32
        %parallel_loop3A_364 = arith.cmpi slt, %parallel_loop3A_357, %parallel_loop3A_363 : i32
        %parallel_loop3A_365 = arith.xori %parallel_loop3A_362, %parallel_loop3A_364 : i1
        %parallel_loop3A_366 = arith.andi %parallel_loop3A_365, %parallel_loop3A_360 : i1
        %parallel_loop3A_367 = arith.addi %parallel_loop3A_358, %parallel_loop3A_357 : i32
        %parallel_loop3A_368 = arith.select %parallel_loop3A_366, %parallel_loop3A_367, %parallel_loop3A_358 : i32
        %parallel_loop3A_369 = arith.constant 16 : i32
        %parallel_loop3A_370 = arith.muli %parallel_loop3A_368, %parallel_loop3A_369 : i32
        %parallel_loop3A_371 = arith.constant 1 : i32
        %parallel_loop3A_372 = arith.constant 3 : i32
        %parallel_loop3A_373 = arith.index_cast %parallel_loop3A_371 : i32 to index
        %parallel_loop3A_374 = arith.index_cast %parallel_loop3A_372 : i32 to index
        %parallel_loop3A_375 = arith.index_cast %parallel_loop3A_352 : i32 to index
        %parallel_loop3A_376 = arith.index_cast %parallel_loop3A_370 : i32 to index
        %parallel_loop3A_377 = tpu.vector_load %arg6[%parallel_loop3A_373, %parallel_loop3A_374, %parallel_loop3A_375, %parallel_loop3A_376] {strides = array<i32>} : memref<2x4x8x512xf32, #tpu.memory_space<vmem>>, vector<16xf32>,
        %parallel_loop3A_378 = arith.constant 3.200000e+01 : f32
        %parallel_loop3A_379 = vector.broadcast %parallel_loop3A_378 : f32 to vector<16xf32>
        %parallel_loop3A_380 = arith.mulf %parallel_loop3A_377, %parallel_loop3A_379 : vector<16xf32>
        %parallel_loop3A_381 = arith.constant 0x4B000000 : f32
        %parallel_loop3A_382 = vector.broadcast %parallel_loop3A_381 : f32 to vector<16xf32>
        %parallel_loop3A_383 = arith.addf %parallel_loop3A_380, %parallel_loop3A_382 : vector<16xf32>
        %parallel_loop3A_384 = arith.constant 0x4B000000 : f32
        %parallel_loop3A_385 = vector.broadcast %parallel_loop3A_384 : f32 to vector<16xf32>
        %parallel_loop3A_386 = arith.subf %parallel_loop3A_383, %parallel_loop3A_385 : vector<16xf32>
        %parallel_loop3A_387 = arith.fptosi %parallel_loop3A_386 : vector<16xf32> to vector<16xi32>
        %parallel_loop3A_388 = vector.broadcast %parallel_loop3A_370 : i32 to vector<16xi32>
        %parallel_loop3A_389 = arith.addi %iota3A, %parallel_loop3A_388 : vector<16xi32>
        %parallel_loop3A_390 = arith.constant 8 : i32
        %parallel_loop3A_391 = arith.addi %parallel_loop3A_352, %parallel_loop3A_390 : i32
        %parallel_loop3A_392 = vector.broadcast %parallel_loop3A_391 : i32 to vector<16xi32>
        %parallel_loop3A_393 = arith.constant 1 : i32
        %parallel_loop3A_394 = arith.constant 0 : i32
        %parallel_loop3A_395 = arith.index_cast %parallel_loop3A_393 : i32 to index
        %parallel_loop3A_396 = arith.index_cast %parallel_loop3A_394 : i32 to index
        %parallel_loop3A_397 = arith.index_cast %parallel_loop3A_352 : i32 to index
        %parallel_loop3A_398 = arith.index_cast %parallel_loop3A_370 : i32 to index
        %parallel_loop3A_399 = tpu.vector_load %arg6[%parallel_loop3A_395, %parallel_loop3A_396, %parallel_loop3A_397, %parallel_loop3A_398] {strides = array<i32>} : memref<2x4x8x512xf32, #tpu.memory_space<vmem>>, vector<16xf32>,
        %parallel_loop3A_400 = arith.constant 1 : i32
        %parallel_loop3A_401 = arith.constant 1 : i32
        %parallel_loop3A_402 = arith.index_cast %parallel_loop3A_400 : i32 to index
        %parallel_loop3A_403 = arith.index_cast %parallel_loop3A_401 : i32 to index
        %parallel_loop3A_404 = arith.index_cast %parallel_loop3A_352 : i32 to index
        %parallel_loop3A_405 = arith.index_cast %parallel_loop3A_370 : i32 to index
        %parallel_loop3A_406 = tpu.vector_load %arg6[%parallel_loop3A_402, %parallel_loop3A_403, %parallel_loop3A_404, %parallel_loop3A_405] {strides = array<i32>} : memref<2x4x8x512xf32, #tpu.memory_space<vmem>>, vector<16xf32>,
        %parallel_loop3A_407 = arith.constant 1 : i32
        %parallel_loop3A_408 = arith.constant 2 : i32
        %parallel_loop3A_409 = arith.index_cast %parallel_loop3A_407 : i32 to index
        %parallel_loop3A_410 = arith.index_cast %parallel_loop3A_408 : i32 to index
        %parallel_loop3A_411 = arith.index_cast %parallel_loop3A_352 : i32 to index
        %parallel_loop3A_412 = arith.index_cast %parallel_loop3A_370 : i32 to index
        %parallel_loop3A_413 = tpu.vector_load %arg6[%parallel_loop3A_409, %parallel_loop3A_410, %parallel_loop3A_411, %parallel_loop3A_412] {strides = array<i32>} : memref<2x4x8x512xf32, #tpu.memory_space<vmem>>, vector<16xf32>,
        %parallel_loop3A_414 = arith.subi %parallel_loop3A_389, %parallel_loop3A_387 : vector<16xi32>
        %parallel_loop3A_415 = arith.constant 0 : i32
        %parallel_loop3A_416 = vector.broadcast %parallel_loop3A_415 : i32 to vector<16xi32>
        %parallel_loop3A_417 = arith.cmpi sge, %parallel_loop3A_414, %parallel_loop3A_416 : vector<16xi32>
        %parallel_loop3A_418 = arith.constant 512 : i32
        %parallel_loop3A_419 = vector.broadcast %parallel_loop3A_418 : i32 to vector<16xi32>
        %parallel_loop3A_420 = arith.cmpi slt, %parallel_loop3A_414, %parallel_loop3A_419 : vector<16xi32>
        %parallel_loop3A_421 = arith.andi %parallel_loop3A_417, %parallel_loop3A_420 : vector<16xi1>
        %parallel_loop3A_422 = arith.constant 0 : i32
        %parallel_loop3A_423 = arith.constant 511 : i32
        %parallel_loop3A_424 = vector.broadcast %parallel_loop3A_422 : i32 to vector<16xi32>
        %parallel_loop3A_425 = arith.maxsi %parallel_loop3A_424, %parallel_loop3A_414 : vector<16xi32>
        %parallel_loop3A_426 = vector.broadcast %parallel_loop3A_423 : i32 to vector<16xi32>
        %parallel_loop3A_427 = arith.minsi %parallel_loop3A_426, %parallel_loop3A_425 : vector<16xi32>
        tpu.vector_store_idx %arg7[%broadcast_in_dim3A_37, %parallel_loop3A_392, %parallel_loop3A_427], %broadcast_in_dim3A_33 masked %parallel_loop3A_421 {add = true} : memref<2x16x512xf32, #tpu.memory_space<vmem>>[vector<16xi32>, vector<16xi32>, vector<16xi32>], vector<16xf32>, vector<16xi1>
        tpu.vector_store_idx %arg8[%broadcast_in_dim3A_37, %broadcast_in_dim3A_41, %parallel_loop3A_392, %parallel_loop3A_427], %parallel_loop3A_399 masked %parallel_loop3A_421 {add = true} : memref<2x3x16x512xf32, #tpu.memory_space<vmem>>[vector<16xi32>, vector<16xi32>, vector<16xi32>, vector<16xi32>], vector<16xf32>, vector<16xi1>
        tpu.vector_store_idx %arg8[%broadcast_in_dim3A_37, %broadcast_in_dim3A_43, %parallel_loop3A_392, %parallel_loop3A_427], %parallel_loop3A_406 masked %parallel_loop3A_421 {add = true} : memref<2x3x16x512xf32, #tpu.memory_space<vmem>>[vector<16xi32>, vector<16xi32>, vector<16xi32>, vector<16xi32>], vector<16xf32>, vector<16xi1>
        tpu.vector_store_idx %arg8[%broadcast_in_dim3A_37, %broadcast_in_dim3A_45, %parallel_loop3A_392, %parallel_loop3A_427], %parallel_loop3A_413 masked %parallel_loop3A_421 {add = true} : memref<2x3x16x512xf32, #tpu.memory_space<vmem>>[vector<16xi32>, vector<16xi32>, vector<16xi32>, vector<16xi32>], vector<16xf32>, vector<16xi1>
        %parallel_loop3A_428 = arith.addi %parallel_loop3A_389, %parallel_loop3A_387 : vector<16xi32>
        %parallel_loop3A_429 = arith.constant 0 : i32
        %parallel_loop3A_430 = vector.broadcast %parallel_loop3A_429 : i32 to vector<16xi32>
        %parallel_loop3A_431 = arith.cmpi sge, %parallel_loop3A_428, %parallel_loop3A_430 : vector<16xi32>
        %parallel_loop3A_432 = arith.constant 512 : i32
        %parallel_loop3A_433 = vector.broadcast %parallel_loop3A_432 : i32 to vector<16xi32>
        %parallel_loop3A_434 = arith.cmpi slt, %parallel_loop3A_428, %parallel_loop3A_433 : vector<16xi32>
        %parallel_loop3A_435 = arith.andi %parallel_loop3A_431, %parallel_loop3A_434 : vector<16xi1>
        %parallel_loop3A_436 = arith.constant 0 : i32
        %parallel_loop3A_437 = arith.constant 511 : i32
        %parallel_loop3A_438 = vector.broadcast %parallel_loop3A_436 : i32 to vector<16xi32>
        %parallel_loop3A_439 = arith.maxsi %parallel_loop3A_438, %parallel_loop3A_428 : vector<16xi32>
        %parallel_loop3A_440 = vector.broadcast %parallel_loop3A_437 : i32 to vector<16xi32>
        %parallel_loop3A_441 = arith.minsi %parallel_loop3A_440, %parallel_loop3A_439 : vector<16xi32>
        tpu.vector_store_idx %arg7[%broadcast_in_dim3A_39, %parallel_loop3A_392, %parallel_loop3A_441], %broadcast_in_dim3A_33 masked %parallel_loop3A_435 {add = true} : memref<2x16x512xf32, #tpu.memory_space<vmem>>[vector<16xi32>, vector<16xi32>, vector<16xi32>], vector<16xf32>, vector<16xi1>
        tpu.vector_store_idx %arg8[%broadcast_in_dim3A_39, %broadcast_in_dim3A_41, %parallel_loop3A_392, %parallel_loop3A_441], %parallel_loop3A_399 masked %parallel_loop3A_435 {add = true} : memref<2x3x16x512xf32, #tpu.memory_space<vmem>>[vector<16xi32>, vector<16xi32>, vector<16xi32>, vector<16xi32>], vector<16xf32>, vector<16xi1>
        tpu.vector_store_idx %arg8[%broadcast_in_dim3A_39, %broadcast_in_dim3A_43, %parallel_loop3A_392, %parallel_loop3A_441], %parallel_loop3A_406 masked %parallel_loop3A_435 {add = true} : memref<2x3x16x512xf32, #tpu.memory_space<vmem>>[vector<16xi32>, vector<16xi32>, vector<16xi32>, vector<16xi32>], vector<16xf32>, vector<16xi1>
        tpu.vector_store_idx %arg8[%broadcast_in_dim3A_39, %broadcast_in_dim3A_45, %parallel_loop3A_392, %parallel_loop3A_441], %parallel_loop3A_413 masked %parallel_loop3A_435 {add = true} : memref<2x3x16x512xf32, #tpu.memory_space<vmem>>[vector<16xi32>, vector<16xi32>, vector<16xi32>, vector<16xi32>], vector<16xf32>, vector<16xi1>
      } {sc.loop_unroll_factor = 2 : i64, sc.parallel_access}
      %parallel_loop3A_278 = arith.constant 0 : i32
      %parallel_loop3A_279 = arith.constant 512 : i32
      %parallel_loop3A_280 = arith.constant 1 : i32
      scf.for %parallel_loop3A_328 = %parallel_loop3A_278 to %parallel_loop3A_279 step %parallel_loop3A_280  : i32 {
        %parallel_loop3A_329 = arith.constant 32 : i32
        %parallel_loop3A_330 = arith.divsi %parallel_loop3A_328, %parallel_loop3A_329 : i32
        %parallel_loop3A_331 = arith.constant 0 : i32
        %parallel_loop3A_332 = arith.cmpi sgt, %parallel_loop3A_328, %parallel_loop3A_331 : i32
        %parallel_loop3A_333 = arith.extui %parallel_loop3A_332 : i1 to i32
        %parallel_loop3A_334 = arith.constant 0 : i32
        %parallel_loop3A_335 = arith.cmpi slt, %parallel_loop3A_328, %parallel_loop3A_334 : i32
        %parallel_loop3A_336 = arith.extui %parallel_loop3A_335 : i1 to i32
        %parallel_loop3A_337 = arith.subi %parallel_loop3A_333, %parallel_loop3A_336 : i32
        %parallel_loop3A_338 = arith.constant 0 : i32
        %parallel_loop3A_339 = arith.cmpi sgt, %parallel_loop3A_329, %parallel_loop3A_338 : i32
        %parallel_loop3A_340 = arith.extui %parallel_loop3A_339 : i1 to i32
        %parallel_loop3A_341 = arith.constant 0 : i32
        %parallel_loop3A_342 = arith.cmpi slt, %parallel_loop3A_329, %parallel_loop3A_341 : i32
        %parallel_loop3A_343 = arith.extui %parallel_loop3A_342 : i1 to i32
        %parallel_loop3A_344 = arith.subi %parallel_loop3A_340, %parallel_loop3A_343 : i32
        %parallel_loop3A_345 = arith.cmpi ne, %parallel_loop3A_337, %parallel_loop3A_344 : i32
        %parallel_loop3A_346 = arith.remsi %parallel_loop3A_328, %parallel_loop3A_329 : i32
        %parallel_loop3A_347 = arith.constant 0 : i32
        %parallel_loop3A_348 = arith.cmpi ne, %parallel_loop3A_346, %parallel_loop3A_347 : i32
        %parallel_loop3A_349 = arith.andi %parallel_loop3A_345, %parallel_loop3A_348 : i1
        %parallel_loop3A_350 = arith.constant 1 : i32
        %parallel_loop3A_351 = arith.subi %parallel_loop3A_330, %parallel_loop3A_350 : i32
        %parallel_loop3A_352 = arith.select %parallel_loop3A_349, %parallel_loop3A_351, %parallel_loop3A_330 : i32
        %parallel_loop3A_353 = arith.constant 32 : i32
        %parallel_loop3A_354 = arith.constant 0 : i32
        %parallel_loop3A_355 = arith.cmpi eq, %parallel_loop3A_353, %parallel_loop3A_354 : i32
        %parallel_loop3A_356 = arith.constant 1 : i32
        %parallel_loop3A_357 = arith.select %parallel_loop3A_355, %parallel_loop3A_356, %parallel_loop3A_353 : i32
        %parallel_loop3A_358 = arith.remsi %parallel_loop3A_328, %parallel_loop3A_357 : i32
        %parallel_loop3A_359 = arith.constant 0 : i32
        %parallel_loop3A_360 = arith.cmpi ne, %parallel_loop3A_358, %parallel_loop3A_359 : i32
        %parallel_loop3A_361 = arith.constant 0 : i32
        %parallel_loop3A_362 = arith.cmpi slt, %parallel_loop3A_358, %parallel_loop3A_361 : i32
        %parallel_loop3A_363 = arith.constant 0 : i32
        %parallel_loop3A_364 = arith.cmpi slt, %parallel_loop3A_357, %parallel_loop3A_363 : i32
        %parallel_loop3A_365 = arith.xori %parallel_loop3A_362, %parallel_loop3A_364 : i1
        %parallel_loop3A_366 = arith.andi %parallel_loop3A_365, %parallel_loop3A_360 : i1
        %parallel_loop3A_367 = arith.addi %parallel_loop3A_358, %parallel_loop3A_357 : i32
        %parallel_loop3A_368 = arith.select %parallel_loop3A_366, %parallel_loop3A_367, %parallel_loop3A_358 : i32
        %parallel_loop3A_369 = arith.constant 16 : i32
        %parallel_loop3A_370 = arith.muli %parallel_loop3A_368, %parallel_loop3A_369 : i32
        %parallel_loop3A_371 = arith.constant 0 : i32
        %parallel_loop3A_372 = arith.index_cast %parallel_loop3A_371 : i32 to index
        %parallel_loop3A_373 = arith.index_cast %parallel_loop3A_352 : i32 to index
        %parallel_loop3A_374 = arith.index_cast %parallel_loop3A_370 : i32 to index
        %parallel_loop3A_375 = tpu.vector_load %arg7[%parallel_loop3A_372, %parallel_loop3A_373, %parallel_loop3A_374] {strides = array<i32>} : memref<2x16x512xf32, #tpu.memory_space<vmem>>, vector<16xf32>,
        %parallel_loop3A_376 = arith.constant 1.000000e+00 : f32
        %parallel_loop3A_377 = vector.broadcast %parallel_loop3A_376 : f32 to vector<16xf32>
        %parallel_loop3A_378 = arith.maximumf %parallel_loop3A_375, %parallel_loop3A_377 : vector<16xf32>
        %parallel_loop3A_379 = arith.constant 1.000000e+00 : f32
        %parallel_loop3A_380 = vector.broadcast %parallel_loop3A_379 : f32 to vector<16xf32>
        %parallel_loop3A_381 = arith.divf %parallel_loop3A_380, %parallel_loop3A_378 : vector<16xf32>
        %parallel_loop3A_382 = arith.constant 0 : i32
        %parallel_loop3A_383 = arith.constant 0 : i32
        %parallel_loop3A_384 = arith.index_cast %parallel_loop3A_382 : i32 to index
        %parallel_loop3A_385 = arith.index_cast %parallel_loop3A_383 : i32 to index
        %parallel_loop3A_386 = arith.index_cast %parallel_loop3A_352 : i32 to index
        %parallel_loop3A_387 = arith.index_cast %parallel_loop3A_370 : i32 to index
        %parallel_loop3A_388 = tpu.vector_load %arg8[%parallel_loop3A_384, %parallel_loop3A_385, %parallel_loop3A_386, %parallel_loop3A_387] {strides = array<i32>} : memref<2x3x16x512xf32, #tpu.memory_space<vmem>>, vector<16xf32>,
        %parallel_loop3A_389 = arith.mulf %parallel_loop3A_388, %parallel_loop3A_381 : vector<16xf32>
        %parallel_loop3A_390 = arith.constant 0.000000e+00 : f32
        %parallel_loop3A_391 = arith.constant 1.000000e+00 : f32
        %parallel_loop3A_392 = vector.broadcast %parallel_loop3A_390 : f32 to vector<16xf32>
        %parallel_loop3A_393 = arith.maximumf %parallel_loop3A_392, %parallel_loop3A_389 : vector<16xf32>
        %parallel_loop3A_394 = vector.broadcast %parallel_loop3A_391 : f32 to vector<16xf32>
        %parallel_loop3A_395 = arith.minimumf %parallel_loop3A_394, %parallel_loop3A_393 : vector<16xf32>
        %parallel_loop3A_396 = arith.constant 0 : i32
        %parallel_loop3A_397 = arith.constant 0 : i32
        %parallel_loop3A_398 = arith.index_cast %parallel_loop3A_396 : i32 to index
        %parallel_loop3A_399 = arith.index_cast %parallel_loop3A_397 : i32 to index
        %parallel_loop3A_400 = arith.index_cast %parallel_loop3A_352 : i32 to index
        %parallel_loop3A_401 = arith.index_cast %parallel_loop3A_370 : i32 to index
        %parallel_loop3A_402 = tpu.vector_load %arg8[%parallel_loop3A_398, %parallel_loop3A_399, %parallel_loop3A_400, %parallel_loop3A_401] {strides = array<i32>} : memref<2x3x16x512xf32, #tpu.memory_space<vmem>>, vector<16xf32>,
        tpu.vector_store %arg8[%parallel_loop3A_398, %parallel_loop3A_399, %parallel_loop3A_400, %parallel_loop3A_401], %parallel_loop3A_395 {strides = array<i32>} : memref<2x3x16x512xf32, #tpu.memory_space<vmem>>, vector<16xf32>,
        %parallel_loop3A_403 = arith.constant 0 : i32
        %parallel_loop3A_404 = arith.constant 1 : i32
        %parallel_loop3A_405 = arith.index_cast %parallel_loop3A_403 : i32 to index
        %parallel_loop3A_406 = arith.index_cast %parallel_loop3A_404 : i32 to index
        %parallel_loop3A_407 = arith.index_cast %parallel_loop3A_352 : i32 to index
        %parallel_loop3A_408 = arith.index_cast %parallel_loop3A_370 : i32 to index
        %parallel_loop3A_409 = tpu.vector_load %arg8[%parallel_loop3A_405, %parallel_loop3A_406, %parallel_loop3A_407, %parallel_loop3A_408] {strides = array<i32>} : memref<2x3x16x512xf32, #tpu.memory_space<vmem>>, vector<16xf32>,
        %parallel_loop3A_410 = arith.mulf %parallel_loop3A_409, %parallel_loop3A_381 : vector<16xf32>
        %parallel_loop3A_411 = arith.constant 0.000000e+00 : f32
        %parallel_loop3A_412 = arith.constant 1.000000e+00 : f32
        %parallel_loop3A_413 = vector.broadcast %parallel_loop3A_411 : f32 to vector<16xf32>
        %parallel_loop3A_414 = arith.maximumf %parallel_loop3A_413, %parallel_loop3A_410 : vector<16xf32>
        %parallel_loop3A_415 = vector.broadcast %parallel_loop3A_412 : f32 to vector<16xf32>
        %parallel_loop3A_416 = arith.minimumf %parallel_loop3A_415, %parallel_loop3A_414 : vector<16xf32>
        %parallel_loop3A_417 = arith.constant 0 : i32
        %parallel_loop3A_418 = arith.constant 1 : i32
        %parallel_loop3A_419 = arith.index_cast %parallel_loop3A_417 : i32 to index
        %parallel_loop3A_420 = arith.index_cast %parallel_loop3A_418 : i32 to index
        %parallel_loop3A_421 = arith.index_cast %parallel_loop3A_352 : i32 to index
        %parallel_loop3A_422 = arith.index_cast %parallel_loop3A_370 : i32 to index
        %parallel_loop3A_423 = tpu.vector_load %arg8[%parallel_loop3A_419, %parallel_loop3A_420, %parallel_loop3A_421, %parallel_loop3A_422] {strides = array<i32>} : memref<2x3x16x512xf32, #tpu.memory_space<vmem>>, vector<16xf32>,
        tpu.vector_store %arg8[%parallel_loop3A_419, %parallel_loop3A_420, %parallel_loop3A_421, %parallel_loop3A_422], %parallel_loop3A_416 {strides = array<i32>} : memref<2x3x16x512xf32, #tpu.memory_space<vmem>>, vector<16xf32>,
        %parallel_loop3A_424 = arith.constant 0 : i32
        %parallel_loop3A_425 = arith.constant 2 : i32
        %parallel_loop3A_426 = arith.index_cast %parallel_loop3A_424 : i32 to index
        %parallel_loop3A_427 = arith.index_cast %parallel_loop3A_425 : i32 to index
        %parallel_loop3A_428 = arith.index_cast %parallel_loop3A_352 : i32 to index
        %parallel_loop3A_429 = arith.index_cast %parallel_loop3A_370 : i32 to index
        %parallel_loop3A_430 = tpu.vector_load %arg8[%parallel_loop3A_426, %parallel_loop3A_427, %parallel_loop3A_428, %parallel_loop3A_429] {strides = array<i32>} : memref<2x3x16x512xf32, #tpu.memory_space<vmem>>, vector<16xf32>,
        %parallel_loop3A_431 = arith.mulf %parallel_loop3A_430, %parallel_loop3A_381 : vector<16xf32>
        %parallel_loop3A_432 = arith.constant 0.000000e+00 : f32
        %parallel_loop3A_433 = arith.constant 1.000000e+00 : f32
        %parallel_loop3A_434 = vector.broadcast %parallel_loop3A_432 : f32 to vector<16xf32>
        %parallel_loop3A_435 = arith.maximumf %parallel_loop3A_434, %parallel_loop3A_431 : vector<16xf32>
        %parallel_loop3A_436 = vector.broadcast %parallel_loop3A_433 : f32 to vector<16xf32>
        %parallel_loop3A_437 = arith.minimumf %parallel_loop3A_436, %parallel_loop3A_435 : vector<16xf32>
        %parallel_loop3A_438 = arith.constant 0 : i32
        %parallel_loop3A_439 = arith.constant 2 : i32
        %parallel_loop3A_440 = arith.index_cast %parallel_loop3A_438 : i32 to index
        %parallel_loop3A_441 = arith.index_cast %parallel_loop3A_439 : i32 to index
        %parallel_loop3A_442 = arith.index_cast %parallel_loop3A_352 : i32 to index
        %parallel_loop3A_443 = arith.index_cast %parallel_loop3A_370 : i32 to index
        %parallel_loop3A_444 = tpu.vector_load %arg8[%parallel_loop3A_440, %parallel_loop3A_441, %parallel_loop3A_442, %parallel_loop3A_443] {strides = array<i32>} : memref<2x3x16x512xf32, #tpu.memory_space<vmem>>, vector<16xf32>,
        tpu.vector_store %arg8[%parallel_loop3A_440, %parallel_loop3A_441, %parallel_loop3A_442, %parallel_loop3A_443], %parallel_loop3A_437 {strides = array<i32>} : memref<2x3x16x512xf32, #tpu.memory_space<vmem>>, vector<16xf32>,
      } {sc.loop_unroll_factor = 4 : i64, sc.parallel_access}
      %mul3A_281 = arith.constant 16 : i32
      %mul3A_282 = arith.muli %scan3A_130, %mul3A_281 : i32
      %add3A_283 = arith.addi %mul3A_32, %mul3A_282 : i32
      %dma_start3A_284 = arith.constant 0 : i32
      %dma_start3A_285 = arith.constant 0 : i32
      %dma_start3A_286 = arith.constant 0 : i32
      %dma_start3A_287 = arith.constant 0 : i32
      %dma_start3A_288 = tpu.memref_slice %arg8[%dma_start3A_284, %dma_start3A_285, %dma_start3A_286, %dma_start3A_287] : memref<2x3x16x512xf32, #tpu.memory_space<vmem>> -> memref<1x3x16x512xf32, #tpu.memory_space<vmem>>
      %dma_start3A_289 = tpu.memref_squeeze %dma_start3A_288 : memref<1x3x16x512xf32, #tpu.memory_space<vmem>> -> memref<3x16x512xf32, #tpu.memory_space<vmem>>
      %dma_start3A_290 = arith.constant 0 : i32
      %dma_start3A_291 = arith.constant 0 : i32
      %dma_start3A_292 = tpu.memref_slice %arg4[%select_n3A, %dma_start3A_290, %add3A_283, %dma_start3A_291] : memref<8x3x512x512xf32, #tpu.memory_space<hbm>> -> memref<1x3x16x512xf32, #tpu.memory_space<hbm>>
      %dma_start3A_293 = tpu.memref_squeeze %dma_start3A_292 : memref<1x3x16x512xf32, #tpu.memory_space<hbm>> -> memref<3x16x512xf32, #tpu.memory_space<hbm>>
      %dma_start3A_294 = arith.constant 0 : i32
      %dma_start3A_295 = arith.constant 0 : i32
      %dma_start3A_296 = tpu.memref_slice %arg4[%select_n3A, %dma_start3A_294, %add3A_283, %dma_start3A_295] : memref<8x3x512x512xf32, #tpu.memory_space<hbm>> -> memref<1x3x16x512xf32, #tpu.memory_space<hbm>>
      %dma_start3A_297 = tpu.memref_squeeze %dma_start3A_296 : memref<1x3x16x512xf32, #tpu.memory_space<hbm>> -> memref<3x16x512xf32, #tpu.memory_space<hbm>>
      %dma_start3A_298 = arith.constant 0 : i32
      %dma_start3A_299 = arith.constant 0 : i32
      %dma_start3A_300 = arith.constant 0 : i32
      %dma_start3A_301 = tpu.memref_slice %arg8[%dma_start3A_284, %dma_start3A_298, %dma_start3A_299, %dma_start3A_300] : memref<2x3x16x512xf32, #tpu.memory_space<vmem>> -> memref<1x3x16x512xf32, #tpu.memory_space<vmem>>
      %dma_start3A_302 = tpu.memref_squeeze %dma_start3A_301 : memref<1x3x16x512xf32, #tpu.memory_space<vmem>> -> memref<3x16x512xf32, #tpu.memory_space<vmem>>
      tpu.enqueue_dma source(%dma_start3A_302 : memref<3x16x512xf32, #tpu.memory_space<vmem>>) target(%dma_start3A_297 : memref<3x16x512xf32, #tpu.memory_space<hbm>>) target_semaphore(%arg11 : memref<!tpu.dma_semaphore, #tpu.memory_space<semaphore_mem>>)
      %parallel_loop3A_303 = arith.constant 0 : i32
      %parallel_loop3A_304 = arith.constant 512 : i32
      %parallel_loop3A_305 = arith.constant 1 : i32
      scf.for %parallel_loop3A_328 = %parallel_loop3A_303 to %parallel_loop3A_304 step %parallel_loop3A_305  : i32 {
        %parallel_loop3A_329 = arith.constant 32 : i32
        %parallel_loop3A_330 = arith.divsi %parallel_loop3A_328, %parallel_loop3A_329 : i32
        %parallel_loop3A_331 = arith.constant 0 : i32
        %parallel_loop3A_332 = arith.cmpi sgt, %parallel_loop3A_328, %parallel_loop3A_331 : i32
        %parallel_loop3A_333 = arith.extui %parallel_loop3A_332 : i1 to i32
        %parallel_loop3A_334 = arith.constant 0 : i32
        %parallel_loop3A_335 = arith.cmpi slt, %parallel_loop3A_328, %parallel_loop3A_334 : i32
        %parallel_loop3A_336 = arith.extui %parallel_loop3A_335 : i1 to i32
        %parallel_loop3A_337 = arith.subi %parallel_loop3A_333, %parallel_loop3A_336 : i32
        %parallel_loop3A_338 = arith.constant 0 : i32
        %parallel_loop3A_339 = arith.cmpi sgt, %parallel_loop3A_329, %parallel_loop3A_338 : i32
        %parallel_loop3A_340 = arith.extui %parallel_loop3A_339 : i1 to i32
        %parallel_loop3A_341 = arith.constant 0 : i32
        %parallel_loop3A_342 = arith.cmpi slt, %parallel_loop3A_329, %parallel_loop3A_341 : i32
        %parallel_loop3A_343 = arith.extui %parallel_loop3A_342 : i1 to i32
        %parallel_loop3A_344 = arith.subi %parallel_loop3A_340, %parallel_loop3A_343 : i32
        %parallel_loop3A_345 = arith.cmpi ne, %parallel_loop3A_337, %parallel_loop3A_344 : i32
        %parallel_loop3A_346 = arith.remsi %parallel_loop3A_328, %parallel_loop3A_329 : i32
        %parallel_loop3A_347 = arith.constant 0 : i32
        %parallel_loop3A_348 = arith.cmpi ne, %parallel_loop3A_346, %parallel_loop3A_347 : i32
        %parallel_loop3A_349 = arith.andi %parallel_loop3A_345, %parallel_loop3A_348 : i1
        %parallel_loop3A_350 = arith.constant 1 : i32
        %parallel_loop3A_351 = arith.subi %parallel_loop3A_330, %parallel_loop3A_350 : i32
        %parallel_loop3A_352 = arith.select %parallel_loop3A_349, %parallel_loop3A_351, %parallel_loop3A_330 : i32
        %parallel_loop3A_353 = arith.constant 32 : i32
        %parallel_loop3A_354 = arith.constant 0 : i32
        %parallel_loop3A_355 = arith.cmpi eq, %parallel_loop3A_353, %parallel_loop3A_354 : i32
        %parallel_loop3A_356 = arith.constant 1 : i32
        %parallel_loop3A_357 = arith.select %parallel_loop3A_355, %parallel_loop3A_356, %parallel_loop3A_353 : i32
        %parallel_loop3A_358 = arith.remsi %parallel_loop3A_328, %parallel_loop3A_357 : i32
        %parallel_loop3A_359 = arith.constant 0 : i32
        %parallel_loop3A_360 = arith.cmpi ne, %parallel_loop3A_358, %parallel_loop3A_359 : i32
        %parallel_loop3A_361 = arith.constant 0 : i32
        %parallel_loop3A_362 = arith.cmpi slt, %parallel_loop3A_358, %parallel_loop3A_361 : i32
        %parallel_loop3A_363 = arith.constant 0 : i32
        %parallel_loop3A_364 = arith.cmpi slt, %parallel_loop3A_357, %parallel_loop3A_363 : i32
        %parallel_loop3A_365 = arith.xori %parallel_loop3A_362, %parallel_loop3A_364 : i1
        %parallel_loop3A_366 = arith.andi %parallel_loop3A_365, %parallel_loop3A_360 : i1
        %parallel_loop3A_367 = arith.addi %parallel_loop3A_358, %parallel_loop3A_357 : i32
        %parallel_loop3A_368 = arith.select %parallel_loop3A_366, %parallel_loop3A_367, %parallel_loop3A_358 : i32
        %parallel_loop3A_369 = arith.constant 16 : i32
        %parallel_loop3A_370 = arith.muli %parallel_loop3A_368, %parallel_loop3A_369 : i32
        %parallel_loop3A_371 = arith.constant 1 : i32
        %parallel_loop3A_372 = arith.index_cast %parallel_loop3A_371 : i32 to index
        %parallel_loop3A_373 = arith.index_cast %parallel_loop3A_352 : i32 to index
        %parallel_loop3A_374 = arith.index_cast %parallel_loop3A_370 : i32 to index
        %parallel_loop3A_375 = tpu.vector_load %arg7[%parallel_loop3A_372, %parallel_loop3A_373, %parallel_loop3A_374] {strides = array<i32>} : memref<2x16x512xf32, #tpu.memory_space<vmem>>, vector<16xf32>,
        %parallel_loop3A_376 = arith.constant 1.000000e+00 : f32
        %parallel_loop3A_377 = vector.broadcast %parallel_loop3A_376 : f32 to vector<16xf32>
        %parallel_loop3A_378 = arith.maximumf %parallel_loop3A_375, %parallel_loop3A_377 : vector<16xf32>
        %parallel_loop3A_379 = arith.constant 1.000000e+00 : f32
        %parallel_loop3A_380 = vector.broadcast %parallel_loop3A_379 : f32 to vector<16xf32>
        %parallel_loop3A_381 = arith.divf %parallel_loop3A_380, %parallel_loop3A_378 : vector<16xf32>
        %parallel_loop3A_382 = arith.constant 1 : i32
        %parallel_loop3A_383 = arith.constant 0 : i32
        %parallel_loop3A_384 = arith.index_cast %parallel_loop3A_382 : i32 to index
        %parallel_loop3A_385 = arith.index_cast %parallel_loop3A_383 : i32 to index
        %parallel_loop3A_386 = arith.index_cast %parallel_loop3A_352 : i32 to index
        %parallel_loop3A_387 = arith.index_cast %parallel_loop3A_370 : i32 to index
        %parallel_loop3A_388 = tpu.vector_load %arg8[%parallel_loop3A_384, %parallel_loop3A_385, %parallel_loop3A_386, %parallel_loop3A_387] {strides = array<i32>} : memref<2x3x16x512xf32, #tpu.memory_space<vmem>>, vector<16xf32>,
        %parallel_loop3A_389 = arith.mulf %parallel_loop3A_388, %parallel_loop3A_381 : vector<16xf32>
        %parallel_loop3A_390 = arith.constant 0.000000e+00 : f32
        %parallel_loop3A_391 = arith.constant 1.000000e+00 : f32
        %parallel_loop3A_392 = vector.broadcast %parallel_loop3A_390 : f32 to vector<16xf32>
        %parallel_loop3A_393 = arith.maximumf %parallel_loop3A_392, %parallel_loop3A_389 : vector<16xf32>
        %parallel_loop3A_394 = vector.broadcast %parallel_loop3A_391 : f32 to vector<16xf32>
        %parallel_loop3A_395 = arith.minimumf %parallel_loop3A_394, %parallel_loop3A_393 : vector<16xf32>
        %parallel_loop3A_396 = arith.constant 1 : i32
        %parallel_loop3A_397 = arith.constant 0 : i32
        %parallel_loop3A_398 = arith.index_cast %parallel_loop3A_396 : i32 to index
        %parallel_loop3A_399 = arith.index_cast %parallel_loop3A_397 : i32 to index
        %parallel_loop3A_400 = arith.index_cast %parallel_loop3A_352 : i32 to index
        %parallel_loop3A_401 = arith.index_cast %parallel_loop3A_370 : i32 to index
        %parallel_loop3A_402 = tpu.vector_load %arg8[%parallel_loop3A_398, %parallel_loop3A_399, %parallel_loop3A_400, %parallel_loop3A_401] {strides = array<i32>} : memref<2x3x16x512xf32, #tpu.memory_space<vmem>>, vector<16xf32>,
        tpu.vector_store %arg8[%parallel_loop3A_398, %parallel_loop3A_399, %parallel_loop3A_400, %parallel_loop3A_401], %parallel_loop3A_395 {strides = array<i32>} : memref<2x3x16x512xf32, #tpu.memory_space<vmem>>, vector<16xf32>,
        %parallel_loop3A_403 = arith.constant 1 : i32
        %parallel_loop3A_404 = arith.constant 1 : i32
        %parallel_loop3A_405 = arith.index_cast %parallel_loop3A_403 : i32 to index
        %parallel_loop3A_406 = arith.index_cast %parallel_loop3A_404 : i32 to index
        %parallel_loop3A_407 = arith.index_cast %parallel_loop3A_352 : i32 to index
        %parallel_loop3A_408 = arith.index_cast %parallel_loop3A_370 : i32 to index
        %parallel_loop3A_409 = tpu.vector_load %arg8[%parallel_loop3A_405, %parallel_loop3A_406, %parallel_loop3A_407, %parallel_loop3A_408] {strides = array<i32>} : memref<2x3x16x512xf32, #tpu.memory_space<vmem>>, vector<16xf32>,
        %parallel_loop3A_410 = arith.mulf %parallel_loop3A_409, %parallel_loop3A_381 : vector<16xf32>
        %parallel_loop3A_411 = arith.constant 0.000000e+00 : f32
        %parallel_loop3A_412 = arith.constant 1.000000e+00 : f32
        %parallel_loop3A_413 = vector.broadcast %parallel_loop3A_411 : f32 to vector<16xf32>
        %parallel_loop3A_414 = arith.maximumf %parallel_loop3A_413, %parallel_loop3A_410 : vector<16xf32>
        %parallel_loop3A_415 = vector.broadcast %parallel_loop3A_412 : f32 to vector<16xf32>
        %parallel_loop3A_416 = arith.minimumf %parallel_loop3A_415, %parallel_loop3A_414 : vector<16xf32>
        %parallel_loop3A_417 = arith.constant 1 : i32
        %parallel_loop3A_418 = arith.constant 1 : i32
        %parallel_loop3A_419 = arith.index_cast %parallel_loop3A_417 : i32 to index
        %parallel_loop3A_420 = arith.index_cast %parallel_loop3A_418 : i32 to index
        %parallel_loop3A_421 = arith.index_cast %parallel_loop3A_352 : i32 to index
        %parallel_loop3A_422 = arith.index_cast %parallel_loop3A_370 : i32 to index
        %parallel_loop3A_423 = tpu.vector_load %arg8[%parallel_loop3A_419, %parallel_loop3A_420, %parallel_loop3A_421, %parallel_loop3A_422] {strides = array<i32>} : memref<2x3x16x512xf32, #tpu.memory_space<vmem>>, vector<16xf32>,
        tpu.vector_store %arg8[%parallel_loop3A_419, %parallel_loop3A_420, %parallel_loop3A_421, %parallel_loop3A_422], %parallel_loop3A_416 {strides = array<i32>} : memref<2x3x16x512xf32, #tpu.memory_space<vmem>>, vector<16xf32>,
        %parallel_loop3A_424 = arith.constant 1 : i32
        %parallel_loop3A_425 = arith.constant 2 : i32
        %parallel_loop3A_426 = arith.index_cast %parallel_loop3A_424 : i32 to index
        %parallel_loop3A_427 = arith.index_cast %parallel_loop3A_425 : i32 to index
        %parallel_loop3A_428 = arith.index_cast %parallel_loop3A_352 : i32 to index
        %parallel_loop3A_429 = arith.index_cast %parallel_loop3A_370 : i32 to index
        %parallel_loop3A_430 = tpu.vector_load %arg8[%parallel_loop3A_426, %parallel_loop3A_427, %parallel_loop3A_428, %parallel_loop3A_429] {strides = array<i32>} : memref<2x3x16x512xf32, #tpu.memory_space<vmem>>, vector<16xf32>,
        %parallel_loop3A_431 = arith.mulf %parallel_loop3A_430, %parallel_loop3A_381 : vector<16xf32>
        %parallel_loop3A_432 = arith.constant 0.000000e+00 : f32
        %parallel_loop3A_433 = arith.constant 1.000000e+00 : f32
        %parallel_loop3A_434 = vector.broadcast %parallel_loop3A_432 : f32 to vector<16xf32>
        %parallel_loop3A_435 = arith.maximumf %parallel_loop3A_434, %parallel_loop3A_431 : vector<16xf32>
        %parallel_loop3A_436 = vector.broadcast %parallel_loop3A_433 : f32 to vector<16xf32>
        %parallel_loop3A_437 = arith.minimumf %parallel_loop3A_436, %parallel_loop3A_435 : vector<16xf32>
        %parallel_loop3A_438 = arith.constant 1 : i32
        %parallel_loop3A_439 = arith.constant 2 : i32
        %parallel_loop3A_440 = arith.index_cast %parallel_loop3A_438 : i32 to index
        %parallel_loop3A_441 = arith.index_cast %parallel_loop3A_439 : i32 to index
        %parallel_loop3A_442 = arith.index_cast %parallel_loop3A_352 : i32 to index
        %parallel_loop3A_443 = arith.index_cast %parallel_loop3A_370 : i32 to index
        %parallel_loop3A_444 = tpu.vector_load %arg8[%parallel_loop3A_440, %parallel_loop3A_441, %parallel_loop3A_442, %parallel_loop3A_443] {strides = array<i32>} : memref<2x3x16x512xf32, #tpu.memory_space<vmem>>, vector<16xf32>,
        tpu.vector_store %arg8[%parallel_loop3A_440, %parallel_loop3A_441, %parallel_loop3A_442, %parallel_loop3A_443], %parallel_loop3A_437 {strides = array<i32>} : memref<2x3x16x512xf32, #tpu.memory_space<vmem>>, vector<16xf32>,
      } {sc.loop_unroll_factor = 4 : i64, sc.parallel_access}
      %mul3A_306 = arith.constant 16 : i32
      %mul3A_307 = arith.muli %scan3A_130, %mul3A_306 : i32
      %add3A_308 = arith.addi %mul3A_32, %mul3A_307 : i32
      %dma_start3A_309 = arith.constant 1 : i32
      %dma_start3A_310 = arith.constant 0 : i32
      %dma_start3A_311 = arith.constant 0 : i32
      %dma_start3A_312 = arith.constant 0 : i32
      %dma_start3A_313 = tpu.memref_slice %arg8[%dma_start3A_309, %dma_start3A_310, %dma_start3A_311, %dma_start3A_312] : memref<2x3x16x512xf32, #tpu.memory_space<vmem>> -> memref<1x3x16x512xf32, #tpu.memory_space<vmem>>
      %dma_start3A_314 = tpu.memref_squeeze %dma_start3A_313 : memref<1x3x16x512xf32, #tpu.memory_space<vmem>> -> memref<3x16x512xf32, #tpu.memory_space<vmem>>
      %dma_start3A_315 = arith.constant 0 : i32
      %dma_start3A_316 = arith.constant 0 : i32
      %dma_start3A_317 = tpu.memref_slice %arg5[%select_n3A, %dma_start3A_315, %add3A_308, %dma_start3A_316] : memref<8x3x512x512xf32, #tpu.memory_space<hbm>> -> memref<1x3x16x512xf32, #tpu.memory_space<hbm>>
      %dma_start3A_318 = tpu.memref_squeeze %dma_start3A_317 : memref<1x3x16x512xf32, #tpu.memory_space<hbm>> -> memref<3x16x512xf32, #tpu.memory_space<hbm>>
      %dma_start3A_319 = arith.constant 0 : i32
      %dma_start3A_320 = arith.constant 0 : i32
      %dma_start3A_321 = tpu.memref_slice %arg5[%select_n3A, %dma_start3A_319, %add3A_308, %dma_start3A_320] : memref<8x3x512x512xf32, #tpu.memory_space<hbm>> -> memref<1x3x16x512xf32, #tpu.memory_space<hbm>>
      %dma_start3A_322 = tpu.memref_squeeze %dma_start3A_321 : memref<1x3x16x512xf32, #tpu.memory_space<hbm>> -> memref<3x16x512xf32, #tpu.memory_space<hbm>>
      %dma_start3A_323 = arith.constant 0 : i32
      %dma_start3A_324 = arith.constant 0 : i32
      %dma_start3A_325 = arith.constant 0 : i32
      %dma_start3A_326 = tpu.memref_slice %arg8[%dma_start3A_309, %dma_start3A_323, %dma_start3A_324, %dma_start3A_325] : memref<2x3x16x512xf32, #tpu.memory_space<vmem>> -> memref<1x3x16x512xf32, #tpu.memory_space<vmem>>
      %dma_start3A_327 = tpu.memref_squeeze %dma_start3A_326 : memref<1x3x16x512xf32, #tpu.memory_space<vmem>> -> memref<3x16x512xf32, #tpu.memory_space<vmem>>
      tpu.enqueue_dma source(%dma_start3A_327 : memref<3x16x512xf32, #tpu.memory_space<vmem>>) target(%dma_start3A_322 : memref<3x16x512xf32, #tpu.memory_space<hbm>>) target_semaphore(%arg12 : memref<!tpu.dma_semaphore, #tpu.memory_space<semaphore_mem>>)
    }
    %scan3A_86 = arith.constant 8 : i32
    %dma_wait3A = arith.constant 0 : i32
    %dma_wait3A_87 = arith.constant 0 : i32
    %dma_wait3A_88 = arith.constant 0 : i32
    %dma_wait3A_89 = arith.constant 0 : i32
    %dma_wait3A_90 = arith.constant 0 : i32
    %dma_wait3A_91 = tpu.memref_slice %arg8[%dma_wait3A, %dma_wait3A_88, %dma_wait3A_89, %dma_wait3A_90] : memref<2x3x16x512xf32, #tpu.memory_space<vmem>> -> memref<1x3x16x512xf32, #tpu.memory_space<vmem>>
    %dma_wait3A_92 = tpu.memref_squeeze %dma_wait3A_91 : memref<1x3x16x512xf32, #tpu.memory_space<vmem>> -> memref<3x16x512xf32, #tpu.memory_space<vmem>>
    %dma_wait3A_93 = arith.constant 0 : i32
    %dma_wait3A_94 = arith.constant 0 : i32
    %dma_wait3A_95 = arith.constant 0 : i32
    %dma_wait3A_96 = tpu.memref_slice %arg4[%dma_wait3A_87, %dma_wait3A_93, %dma_wait3A_94, %dma_wait3A_95] : memref<8x3x512x512xf32, #tpu.memory_space<hbm>> -> memref<1x3x16x512xf32, #tpu.memory_space<hbm>>
    %dma_wait3A_97 = tpu.memref_squeeze %dma_wait3A_96 : memref<1x3x16x512xf32, #tpu.memory_space<hbm>> -> memref<3x16x512xf32, #tpu.memory_space<hbm>>
    %dma_wait3A_98 = arith.constant 0 : i32
    %dma_wait3A_99 = arith.constant 0 : i32
    %dma_wait3A_100 = arith.constant 0 : i32
    %dma_wait3A_101 = tpu.memref_slice %arg4[%dma_wait3A_87, %dma_wait3A_98, %dma_wait3A_99, %dma_wait3A_100] : memref<8x3x512x512xf32, #tpu.memory_space<hbm>> -> memref<1x3x16x512xf32, #tpu.memory_space<hbm>>
    %dma_wait3A_102 = tpu.memref_squeeze %dma_wait3A_101 : memref<1x3x16x512xf32, #tpu.memory_space<hbm>> -> memref<3x16x512xf32, #tpu.memory_space<hbm>>
    %dma_wait3A_103 = arith.constant 0 : i32
    %dma_wait3A_104 = arith.constant 0 : i32
    %dma_wait3A_105 = arith.constant 0 : i32
    %dma_wait3A_106 = tpu.memref_slice %arg8[%dma_wait3A, %dma_wait3A_103, %dma_wait3A_104, %dma_wait3A_105] : memref<2x3x16x512xf32, #tpu.memory_space<vmem>> -> memref<1x3x16x512xf32, #tpu.memory_space<vmem>>
    %dma_wait3A_107 = tpu.memref_squeeze %dma_wait3A_106 : memref<1x3x16x512xf32, #tpu.memory_space<vmem>> -> memref<3x16x512xf32, #tpu.memory_space<vmem>>
    tpu.wait_dma2 semaphore(%arg11 : memref<!tpu.dma_semaphore, #tpu.memory_space<semaphore_mem>>) src(%dma_wait3A_107 : memref<3x16x512xf32, #tpu.memory_space<vmem>>) dst(%dma_wait3A_102 : memref<3x16x512xf32, #tpu.memory_space<hbm>>)
    %dma_wait3A_108 = arith.constant 1 : i32
    %dma_wait3A_109 = arith.constant 0 : i32
    %dma_wait3A_110 = arith.constant 0 : i32
    %dma_wait3A_111 = arith.constant 0 : i32
    %dma_wait3A_112 = arith.constant 0 : i32
    %dma_wait3A_113 = tpu.memref_slice %arg8[%dma_wait3A_108, %dma_wait3A_110, %dma_wait3A_111, %dma_wait3A_112] : memref<2x3x16x512xf32, #tpu.memory_space<vmem>> -> memref<1x3x16x512xf32, #tpu.memory_space<vmem>>
    %dma_wait3A_114 = tpu.memref_squeeze %dma_wait3A_113 : memref<1x3x16x512xf32, #tpu.memory_space<vmem>> -> memref<3x16x512xf32, #tpu.memory_space<vmem>>
    %dma_wait3A_115 = arith.constant 0 : i32
    %dma_wait3A_116 = arith.constant 0 : i32
    %dma_wait3A_117 = arith.constant 0 : i32
    %dma_wait3A_118 = tpu.memref_slice %arg5[%dma_wait3A_109, %dma_wait3A_115, %dma_wait3A_116, %dma_wait3A_117] : memref<8x3x512x512xf32, #tpu.memory_space<hbm>> -> memref<1x3x16x512xf32, #tpu.memory_space<hbm>>
    %dma_wait3A_119 = tpu.memref_squeeze %dma_wait3A_118 : memref<1x3x16x512xf32, #tpu.memory_space<hbm>> -> memref<3x16x512xf32, #tpu.memory_space<hbm>>
    %dma_wait3A_120 = arith.constant 0 : i32
    %dma_wait3A_121 = arith.constant 0 : i32
    %dma_wait3A_122 = arith.constant 0 : i32
    %dma_wait3A_123 = tpu.memref_slice %arg5[%dma_wait3A_109, %dma_wait3A_120, %dma_wait3A_121, %dma_wait3A_122] : memref<8x3x512x512xf32, #tpu.memory_space<hbm>> -> memref<1x3x16x512xf32, #tpu.memory_space<hbm>>
    %dma_wait3A_124 = tpu.memref_squeeze %dma_wait3A_123 : memref<1x3x16x512xf32, #tpu.memory_space<hbm>> -> memref<3x16x512xf32, #tpu.memory_space<hbm>>
    %dma_wait3A_125 = arith.constant 0 : i32
    %dma_wait3A_126 = arith.constant 0 : i32
    %dma_wait3A_127 = arith.constant 0 : i32
    %dma_wait3A_128 = tpu.memref_slice %arg8[%dma_wait3A_108, %dma_wait3A_125, %dma_wait3A_126, %dma_wait3A_127] : memref<2x3x16x512xf32, #tpu.memory_space<vmem>> -> memref<1x3x16x512xf32, #tpu.memory_space<vmem>>
    %dma_wait3A_129 = tpu.memref_squeeze %dma_wait3A_128 : memref<1x3x16x512xf32, #tpu.memory_space<vmem>> -> memref<3x16x512xf32, #tpu.memory_space<vmem>>
    tpu.wait_dma2 semaphore(%arg12 : memref<!tpu.dma_semaphore, #tpu.memory_space<semaphore_mem>>) src(%dma_wait3A_129 : memref<3x16x512xf32, #tpu.memory_space<vmem>>) dst(%dma_wait3A_124 : memref<3x16x512xf32, #tpu.memory_space<hbm>>)
    return
  }
}

</mosaic_0001>

<sc_bundles>
// kernel: kernel.3.cloned.1.call-start
scs
__scs_entry_jumppad:
0x0: {  	(pc) =	sbr.rel $0x88, $3  }
0x1: {  	(tag) =	ssettag $0x0;
	lr =	simm.s32 $0x1  }
0x2: {  	[smem:$0x3F9F] =	sst lr;
	_ =	strace $0xD0000000  }
0x3: {  	_ = 	snop  }
0x4: {  	_ = 	snop  }
0x5: {  	_ = 	snop  }
0x6: {  	_ = 	snop  }
0x7: {  	_ = 	snop  }
__scs_overlays_trampoline_lowered:
0x8: {  	[smem:$0x3FAE] =	sst s0  }
0x9: {  	[smem:$0x3FAF] =	sst s1  }
0xa: {  	[smem:$0x3FB0] =	sst s2  }
0xb: {  	[smem:$0x3FB1] =	sst s3  }
0xc: {  	[smem:$0x3FB2] =	sst s4  }
0xd: {  	[smem:$0x3FB3] =	sst s5  }
0xe: {  	[smem:$0x3FB4] =	sst s6  }
0xf: {  	[smem:$0x3FB5] =	sst s7  }
0x10: {  	[smem:$0x3FB6] =	sst s8  }
0x11: {  	[smem:$0x3FB7] =	sst s9;
	s0 =	simm.s32 @!p0 $0x0  }
0x12: {  	s1 =	sld [smem:$0x3F9D];
	s0 =	simm.s32 @p0 $0x1  }
0x13: {  	[smem:$0x3FB8] =	sst s0;
	s0 =	simm.s32 @!p1 $0x0  }
0x14: {  	s2 =	sld [smem:$0x3F9C];
	s0 =	simm.s32 @p1 $0x1  }
0x15: {  	[smem:$0x3FB9] =	sst s0;
	s0 =	simm.s32 @!p2 $0x0  }
0x16: {  	s3 =	sld [smem:$0x3FDB];
	s0 =	simm.s32 @p2 $0x1  }
0x17: {  	s4 =	simm.s32 $0x1BF5;
	[smem:$0x3FBB] =	sst s0  }
0x18: {  	s0 =	sld [smem:$0x3F9E];
	_ =	swait.ge [sflag:s4], $0x0  }
0x19: {  	s7 =	sld [smem:$0x3F9F]  }
0x1a: {  	s8 =	sadd.s32 $0xFFFFE003, lr  }
0x1b: {  	s9 =	sadd.s32 $0xFFFFFEF7, lr;
	s5 =	simm.s32 $0xFFFFFFFF;
	p2 =	slt.u32 s8, $0xFFFFF086  }
0x1c: {  	p1 =	slt.u32 s9, $0xF7A;
	s5 =	simm.s32 @!p2 $0x0  }
0x1d: {  	s5 =	simm.s32 @p1 $0x1;
	p0 =	seq.s32 s7, s2  }
0x1e: {  	s7 =	smul.u32 @!p0 $0xF7A, s2;
	p2 =	seq.s32 @!p0 s5, $0x0  }
0x1f: {  	s9 =	smul.u32 $0xF7A, s1;
	s8 =	simm.s32 @!p0 $0x1BF5;
	p2 =	por !p2, p0  }
0x20: {  	[sflag:s8] =	ssyncset.s32 @!p0 $0xFFFFF086;
	s6 =	sadd.s32 @!p0 s3, s7;
	s7 =	simm.s32 @!p0 $0x108  }
0x21: {  	s3 =	sadd.s32 s3, s9;
	s6 =	sadd.s32 @!p0 $0x88, s6;
	s7 =	simm.s32 @p2 $0x1082  }
0x22: {  	[simem:s7], [sflag:s8] =	dma.local @!p0 [hbm:s6], $0xF7A  }
0x23: {  	s9 =	sor.u32 $0xD0000000, s2;
	s6 =	simm.s32 $0x108;
	_ =	swait.ge @!p0 [sflag:s8], $0x0  }
0x24: {  	s3 =	sadd.s32 $0x88, s3;
	s6 =	simm.s32 @!p1 $0x1082;
	[sflag:s4] =	ssyncset.s32 $0xFFFFF086  }
0x25: {  	[simem:s6], [sflag:s4] =	dma.local [hbm:s3], $0xF7A  }
0x26: {  	[smem:$0x3F9F] =	sst s1;
	(tag) =	ssettag s2;
	_ =	strace s9  }
0x27: {  	s1 =	sld [smem:$0x3FAF]  }
0x28: {  	s2 =	sld [smem:$0x3FB0]  }
0x29: {  	s4 =	sld [smem:$0x3FB2]  }
0x2a: {  	p0 =	seq.s32 s5, $0x0;
	s5 =	sld [smem:$0x3FB3]  }
0x2b: {  	s6 =	sld [smem:$0x3FB4]  }
0x2c: {  	s7 =	sld [smem:$0x3FB5]  }
0x2d: {  	s3 =	simm.s32 $0x108;
	s8 =	sld [smem:$0x3FB6]  }
0x2e: {  	s3 =	simm.s32 @!p0 $0x1082;
	s9 =	sld [smem:$0x3FB7]  }
0x2f: {  	lr =	sadd.s32 s0, s3;
	s0 =	sld [smem:$0x3FAE]  }
0x30: {  	s3 =	sld [smem:$0x3FB1]  }
0x31: {  	[smem:$0x3FBA] =	sst s10  }
0x32: {  	s10 =	sld [smem:$0x3FB8];
	_ =	sdelay $0x3  }
0x33: {  	p0 =	seq.s32 s10, $0x1;
	s10 =	sld [smem:$0x3FBA];
	_ =	sdelay $0x3  }
0x34: {  	[smem:$0x3FBA] =	sst s10  }
0x35: {  	s10 =	sld [smem:$0x3FB9];
	_ =	sdelay $0x3  }
0x36: {  	p1 =	seq.s32 s10, $0x1;
	s10 =	sld [smem:$0x3FBA];
	_ =	sdelay $0x3  }
0x37: {  	[smem:$0x3FBA] =	sst s10  }
0x38: {  	s10 =	sld [smem:$0x3FBB]  }
0x39: {  	_ = 	snop;
	(pc) =	sbr.ind lr, $3  }
0x3a: {  	_ = 	snop  }
0x3b: {  	_ = 	snop  }
0x3c: {  	p2 =	seq.s32 s10, $0x1;
	s10 =	sld [smem:$0x3FBA]  }
0x3d: {  	_ =	shalt  }
0x3e: {  	_ =	shalt  }
0x3f: {  	_ =	shalt  }
0x40: {  	_ =	shalt  }
0x41: {  	_ =	shalt  }
0x42: {  	_ =	shalt  }
0x43: {  	_ =	shalt  }
0x44: {  	_ =	shalt  }
0x45: {  	_ =	shalt  }
0x46: {  	_ =	shalt  }
0x47: {  	_ =	shalt  }
0x48: {  	_ =	shalt  }
0x49: {  	_ =	shalt  }
0x4a: {  	_ =	shalt  }
0x4b: {  	_ =	shalt  }
0x4c: {  	_ =	shalt  }
0x4d: {  	_ =	shalt  }
0x4e: {  	_ =	shalt  }
0x4f: {  	_ =	shalt  }
0x50: {  	_ =	shalt  }
0x51: {  	_ =	shalt  }
0x52: {  	_ =	shalt  }
0x53: {  	_ =	shalt  }
0x54: {  	_ =	shalt  }
0x55: {  	_ =	shalt  }
0x56: {  	_ =	shalt  }
0x57: {  	_ =	shalt  }
0x58: {  	_ =	shalt  }
0x59: {  	_ =	shalt  }
0x5a: {  	_ =	shalt  }
0x5b: {  	_ =	shalt  }
0x5c: {  	_ =	shalt  }
0x5d: {  	_ =	shalt  }
0x5e: {  	_ =	shalt  }
0x5f: {  	_ =	shalt  }
0x60: {  	_ =	shalt  }
0x61: {  	_ =	shalt  }
0x62: {  	_ =	shalt  }
0x63: {  	_ =	shalt  }
0x64: {  	_ =	shalt  }
0x65: {  	_ =	shalt  }
0x66: {  	_ =	shalt  }
0x67: {  	_ =	shalt  }
0x68: {  	_ =	shalt  }
0x69: {  	_ =	shalt  }
0x6a: {  	_ =	shalt  }
0x6b: {  	_ =	shalt  }
0x6c: {  	_ =	shalt  }
0x6d: {  	_ =	shalt  }
0x6e: {  	_ =	shalt  }
0x6f: {  	_ =	shalt  }
0x70: {  	_ =	shalt  }
0x71: {  	_ =	shalt  }
0x72: {  	_ =	shalt  }
0x73: {  	_ =	shalt  }
0x74: {  	_ =	shalt  }
0x75: {  	_ =	shalt  }
0x76: {  	_ =	shalt  }
0x77: {  	_ =	shalt  }
0x78: {  	_ =	shalt  }
0x79: {  	_ =	shalt  }
0x7a: {  	_ =	shalt  }
0x7b: {  	_ =	shalt  }
0x7c: {  	_ =	shalt  }
0x7d: {  	_ =	shalt  }
0x7e: {  	_ =	shalt  }
0x7f: {  	_ =	shalt  }
0x80: {  	_ =	shalt  }
0x81: {  	_ =	shalt  }
0x82: {  	_ =	shalt  }
0x83: {  	_ =	shalt  }
0x84: {  	_ =	shalt  }
0x85: {  	_ =	shalt  }
0x86: {  	_ =	shalt  }
0x87: {  	_ =	shalt  }
.Lfunc_end0:
.L_simem_size_0:
called_computation_lowered:
.L_overlay_start_0:
0x88: {  	s2 =	sld [smem:$0x3FD9]  }
0x89: {  	s3 =	sld [smem:$0x3FFE];
	_ =	sdelay $0x1  }
0x8a: {  	s1 =	srdreg.scid  }
0x8b: {  	s0 =	sand.u32 $0x1, s1  }
0x8c: {  	s15 =	sshll.u32 s0, $0xA;
	s2 =	sadd.s32 s3, s2  }
0x8d: {  	s2 =	sadd.s32 s2, s15  }
0x8e: {  	[smem:$0x3FC6] =	sst s2  }
0x8f: {  	_ = 	snop  }
0x90: {  	s2 =	sld [smem:$0x3FD0];
	_ =	sdelay $0x1  }
0x91: {  	s16 =	sld [smem:$0x3FC9]  }
0x92: {  	s5 =	simm.s32 $0xA;
	s6 =	simm.s32 $0x10;
	s4 =	sld [smem:$0x3FC8]  }
0x93: {  	[smem:s6], [sflag:s5] =	dma.local [hbm:s2], $0x1  }
0x94: {  	_ =	swait.eq [sflag:s5], $0x1  }
0x95: {  	[sflag:s5] =	ssyncset.done $0x0  }
0x96: {  	s17 =	sld [smem:$0x10];
	[sflag:s5] =	ssyncadd.s32 $0xFFFFFFFF  }
0x97: {  	s18 =	sld [smem:$0x11];
	(tm) =	ssettm $0x1  }
0x98: {  	s19 =	sld [smem:$0x3FFB];
	_ =	sdelay $0x3  }
0x99: {  	_ =	strace s19  }
0x9a: {  	s6 =	sld [smem:$0x3FFC];
	_ =	sdelay $0x3  }
0x9b: {  	_ =	strace s6  }
0x9c: {  	s6 =	sld [smem:$0x3FFD];
	_ =	sdelay $0x3  }
0x9d: {  	_ =	strace s6  }
0x9e: {  	_ =	strace $0x8FFFFFFF  }
0x9f: {  	s20 =	sld [smem:$0x3FDB];
	_ =	sdelay $0x1  }
0xa0: {  	s7 =	simm.s32 $_scs_section_size  }
0xa1: {  	s8 =	simm.s32 $_size__tile_overlayer_lowered;
	s9 =	simm.s32 $_tile_overlayer_lowered  }
0xa2: {  	s23 =	simm.s32 $0x1BFF;
	s22 =	sshll.u32 s9, $0x1;
	s6 =	sadd.s32 s7, s20  }
0xa3: {  	s10 =	simm.s32 $0x0;
	s21 =	sshll.u32 s8, $0x1;
	s8 =	sadd.s32 s22, s6  }
0xa4: {  	[timem:s10], [sflag:s23] =	dma.local [hbm:s8], s21  }
0xa5: {  	_ =	swait.ge [sflag:s23], s21  }
0xa6: {  	s7 =	ssub.s32 $0x0, s21;
	[sflag:s23] =	ssyncset.done $0x0  }
0xa7: {  	[sflag:s23] =	ssyncadd.s32 s7;
	_ =	sdelay $0x1  }
0xa8: {  	s24 =	simm.s32 $0x1B8B  }
0xa9: {  	_ =	swait.ge [sflag:s24], $0x1  }
0xaa: {  	[sflag:s24] =	ssyncset.done $0x0  }
0xab: {  	s25 =	simm.s32 $0x1B8E;
	[sflag:s24] =	ssyncadd.s32 $0xFFFFFFFF  }
0xac: {  	s26 =	simm.s32 $execute0_lowered;
	[smem:$0x3FD2] =	sst s25  }
0xad: {  	s7 =	sshll.u32 s26, $0x1;
	_ =	strace $0x80000046;
	[dreg:$0x1] =	wrdreg $0xFFFFFFFF  }
0xae: {  	s28 =	simm.s32 $_size_execute0_lowered;
	s6 =	sadd.s32 s6, s7;
	[dreg:$0x0] =	wrdreg $0x0  }
0xaf: {  	s7 =	sshll.u32 s28, $0x1;
	[dreg:$0x2] =	wrdreg s6  }
0xb0: {  	[dreg:$0x3] =	wrdreg s7  }
0xb1: {  	[dreg:$0x4] =	wrdreg $0xC0  }
0xb2: {  	_ =	task [dreg:s10], $0x5FFFF  }
0xb3: {  	[dreg:$0x1] =	wrdreg $0xFFFFFFFF  }
0xb4: {  	[dreg:$0x0] =	wrdreg $0x60  }
0xb5: {  	[dreg:$0x2] =	wrdreg s16  }
0xb6: {  	[dreg:$0x3] =	wrdreg s4  }
0xb7: {  	[dreg:$0x4] =	wrdreg s17  }
0xb8: {  	[dreg:$0x5] =	wrdreg s18  }
0xb9: {  	[dreg:$0x6] =	wrdreg $0x9  }
0xba: {  	_ =	task.clear_ibuf [dreg:s10], $0x7FFFF;
	_ =	strace $0x90000046  }
0xbb: {  	s29 =	simm.s32 $0x9;
	_ =	strace $0x80000048  }
0xbc: {  	_ =	swait.ge [sflag:s29], $0x1  }
0xbd: {  	[sflag:s29] =	ssyncadd.s32 $0xFFFFFFFF  }
0xbe: {  	_ =	strace $0x90000048  }
0xbf: {  	_ =	sfence  }
0xc0: {  	s30 =	sld [smem:$0x0];
	_ =	sdelay $0x2  }
0xc1: {  	s31 =	sshll.u32 s1, $0xD;
	s1 =	sshrl.u32 s1, $0x2  }
0xc2: {  	s3 =	sand.u32 $0x4000, s31;
	s1 =	sadd.s32 s1, s30  }
0xc3: {  	s0 =	sor.u32 s3, s0;
	s1 =	sshll.u32 s1, $0x11  }
0xc4: {  	s0 =	sor.u32 s1, s0  }
0xc5: {  	s0 =	sadd.s32 $0x8F2B, s0  }
0xc6: {  	[sflag:s0] =	ssyncadd.remote.s32 $0x1  }
0xc7: {  	_ =	sfence.sel $0xFFFF  }
0xc8: {  	[dreg:$0x0] =	wrdreg $0xFFFFFFFF;
	(pc) =	sbr.abs _section_cstart, $3  }
0xc9: {  	[dreg:$0x1] =	wrdreg $0xFFFFFFFF  }
0xca: {  	_ =	task.clear_ibuf [dreg:s10], $0x2FFFF;
	_ =	strace $0x9FFFFFFF  }
0xcb: {  	(tm) =	ssettm $0x7FFFFFFF  }
tec
execute0_lowered:
.L_overlay_start_1:
0x0: {  	(tag) =	ssettag $0x1  }
0x1: {  	s18 =	rddreg [dreg:$0x0]  }
0x2: {  	s19 =	rddreg [dreg:$0x1];
	s0 =	simm.s32 $0x0;
	s2 =	stileid.u32  }
0x3: {  	s22 =	srdreg.scid;
	s29 =	simm.s32 $0xC000;
	[smem:$0x7FF] =	sst s0  }
0x4: {  	s1 =	sshll.u32 s2, $0x1;
	s0 =	sand.u32 $0x1, s22;
	s2 =	sshrl.u32 s2, $0x1  }
0x5: {  	_ =	strace $0x80000047;
	s1 =	sand.u32 $0x2, s1;
	s3 =	ssub.s32 $0x2, s0  }
0x6: {  	s20 =	smul.u32 $0xC0000, s2;
	s21 =	sshll.u32 s2, $0x12;
	s0 =	sor.u32 s0, s1  }
0x7: {  	s23 =	sshrl.u32 s3, $0x1;
	[dreg:$0xf] =	wrdreg s21;
	s4 =	sshll.u32 s0, $0x10  }
0x8: {  	s1 =	ssub.s32 s3, s23;
	s25 =	sshll.u32 s0, $0x7;
	[dreg:$0xe] =	wrdreg s20  }
0x9: {  	s24 =	sor.u32 s20, s4;
	s2 =	sor.u32 s21, s4;
	[dreg:$0x11] =	wrdreg s25  }
.Ltmp0:
0xa: {  	s30 =	sor.u32 $0x10, s25;
	[dreg:$0x10] =	wrdreg s24;
	(pc) =	sbr.rel .LBB2_1-.Ltmp0, $4  }
0xb: {  	s31 =	smax.u32 s1, $0x1;
	s26 =	sshrl.u32 s24, $0x3;
	[dreg:$0x14] =	wrdreg s30  }
0xc: {  	s2 =	sshrl.u32 s2, $0x3;
	[dreg:$0x15] =	wrdreg s31;
	s0 =	sadd.s32 s18, s26  }
0xd: {  	s23 =	simm.s32 $0x8000;
	s28 =	sadd.s32 s19, s2;
	[dreg:$0x12] =	wrdreg s0  }
0xe: {  	v0 =	vimm.f32 $0.0e+00;
	v1 =	vlaneseq.u32;
	v2 =	vimm.f32 $1.000000000e+00;
	s4 =	simm.s32 $0x40000;
	s2 =	simm.s32 $0x0;
	[dreg:$0x13] =	wrdreg s28  }
.LBB2_23:
0xf: {  	s0 =	simm.s32 $0x3  }
0x10: {  	_ =	swait.ge [sflag:s0], $0x6000  }
0x11: {  	[sflag:s0] =	ssyncset.done $0x0  }
0x12: {  	s1 =	simm.s32 $0x4;
	[sflag:s0] =	ssyncadd.s32 $0xFFFFA000  }
0x13: {  	_ =	swait.ge [sflag:s1], $0x6000  }
0x14: {  	s2 =	rddreg [dreg:$0x16]  }
0x15: {  	s31 =	rddreg [dreg:$0x15];
	s2 =	sadd.s32 $0x1, s2  }
0x16: {  	p0 =	sne.s32 s2, s31  }
.Ltmp1:
0x17: {  	_ = 	snop;
	(pc) =	sbr.rel @!p0 .LBB2_24-.Ltmp1, $3  }
0x18: {  	_ =	sdelay $0x1  }
0x19: {  	[sflag:s1] =	ssyncset.done $0x0  }
0x1a: {  	[sflag:s1] =	ssyncadd.s32 $0xFFFFA000  }
.LBB2_1:
0x1b: {  	[dreg:$0x16] =	wrdreg s2  }
0x1c: {  	s0 =	simm.s32 $0x0;
	s1 =	rddreg [dreg:$0x12];
	s28 =	simm.s32 $0x1000  }
0x1d: {  	[tilespmem:s0], [sflag:$0x1] =	stream.strided.gather [hbm4b:s1+s28], $0x3000, s4, s28, $0x38;
	[tilespmem:$0x18000] =	vst v63  }
0x1e: {  	s30 =	rddreg [dreg:$0x13];
	s31 =	simm.s32 $0x3000;
	s25 =	simm.s32 $0x0  }
0x1f: {  	[tilespmem:s31], [sflag:$0x1] =	stream.linear.gather [hbm4b:s30+s0], $0x1000, $0x38;
	[tilespmem:$0x18000] =	vst v63  }
.LBB2_2:
0x20: {  	s31 =	sshll.u32 s25, $0x4;
	s0 =	rddreg [dreg:$0x11]  }
0x21: {  	s0 =	sor.u32 s31, s0  }
0x22: {  	s0 =	sshll.u32 s0, $0x9  }
0x23: {  	s0 =	sor.u32 $0x1000, s0  }
0x24: {  	s2 =	simm.s32 $0x1000;
	s1 =	sor.u32 s20, s0  }
0x25: {  	s3 =	simm.s32 $0x4000;
	s0 =	sor.u32 s21, s0;
	s1 =	sshrl.u32 s1, $0x3  }
0x26: {  	s11 =	simm.s32 $0x0;
	s0 =	sshrl.u32 s0, $0x3;
	s1 =	sadd.s32 s18, s1  }
0x27: {  	[tilespmem:s3], [sflag:$0x2] =	stream.strided.gather [hbm4b:s1+s2], $0x3000, s4, s2, $0x38;
	[tilespmem:$0x18000] =	vst v63  }
0x28: {  	s12 =	simm.s32 $0x7000;
	p0 =	seq.s32 s25, $0x0;
	s0 =	sadd.s32 s19, s0  }
0x29: {  	[tilespmem:s12], [sflag:$0x2] =	stream.linear.gather [hbm4b:s0+s11], $0x1000, $0x38;
	[tilespmem:$0x18000] =	vst v63  }
0x2a: {  	s13 =	simm.s32 $0x0;
	s14 =	simm.s32 $0x0;
	s0 =	simm.s32 $0x0  }
0x2b: {  	s1 =	simm.s32 @!p0 $0x3;
	s2 =	sand.u32 $0x1000, s13;
	s15 =	sand.u32 $0xC00, s0  }
0x2c: {  	s3 =	sand.u32 $0x380, s14;
	_ =	swait.ge @!p0 [sflag:s1], $0x6000;
	s2 =	sor.u32 s15, s2  }
0x2d: {  	s6 =	sand.u32 $0x40, s0;
	[sflag:s1] =	ssyncset.done @!p0 $0x0;
	s2 =	sor.u32 s3, s2  }
0x2e: {  	s17 =	sor.u32 $0x30, s6;
	[sflag:s1] =	ssyncadd.s32 @!p0 $0xFFFFA000;
	s16 =	sor.u32 s6, s2  }
0x2f: {  	s22 =	sor.u32 s17, s2;
	[tilespmem:s16+$0x8000] =	vst v0  }
0x30: {  	[tilespmem:s22+$0xC000] =	vst v0  }
0x31: {  	s9 =	sor.u32 $0x20, s6;
	[tilespmem:s22+$0x8000] =	vst v0  }
0x32: {  	s28 =	sor.u32 s9, s2;
	[tilespmem:s16+$0xC000] =	vst v0  }
0x33: {  	s7 =	sor.u32 $0xE000, s2;
	[tilespmem:s28+$0xC000] =	vst v0  }
0x34: {  	s24 =	sor.u32 s17, s7;
	[tilespmem:s28+$0x8000] =	vst v0  }
0x35: {  	s10 =	sor.u32 $0x10, s6;
	s8 =	sor.u32 $0x10000, s2;
	s11 =	sor.u32 s9, s7;
	[tilespmem:s24+$0x0] =	vst v0  }
0x36: {  	s1 =	simm.s32 $0x0;
	s5 =	sor.u32 s10, s2;
	s26 =	sor.u32 s17, s8;
	[tilespmem:s11+$0x0] =	vst v0  }
0x37: {  	s2 =	simm.s32 $0x0;
	s4 =	sor.u32 s6, s7;
	s30 =	sor.u32 s9, s8;
	[tilespmem:s26+$0x0] =	vst v0  }
0x38: {  	s6 =	sor.u32 s6, s8;
	s3 =	sor.u32 s10, s8;
	s7 =	sor.u32 s10, s7;
	[tilespmem:s30+$0x0] =	vst v0  }
.LBB2_3:
0x39: {  	s1 =	sadd.s32 $0x4, s1;
	[tilespmem:s5+$0xC000] =	vst v0;
	s0 =	sadd.s32 $0x40, s0;
	s2 =	sadd.s32 $0x200, s2  }
0x3a: {  	s8 =	sshll.u32 s1, $0x4;
	s9 =	sshll.u32 s1, $0x2;
	p1 =	slt.u32 s1, $0x1FC;
	[tilespmem:s5+$0x8000] =	vst v0  }
0x3b: {  	s5 =	sand.u32 $0x1000, s8;
	s8 =	sand.u32 $0xC00, s2;
	[tilespmem:s4+$0x0] =	vst v0  }
0x3c: {  	s4 =	sor.u32 s8, s5;
	s5 =	sand.u32 $0x380, s9;
	[tilespmem:s6+$0x0] =	vst v0  }
0x3d: {  	s6 =	sand.u32 $0x40, s0;
	s8 =	sor.u32 s5, s4;
	[tilespmem:s7+$0x0] =	vst v0  }
0x3e: {  	s10 =	sor.u32 $0x30, s6;
	s7 =	sor.u32 s6, s8;
	s9 =	sor.u32 $0xE000, s8;
	[tilespmem:s3+$0x0] =	vst v0  }
0x3f: {  	s11 =	sor.u32 $0x10, s6;
	s12 =	sor.u32 $0x20, s6;
	s3 =	sor.u32 s10, s8;
	[tilespmem:s7+$0x8000] =	vst v0  }
0x40: {  	s5 =	sor.u32 s11, s8;
	s13 =	sor.u32 s12, s8;
	s4 =	sor.u32 s6, s9;
	[tilespmem:s3+$0xC000] =	vst v0  }
0x41: {  	s8 =	sor.u32 $0x10000, s8;
	s14 =	sor.u32 s12, s9;
	s15 =	sor.u32 s10, s9;
	[tilespmem:s3+$0x8000] =	vst v0  }
0x42: {  	s6 =	sor.u32 s6, s8;
	s10 =	sor.u32 s10, s8;
	s3 =	sor.u32 s11, s8;
	[tilespmem:s7+$0xC000] =	vst v0  }
0x43: {  	s8 =	sor.u32 s12, s8;
	s7 =	sor.u32 s11, s9;
	[tilespmem:s15+$0x0] =	vst v0  }
.Ltmp2:
0x44: {  	[tilespmem:s10+$0x0] =	vst v0;
	(pc) =	sbr.rel @p1 .LBB2_3-.Ltmp2, $4  }
0x45: {  	[tilespmem:s13+$0xC000] =	vst v0  }
0x46: {  	[tilespmem:s13+$0x8000] =	vst v0  }
0x47: {  	[tilespmem:s14+$0x0] =	vst v0  }
0x48: {  	[tilespmem:s8+$0x0] =	vst v0  }
0x49: {  	[tilespmem:s5+$0xC000] =	vst v0  }
0x4a: {  	[tilespmem:s5+$0x8000] =	vst v0  }
0x4b: {  	[tilespmem:s4+$0x0] =	vst v0;
	s1 =	simm.s32 $0x0  }
0x4c: {  	s0 =	simm.s32 $0x0;
	s8 =	simm.s32 $0x0;
	[tilespmem:s6+$0x0] =	vst v0;
	s1 =	sand.u32 $0x1000, s1  }
0x4d: {  	[tilespmem:s7+$0x0] =	vst v0;
	s2 =	sand.u32 $0xC00, s0;
	s4 =	sand.u32 $0x380, s8;
	s9 =	sand.u32 $0x40, s0  }
0x4e: {  	[tilespmem:s3+$0x0] =	vst v0;
	s3 =	simm.s32 @!p0 $0x4;
	s1 =	sor.u32 s2, s1;
	s13 =	sor.u32 $0x30, s9  }
0x4f: {  	s26 =	sor.u32 $0x10, s9;
	_ =	swait.ge @!p0 [sflag:s3], $0x6000;
	s1 =	sor.u32 s4, s1  }
0x50: {  	[sflag:s3] =	ssyncset.done @!p0 $0x0;
	s4 =	sor.u32 $0xA000, s1;
	s14 =	sor.u32 $0x12000, s1  }
0x51: {  	s10 =	sor.u32 $0x14000, s1;
	[sflag:s3] =	ssyncadd.s32 @!p0 $0xFFFFA000;
	s15 =	sor.u32 s13, s4  }
0x52: {  	s11 =	sor.u32 $0x16000, s1;
	s16 =	sor.u32 s13, s14;
	s24 =	sor.u32 s9, s4;
	[tilespmem:s15+$0x0] =	vst v0  }
0x53: {  	s17 =	sor.u32 s13, s10;
	s22 =	sor.u32 s13, s11;
	s13 =	sor.u32 s26, s4;
	[tilespmem:s24+$0x0] =	vst v0  }
0x54: {  	[tilespmem:s13+$0x0] =	vst v0  }
0x55: {  	s28 =	sor.u32 s9, s14;
	[tilespmem:s16+$0x0] =	vst v0  }
0x56: {  	[tilespmem:s28+$0x0] =	vst v0  }
0x57: {  	s12 =	sor.u32 $0x20, s9;
	s1 =	simm.s32 $0x0;
	s30 =	sor.u32 s9, s10;
	[tilespmem:s17+$0x0] =	vst v0  }
0x58: {  	s2 =	sor.u32 s9, s11;
	s9 =	sor.u32 s26, s14;
	s8 =	sor.u32 s26, s10;
	[tilespmem:s30+$0x0] =	vst v0  }
0x59: {  	s7 =	sor.u32 s26, s11;
	s6 =	sor.u32 s12, s4;
	s5 =	sor.u32 s12, s14;
	[tilespmem:s22+$0x0] =	vst v0  }
0x5a: {  	s4 =	sor.u32 s12, s10;
	s3 =	sor.u32 s12, s11;
	[tilespmem:s2+$0x0] =	vst v0;
	s2 =	simm.s32 $0x0  }
.LBB2_5:
0x5b: {  	s1 =	sadd.s32 $0x4, s1;
	[tilespmem:s9+$0x0] =	vst v0  }
0x5c: {  	s0 =	sadd.s32 $0x200, s0;
	s2 =	sadd.s32 $0x40, s2;
	s9 =	sshll.u32 s1, $0x4;
	[tilespmem:s8+$0x0] =	vst v0  }
0x5d: {  	s10 =	sshll.u32 s1, $0x2;
	s8 =	sand.u32 $0x1000, s9;
	s9 =	sand.u32 $0xC00, s0;
	[tilespmem:s7+$0x0] =	vst v0  }
0x5e: {  	s7 =	sand.u32 $0x380, s10;
	s8 =	sor.u32 s9, s8;
	[tilespmem:s6+$0x0] =	vst v0;
	s6 =	sand.u32 $0x40, s2  }
0x5f: {  	p0 =	slt.u32 s1, $0x1FC;
	s7 =	sor.u32 s7, s8;
	[tilespmem:s5+$0x0] =	vst v0;
	s10 =	sor.u32 $0x10, s6  }
0x60: {  	s8 =	sor.u32 $0x30, s6;
	s11 =	sor.u32 $0x20, s6;
	s5 =	sor.u32 $0xA000, s7;
	[tilespmem:s4+$0x0] =	vst v0  }
0x61: {  	s4 =	sor.u32 $0x12000, s7;
	s12 =	sor.u32 $0x14000, s7;
	s9 =	sor.u32 s8, s5;
	[tilespmem:s3+$0x0] =	vst v0  }
0x62: {  	s14 =	sor.u32 $0x16000, s7;
	s3 =	sor.u32 s6, s5;
	[tilespmem:s9+$0x0] =	vst v0;
	s9 =	sor.u32 s8, s4  }
0x63: {  	s13 =	sor.u32 s6, s4;
	s7 =	sor.u32 s8, s12;
	s15 =	sor.u32 s6, s12;
	[tilespmem:s9+$0x0] =	vst v0  }
0x64: {  	s16 =	sor.u32 s6, s14;
	s6 =	sor.u32 s8, s14;
	s17 =	sor.u32 s10, s5;
	[tilespmem:s7+$0x0] =	vst v0  }
0x65: {  	s8 =	sor.u32 s10, s12;
	s9 =	sor.u32 s10, s4;
	s7 =	sor.u32 s10, s14;
	[tilespmem:s6+$0x0] =	vst v0  }
.Ltmp3:
0x66: {  	s6 =	sor.u32 s11, s5;
	s5 =	sor.u32 s11, s4;
	[tilespmem:s3+$0x0] =	vst v0;
	(pc) =	sbr.rel @p0 .LBB2_5-.Ltmp3, $4  }
0x67: {  	s4 =	sor.u32 s11, s12;
	s3 =	sor.u32 s11, s14;
	[tilespmem:s13+$0x0] =	vst v0  }
0x68: {  	[tilespmem:s15+$0x0] =	vst v0  }
0x69: {  	[tilespmem:s16+$0x0] =	vst v0  }
0x6a: {  	[tilespmem:s17+$0x0] =	vst v0  }
0x6b: {  	[tilespmem:s9+$0x0] =	vst v0  }
0x6c: {  	[tilespmem:s6+$0x0] =	vst v0  }
0x6d: {  	[tilespmem:s8+$0x0] =	vst v0  }
0x6e: {  	[tilespmem:s5+$0x0] =	vst v0  }
0x6f: {  	[tilespmem:s7+$0x0] =	vst v0  }
0x70: {  	[tilespmem:s4+$0x0] =	vst v0  }
0x71: {  	s6 =	simm.s32 $0x1;
	[tilespmem:s3+$0x0] =	vst v0  }
0x72: {  	_ =	swait.ge [sflag:s6], $0x3000  }
0x73: {  	s0 =	simm.s32 $0x0;
	[sflag:s6] =	ssyncset.done $0x0  }
0x74: {  	s2 =	simm.s32 $0x10;
	s0 =	sand.u32 $0xC00, s0;
	[sflag:s6] =	ssyncadd.s32 $0xFFFFD000  }
0x75: {  	s11 =	simm.s32 $0x0;
	s7 =	sadd.s32 $0x0, s0;
	_ =	swait.ge [sflag:s6], $0x1000  }
0x76: {  	s1 =	sand.u32 $0x70, s2;
	s9 =	sadd.s32 $0x3000, s7;
	[sflag:s6] =	ssyncset.done $0x0  }
0x77: {  	s0 =	sand.u32 $0x60, s11;
	s10 =	sor.u32 s1, s9;
	[sflag:s6] =	ssyncadd.s32 $0xFFFFF000  }
0x78: {  	s3 =	sor.u32 s0, s9;
	v3 =	vld [tilespmem:s10+$0x0]  }
0x79: {  	v4 =	vld [tilespmem:s3+$0x0];
	_ =	sdelay $0x3  }
0x7a: {  	v3 =	vmul.f32 $3.200000000e+01, v3  }
0x7b: {  	s12 =	simm.s32 $0x0;
	s14 =	simm.s32 $0x100;
	s2 =	sand.u32 $0x1F0, s2;
	v4 =	vmul.f32 $3.200000000e+01, v4  }
0x7c: {  	s15 =	simm.s32 $0x30;
	s24 =	simm.s32 $0x20;
	v5 =	vor.u32 s2, v1;
	s2 =	sand.u32 $0xC00, s14;
	v3 =	vadd.f32 $8.388608000e+06, v3  }
0x7d: {  	v6 =	vmov s12;
	s13 =	sand.u32 $0x1E0, s11;
	s17 =	sand.u32 $0x70, s15;
	s2 =	sadd.s32 $0x0, s2;
	v4 =	vadd.f32 $8.388608000e+06, v4  }
0x7e: {  	s28 =	sand.u32 $0x1E0, s24;
	v6 =	vshll.u32 v6, $0x7;
	s26 =	sor.u32 s1, s7;
	s16 =	sadd.s32 $0x3000, s2;
	v3 =	vadd.f32 $-8.388608000e+06, v3  }
0x7f: {  	v6 =	vand.u32 $0x380, v6;
	s11 =	sadd.s32 $0x1000, s7;
	s4 =	sadd.s32 $0x2000, s7;
	s22 =	sor.u32 s17, s16;
	v4 =	vadd.f32 $-8.388608000e+06, v4  }
0x80: {  	v6 =	vbroadcast v6, $0x0;
	s30 =	sor.u32 s1, s11;
	s1 =	sor.u32 s1, s4;
	s9 =	sor.u32 s0, s11;
	v12 =	vld [tilespmem:s22+$0x0];
	v3 =	vtrunc.f32 v3  }
0x81: {  	s10 =	sor.u32 s0, s7;
	s0 =	sor.u32 s0, s4;
	s4 =	simm.s32 $0x50;
	v4 =	vtrunc.f32 v4;
	v3 =	vcvt.f32.s32 v3  }
0x82: {  	v8 =	vor.u32 s13, v1;
	v15 =	vor.u32 s28, v1;
	v19 =	vld [tilespmem:s30+$0x0];
	s30 =	sand.u32 $0x1F0, s4;
	v4 =	vcvt.f32.s32 v4  }
0x83: {  	v11 =	vor.u32 $0x2000, v6;
	v62 =	vor.u32 s30, v1;
	v7 =	vsub.s32 v5, v3  }
0x84: {  	v3 =	vadd.s32 v3, v5;
	v18 =	vsub.s32 v8, v4;
	v8 =	vadd.s32 v4, v8  }
0x85: {  	v4 =	vmul.f32 $3.200000000e+01, v12;
	vm0 =	vgt.s32 v7, $0x0;
	vm2 =	vlt.u32 v7, $0x200  }
0x86: {  	vm1 =	vlt.u32 v3, $0x200;
	vm3 =	vgt.s32 v18, $0x0;
	vm4 =	vgt.s32 v8, $0x0  }
0x87: {  	v9 =	vnsel vm0, $0x0, v7;
	vm0 =	vgt.s32 v3, $0x0;
	v20 =	vnsel vm4, $0x0, v8  }
0x88: {  	v4 =	vadd.f32 $8.388608000e+06, v4;
	v9 =	vmin.u32 v9, $0x1FF;
	v10 =	vnsel vm0, $0x0, v3  }
0x89: {  	vm0 =	vlt.u32 v18, $0x200;
	v5 =	vshll.u32 v9, $0x3;
	v7 =	vand.u32 $0x7F, v9  }
0x8a: {  	v18 =	vnsel vm3, $0x0, v18;
	v5 =	vand.u32 $0xC00, v5;
	v9 =	vor.u32 v6, v7  }
0x8b: {  	v10 =	vmin.u32 v10, $0x1FF;
	v18 =	vmin.u32 v18, $0x1FF;
	v9 =	vor.u32 v5, v9  }
0x8c: {  	s5 =	sand.u32 $0x60, s24;
	s13 =	sor.u32 s17, s2;
	v14 =	vld [tilespmem:s26+$0x0];
	v4 =	vadd.f32 $-8.388608000e+06, v4;
	vm3 =	vmmov vm0;
	v7 =	vor.u32 v7, v11  }
0x8d: {  	s7 =	sor.u32 s5, s16;
	v24 =	vld [tilespmem:s13+$0x0];
	v3 =	vand.u32 $0x7F, v10;
	v5 =	vor.u32 v5, v7;
	v7 =	vshll.u32 v10, $0x3  }
0x8e: {  	v21 =	vld [tilespmem:s7+$0x0];
	v10 =	vor.u32 v3, v11;
	v3 =	vor.u32 v6, v3;
	v7 =	vand.u32 $0xC00, v7  }
0x8f: {  	v12 =	vld [tilespmem:s1+$0x0];
	v4 =	vtrunc.f32 v4;
	v13 =	vor.u32 $0x4000, v9;
	v3 =	vor.u32 v7, v3  }
0x90: {  	v7 =	vor.u32 v7, v10;
	v16 =	vor.u32 $0x6000, v3;
	v17 =	vor.u32 $0x8000, v3;
	[tilespmem:v9+s23+$0x0] =	vst.idx.add.f32.msk vm2, v2  }
0x91: {  	v3 =	vor.u32 $0xA000, v3;
	[tilespmem:v9+s29+$0x0] =	vst.idx.add.f32.msk vm2, v14;
	v9 =	vmin.u32 v20, $0x1FF;
	v20 =	vand.u32 $0x7F, v18  }
0x92: {  	v10 =	vld [tilespmem:s10+$0x0];
	v18 =	vshll.u32 v18, $0x3;
	v22 =	vand.u32 $0x7F, v9;
	v9 =	vshll.u32 v9, $0x3  }
0x93: {  	[tilespmem:v5+s29+$0x0] =	vst.idx.add.f32.msk vm2, v19;
	v23 =	vand.u32 $0xC00, v18;
	v5 =	vor.u32 v6, v20;
	v20 =	vor.u32 v20, v11  }
0x94: {  	v9 =	vand.u32 $0xC00, v9;
	[tilespmem:v13+s29+$0x0] =	vst.idx.add.f32.msk vm2, v12;
	v6 =	vor.u32 v6, v22;
	v13 =	vor.u32 v23, v5  }
0x95: {  	s8 =	simm.s32 $0x0;
	s6 =	sand.u32 $0x1F0, s15;
	v11 =	vor.u32 v22, v11;
	[tilespmem:v7+s23+$0x0] =	vst.idx.add.f32.msk vm1, v2;
	v7 =	vor.u32 v9, v6;
	v6 =	vcvt.f32.s32 v4  }
0x96: {  	v23 =	vor.u32 v23, v20;
	v4 =	vmov s8;
	[tilespmem:v16+s29+$0x0] =	vst.idx.add.f32.msk vm1, v14;
	v14 =	vor.u32 s6, v1  }
0x97: {  	s12 =	sadd.s32 $0x1000, s2;
	v11 =	vor.u32 v9, v11;
	v4 =	vshll.u32 v4, $0x7;
	[tilespmem:v17+s29+$0x0] =	vst.idx.add.f32.msk vm1, v19;
	v17 =	vsub.s32 v14, v6  }
0x98: {  	s15 =	sor.u32 s17, s12;
	v16 =	vmul.f32 $3.200000000e+01, v21;
	[tilespmem:v3+s29+$0x0] =	vst.idx.add.f32.msk vm1, v12;
	v3 =	vand.u32 $0x380, v4;
	vm1 =	vgt.s32 v17, $0x0  }
0x99: {  	v25 =	vld [tilespmem:s15+$0x0];
	v21 =	vor.u32 $0x4000, v13;
	v19 =	vbroadcast v3, $0x0;
	v3 =	vnsel vm1, $0x0, v17  }
0x9a: {  	v5 =	vld [tilespmem:s9+$0x0];
	v29 =	vor.u32 $0x6000, v7;
	v12 =	vadd.f32 $8.388608000e+06, v16;
	v16 =	vmin.u32 v3, $0x1FF  }
0x9b: {  	s1 =	simm.s32 $0x200;
	v6 =	vadd.s32 v6, v14;
	v4 =	vld [tilespmem:s0+$0x0];
	v14 =	vand.u32 $0x7F, v16;
	v16 =	vshll.u32 v16, $0x3  }
0x9c: {  	s14 =	sadd.s32 $0x2000, s2;
	s11 =	sand.u32 $0xC00, s1;
	vm1 =	vlt.u32 v17, $0x200;
	[tilespmem:v13+s23+$0x0] =	vst.idx.add.f32.msk vm0, v2;
	v16 =	vand.u32 $0xC00, v16;
	v17 =	vor.u32 v19, v14  }
0x9d: {  	s3 =	sor.u32 s17, s14;
	s17 =	simm.s32 $0x40;
	vm2 =	vgt.s32 v6, $0x0;
	s0 =	sadd.s32 $0x0, s11;
	[tilespmem:v13+s29+$0x0] =	vst.idx.add.f32.msk vm0, v10;
	v22 =	vor.u32 $0x2000, v19;
	v13 =	vor.u32 v16, v17  }
0x9e: {  	v26 =	vld [tilespmem:s3+$0x0];
	s10 =	sor.u32 s5, s2;
	s2 =	sand.u32 $0x70, s4;
	v18 =	vnsel vm2, $0x0, v6;
	vm2 =	vlt.u32 v6, $0x200;
	s16 =	sadd.s32 $0x3000, s0;
	v14 =	vor.u32 v14, v22  }
0x9f: {  	s3 =	sand.u32 $0x60, s17;
	v3 =	vld [tilespmem:s10+$0x0];
	s22 =	sor.u32 s2, s16;
	v12 =	vadd.f32 $-8.388608000e+06, v12;
	v17 =	vmin.u32 v18, $0x1FF;
	v14 =	vor.u32 v16, v14  }
0xa0: {  	s8 =	sor.u32 s3, s16;
	v28 =	vld [tilespmem:s22+$0x0];
	v6 =	vand.u32 $0x7F, v17;
	v16 =	vshll.u32 v17, $0x3;
	v27 =	vor.u32 $0x4000, v13  }
0xa1: {  	v57 =	vld [tilespmem:s8+$0x0];
	v12 =	vtrunc.f32 v12;
	v17 =	vor.u32 v6, v22;
	v16 =	vand.u32 $0xC00, v16  }
0xa2: {  	v18 =	vor.u32 $0x8000, v7;
	v6 =	vor.u32 v19, v6;
	v17 =	vor.u32 v16, v17;
	[tilespmem:v13+s23+$0x0] =	vst.idx.add.f32.msk vm1, v2  }
0xa3: {  	s24 =	sand.u32 $0x1E0, s17;
	v16 =	vor.u32 v16, v6;
	[tilespmem:v13+s29+$0x0] =	vst.idx.add.f32.msk vm1, v24;
	v13 =	vor.u32 $0xA000, v7;
	v7 =	vcvt.f32.s32 v12  }
0xa4: {  	v6 =	vor.u32 s24, v1;
	v30 =	vor.u32 $0x6000, v16;
	v31 =	vor.u32 $0x8000, v16;
	[tilespmem:v14+s29+$0x0] =	vst.idx.add.f32.msk vm1, v25  }
0xa5: {  	v12 =	vor.u32 $0xA000, v16;
	[tilespmem:v27+s29+$0x0] =	vst.idx.add.f32.msk vm1, v26;
	vm1 =	vlt.u32 v8, $0x200;
	v9 =	vsub.s32 v15, v7  }
0xa6: {  	[tilespmem:v23+s29+$0x0] =	vst.idx.add.f32.msk vm3, v5;
	v8 =	vadd.s32 v7, v15;
	v7 =	vmul.f32 $3.200000000e+01, v28;
	vm15 =	vgt.s32 v9, $0x0  }
0xa7: {  	[tilespmem:v21+s29+$0x0] =	vst.idx.add.f32.msk vm3, v4;
	vm5 =	vgt.s32 v8, $0x0;
	vm0 =	vlt.u32 v9, $0x200;
	v9 =	vnsel vm15, $0x0, v9  }
0xa8: {  	[tilespmem:v17+s23+$0x0] =	vst.idx.add.f32.msk vm2, v2;
	v14 =	vnsel vm5, $0x0, v8;
	v7 =	vadd.f32 $8.388608000e+06, v7;
	v9 =	vmin.u32 v9, $0x1FF  }
0xa9: {  	[tilespmem:v30+s29+$0x0] =	vst.idx.add.f32.msk vm2, v24;
	v14 =	vmin.u32 v14, $0x1FF;
	v20 =	vand.u32 $0x7F, v9;
	v9 =	vshll.u32 v9, $0x3  }
0xaa: {  	[tilespmem:v31+s29+$0x0] =	vst.idx.add.f32.msk vm2, v25;
	v58 =	vand.u32 $0x7F, v14;
	v59 =	vadd.f32 $-8.388608000e+06, v7;
	v7 =	vshll.u32 v14, $0x3  }
0xab: {  	s6 =	sor.u32 s5, s12;
	s5 =	sor.u32 s5, s14;
	[tilespmem:v12+s29+$0x0] =	vst.idx.add.f32.msk vm2, v26;
	v12 =	vand.u32 $0xC00, v9;
	v9 =	vor.u32 v19, v20;
	v15 =	vand.u32 $0xC00, v7  }
0xac: {  	v16 =	vld [tilespmem:s5+$0x0];
	v14 =	vor.u32 v19, v58;
	v19 =	vtrunc.f32 v59;
	v60 =	vor.u32 v12, v9  }
0xad: {  	s28 =	simm.s32 $0x0;
	s26 =	sor.u32 s3, s0;
	v17 =	vld [tilespmem:s6+$0x0];
	v20 =	vor.u32 v20, v22;
	v14 =	vor.u32 v15, v14;
	v61 =	vcvt.f32.s32 v19  }
0xae: {  	v7 =	vld [tilespmem:s26+$0x0];
	v9 =	vmov s28;
	v19 =	vor.u32 v58, v22;
	v22 =	vmul.f32 $3.200000000e+01, v57  }
0xaf: {  	[tilespmem:v11+s23+$0x0] =	vst.idx.add.f32.msk vm1, v2;
	v23 =	vshll.u32 v9, $0x7;
	v9 =	vor.u32 $0x4000, v60;
	v63 =	vsub.s32 v62, v61  }
0xb0: {  	[tilespmem:v29+s29+$0x0] =	vst.idx.add.f32.msk vm1, v10;
	v10 =	vor.u32 $0x6000, v14;
	v11 =	vand.u32 $0x380, v23;
	vm2 =	vgt.s32 v63, $0x0  }
0xb1: {  	v21 =	vadd.f32 $8.388608000e+06, v22;
	v11 =	vbroadcast v11, $0x0;
	v22 =	vnsel vm2, $0x0, v63;
	[tilespmem:v60+s23+$0x0] =	vst.idx.add.f32.msk vm0, v2  }
0xb2: {  	s5 =	simm.s32 $0x4;
	vm2 =	vlt.u32 v63, $0x200;
	v23 =	vmin.u32 v22, $0x1FF;
	v22 =	vadd.s32 v61, v62;
	[tilespmem:v60+s29+$0x0] =	vst.idx.add.f32.msk vm0, v3  }
.LBB2_7:
0xb3: {  	s5 =	sadd.s32 $0x2, s5;
	v24 =	vand.u32 $0x7F, v23;
	v23 =	vshll.u32 v23, $0x3;
	vm3 =	vgt.s32 v22, $0x0;
	s1 =	sadd.s32 $0x100, s1;
	[tilespmem:v18+s29+$0x0] =	vst.idx.add.f32.msk vm1, v5;
	v5 =	vmovc v17  }
0xb4: {  	s4 =	sadd.s32 $0x20, s4;
	s6 =	sshrl.u32 s5, $0x5;
	s7 =	sand.u32 $0xC00, s1;
	v17 =	vand.u32 $0xC00, v23;
	v18 =	vor.u32 v11, v24;
	v23 =	vnsel vm3, $0x0, v22;
	[tilespmem:v13+s29+$0x0] =	vst.idx.add.f32.msk vm1, v4;
	v4 =	vmovc v16  }
0xb5: {  	s9 =	sadd.s32 $0x1000, s0;
	v25 =	vor.u32 $0x2000, v11;
	s10 =	sor.u32 s2, s0;
	s8 =	sshll.u32 s6, $0x7;
	v13 =	vor.u32 v17, v18;
	v16 =	vmin.u32 v23, $0x1FF  }
0xb6: {  	s11 =	sadd.s32 $0x2000, s0;
	vm3 =	vlt.u32 v22, $0x200;
	v18 =	vor.u32 v24, v25;
	s0 =	sadd.s32 s8, s7;
	v23 =	vld [tilespmem:s10+$0x0];
	s7 =	sor.u32 s2, s9;
	v22 =	vand.u32 $0x7F, v16  }
0xb7: {  	s10 =	sor.u32 s2, s11;
	s2 =	sand.u32 $0x70, s4;
	v17 =	vor.u32 v17, v18;
	v16 =	vshll.u32 v16, $0x3;
	s8 =	sadd.s32 $0x3000, s0;
	v24 =	vld [tilespmem:s7+$0x0];
	v18 =	vor.u32 v22, v25  }
0xb8: {  	s12 =	sadd.s32 $0xFFFFFFF0, s4;
	v27 =	vor.u32 $0x4000, v13;
	s7 =	sor.u32 s3, s9;
	v16 =	vand.u32 $0xC00, v16;
	v22 =	vor.u32 v11, v22;
	s13 =	sor.u32 s2, s8;
	v26 =	vld [tilespmem:s10+$0x0]  }
0xb9: {  	v21 =	vadd.f32 $-8.388608000e+06, v21;
	s9 =	sand.u32 $0x1E0, s12;
	s10 =	sor.u32 s3, s11;
	s3 =	sand.u32 $0x60, s12;
	v29 =	vor.u32 v16, v18;
	v16 =	vor.u32 v16, v22;
	v28 =	vld [tilespmem:s13+$0x0]  }
0xba: {  	p0 =	slt.u32 s5, $0xFE;
	v22 =	vor.u32 s9, v1;
	v18 =	vor.u32 $0x8000, v14;
	s8 =	sor.u32 s3, s8;
	s9 =	sor.u32 s3, s0;
	v30 =	vor.u32 $0x6000, v16;
	[tilespmem:v13+s23+$0x0] =	vst.idx.add.f32.msk vm2, v2  }
0xbb: {  	v21 =	vtrunc.f32 v21;
	v31 =	vor.u32 $0x8000, v16;
	[tilespmem:v13+s29+$0x0] =	vst.idx.add.f32.msk vm2, v23;
	v13 =	vor.u32 $0xA000, v14  }
0xbc: {  	v16 =	vor.u32 $0xA000, v16;
	v14 =	vcvt.f32.s32 v21;
	v21 =	vor.u32 v12, v20;
	[tilespmem:v17+s29+$0x0] =	vst.idx.add.f32.msk vm2, v24  }
0xbd: {  	vm1 =	vlt.u32 v8, $0x200;
	[tilespmem:v27+s29+$0x0] =	vst.idx.add.f32.msk vm2, v26;
	v27 =	vor.u32 v15, v19;
	vm2 =	vmmov vm0  }
0xbe: {  	v12 =	vsub.s32 v6, v14;
	v8 =	vadd.s32 v14, v6;
	v6 =	vmov v22;
	[tilespmem:v29+s23+$0x0] =	vst.idx.add.f32.msk vm3, v2  }
0xbf: {  	v14 =	vmul.f32 $3.200000000e+01, v28;
	vm4 =	vgt.s32 v12, $0x0;
	vm5 =	vgt.s32 v8, $0x0;
	[tilespmem:v30+s29+$0x0] =	vst.idx.add.f32.msk vm3, v23  }
0xc0: {  	vm0 =	vlt.u32 v12, $0x200;
	v12 =	vnsel vm4, $0x0, v12;
	v15 =	vnsel vm5, $0x0, v8;
	[tilespmem:v31+s29+$0x0] =	vst.idx.add.f32.msk vm3, v24  }
0xc1: {  	v14 =	vadd.f32 $8.388608000e+06, v14;
	v12 =	vmin.u32 v12, $0x1FF;
	v15 =	vmin.u32 v15, $0x1FF;
	[tilespmem:v16+s29+$0x0] =	vst.idx.add.f32.msk vm3, v26  }
0xc2: {  	v19 =	vand.u32 $0x7F, v12;
	v12 =	vshll.u32 v12, $0x3;
	v23 =	vand.u32 $0x7F, v15;
	v22 =	vld [tilespmem:s8+$0x0]  }
0xc3: {  	v15 =	vshll.u32 v15, $0x3;
	v14 =	vadd.f32 $-8.388608000e+06, v14;
	v12 =	vand.u32 $0xC00, v12;
	v17 =	vld [tilespmem:s7+$0x0]  }
0xc4: {  	v20 =	vor.u32 v11, v19;
	v15 =	vand.u32 $0xC00, v15;
	v11 =	vor.u32 v11, v23;
	v16 =	vld [tilespmem:s10+$0x0]  }
0xc5: {  	v28 =	vor.u32 v12, v20;
	v26 =	vtrunc.f32 v14;
	v14 =	vor.u32 v15, v11;
	v24 =	vld [tilespmem:s9+$0x0]  }
0xc6: {  	s7 =	sand.u32 $0x1F0, s4;
	v20 =	vor.u32 v19, v25;
	v19 =	vor.u32 v23, v25;
	v26 =	vcvt.f32.s32 v26;
	[tilespmem:v21+s29+$0x0] =	vst.idx.add.f32.msk vm2, v5  }
.Ltmp4:
0xc7: {  	v21 =	vmov s6;
	v11 =	vmul.f32 $3.200000000e+01, v22;
	v22 =	vor.u32 s7, v1;
	[tilespmem:v9+s29+$0x0] =	vst.idx.add.f32.msk vm2, v4;
	(pc) =	sbr.rel @p0 .LBB2_7-.Ltmp4, $4  }
0xc8: {  	v23 =	vshll.u32 v21, $0x7;
	v9 =	vor.u32 $0x4000, v28;
	v25 =	vsub.s32 v22, v26;
	[tilespmem:v27+s23+$0x0] =	vst.idx.add.f32.msk vm1, v2  }
0xc9: {  	v21 =	vadd.f32 $8.388608000e+06, v11;
	v11 =	vand.u32 $0x380, v23;
	vm2 =	vgt.s32 v25, $0x0;
	[tilespmem:v10+s29+$0x0] =	vst.idx.add.f32.msk vm1, v3;
	v3 =	vmovc v7  }
0xca: {  	v10 =	vor.u32 $0x6000, v14;
	v11 =	vbroadcast v11, $0x0;
	v23 =	vnsel vm2, $0x0, v25;
	[tilespmem:v28+s23+$0x0] =	vst.idx.add.f32.msk vm0, v2;
	v7 =	vmovc v24  }
0xcb: {  	v22 =	vadd.s32 v26, v22;
	vm2 =	vlt.u32 v25, $0x200;
	v23 =	vmin.u32 v23, $0x1FF;
	[tilespmem:v28+s29+$0x0] =	vst.idx.add.f32.msk vm0, v3  }
0xcc: {  	_ =	sdelay $0x1  }
0xcd: {  	v24 =	vshll.u32 v23, $0x3  }
0xce: {  	v23 =	vand.u32 $0x7F, v23;
	vm3 =	vgt.s32 v22, $0x0;
	v27 =	vor.u32 $0x2000, v11  }
0xcf: {  	v21 =	vadd.f32 $-8.388608000e+06, v21;
	v24 =	vand.u32 $0xC00, v24;
	v25 =	vor.u32 v11, v23  }
0xd0: {  	[tilespmem:v18+s29+$0x0] =	vst.idx.add.f32.msk vm1, v5;
	s1 =	sadd.s32 $0x1000, s0;
	s4 =	sor.u32 s2, s0;
	v26 =	vnsel vm3, $0x0, v22;
	v23 =	vor.u32 v23, v27;
	v5 =	vor.u32 v24, v25  }
0xd1: {  	s10 =	sadd.s32 $0x2000, s0;
	v56 =	vld [tilespmem:s4+$0x0];
	s11 =	sor.u32 s2, s1;
	vm3 =	vlt.u32 v22, $0x200;
	v18 =	vmin.u32 v26, $0x1FF;
	v23 =	vor.u32 v24, v23  }
0xd2: {  	s12 =	sor.u32 s2, s10;
	v57 =	vld [tilespmem:s11+$0x0];
	v22 =	vand.u32 $0x7F, v18;
	v18 =	vshll.u32 v18, $0x3;
	v28 =	vor.u32 $0x4000, v5  }
0xd3: {  	v29 =	vld [tilespmem:s12+$0x0];
	v58 =	vor.u32 v22, v27;
	v18 =	vand.u32 $0xC00, v18;
	v22 =	vor.u32 v11, v22  }
0xd4: {  	[tilespmem:v13+s29+$0x0] =	vst.idx.add.f32.msk vm1, v4;
	v4 =	vor.u32 v18, v58;
	v13 =	vor.u32 v18, v22  }
0xd5: {  	v21 =	vtrunc.f32 v21;
	v18 =	vor.u32 $0x6000, v13;
	[tilespmem:v5+s23+$0x0] =	vst.idx.add.f32.msk vm2, v2  }
0xd6: {  	v21 =	vcvt.f32.s32 v21;
	[tilespmem:v5+s29+$0x0] =	vst.idx.add.f32.msk vm2, v56;
	v5 =	vor.u32 $0x8000, v13  }
0xd7: {  	[tilespmem:v23+s29+$0x0] =	vst.idx.add.f32.msk vm2, v57  }
0xd8: {  	v22 =	vsub.s32 v6, v21;
	v13 =	vor.u32 $0xA000, v13;
	[tilespmem:v28+s29+$0x0] =	vst.idx.add.f32.msk vm2, v29  }
0xd9: {  	vm1 =	vmmov vm0;
	vm2 =	vgt.s32 v22, $0x0;
	[tilespmem:v4+s23+$0x0] =	vst.idx.add.f32.msk vm3, v2  }
0xda: {  	vm0 =	vlt.u32 v8, $0x200;
	v4 =	vor.u32 v12, v20;
	v8 =	vnsel vm2, $0x0, v22;
	[tilespmem:v18+s29+$0x0] =	vst.idx.add.f32.msk vm3, v56  }
0xdb: {  	s0 =	sor.u32 s3, s10;
	[tilespmem:v5+s29+$0x0] =	vst.idx.add.f32.msk vm3, v57;
	v5 =	vmin.u32 v8, $0x1FF  }
0xdc: {  	v12 =	vor.u32 v15, v19;
	v19 =	vld [tilespmem:s0+$0x0];
	v8 =	vand.u32 $0x7F, v5;
	v5 =	vshll.u32 v5, $0x3  }
0xdd: {  	s1 =	sor.u32 s3, s1;
	[tilespmem:v13+s29+$0x0] =	vst.idx.add.f32.msk vm3, v29;
	vm3 =	vlt.u32 v22, $0x200;
	v5 =	vand.u32 $0xC00, v5;
	v15 =	vor.u32 v11, v8  }
0xde: {  	v6 =	vadd.s32 v21, v6;
	v13 =	vld [tilespmem:s1+$0x0];
	v15 =	vor.u32 v5, v15  }
0xdf: {  	vm2 =	vgt.s32 v6, $0x0;
	[tilespmem:v4+s29+$0x0] =	vst.idx.add.f32.msk vm1, v17;
	v4 =	vor.u32 $0x8000, v14  }
0xe0: {  	v18 =	vnsel vm2, $0x0, v6;
	[tilespmem:v9+s29+$0x0] =	vst.idx.add.f32.msk vm1, v16  }
0xe1: {  	v18 =	vmin.u32 v18, $0x1FF;
	v8 =	vor.u32 v8, v27;
	v14 =	vor.u32 $0xA000, v14;
	[tilespmem:v12+s23+$0x0] =	vst.idx.add.f32.msk vm0, v2  }
0xe2: {  	v20 =	vand.u32 $0x7F, v18;
	[tilespmem:v10+s29+$0x0] =	vst.idx.add.f32.msk vm0, v3;
	v3 =	vor.u32 v5, v8  }
0xe3: {  	vm2 =	vlt.u32 v6, $0x200;
	v11 =	vor.u32 v11, v20;
	v9 =	vshll.u32 v18, $0x3;
	[tilespmem:v15+s23+$0x0] =	vst.idx.add.f32.msk vm3, v2  }
0xe4: {  	v9 =	vand.u32 $0xC00, v9;
	v5 =	vor.u32 v20, v27;
	v8 =	vor.u32 $0x4000, v15;
	[tilespmem:v4+s29+$0x0] =	vst.idx.add.f32.msk vm0, v17  }
0xe5: {  	v6 =	vor.u32 v9, v11;
	v5 =	vor.u32 v9, v5;
	[tilespmem:v15+s29+$0x0] =	vst.idx.add.f32.msk vm3, v7  }
0xe6: {  	v9 =	vor.u32 $0x6000, v6;
	[tilespmem:v14+s29+$0x0] =	vst.idx.add.f32.msk vm0, v16  }
0xe7: {  	v4 =	vor.u32 $0x8000, v6;
	[tilespmem:v3+s29+$0x0] =	vst.idx.add.f32.msk vm3, v13  }
0xe8: {  	p0 =	seq.s32 s25, $0x7;
	v6 =	vor.u32 $0xA000, v6;
	s0 =	rddreg [dreg:$0x14]  }
0xe9: {  	[tilespmem:v8+s29+$0x0] =	vst.idx.add.f32.msk vm3, v19;
	s0 =	sadd.s32 @!p0 s31, s0  }
0xea: {  	[tilespmem:v5+s23+$0x0] =	vst.idx.add.f32.msk vm2, v2;
	s0 =	sshll.u32 @!p0 s0, $0x9  }
0xeb: {  	s2 =	simm.s32 @!p0 $0x1000;
	[tilespmem:v9+s29+$0x0] =	vst.idx.add.f32.msk vm2, v7;
	s1 =	sadd.s32 @!p0 s20, s0  }
0xec: {  	s3 =	simm.s32 @!p0 $0x40000;
	[tilespmem:v4+s29+$0x0] =	vst.idx.add.f32.msk vm2, v13;
	s0 =	sadd.s32 @!p0 s21, s0;
	s1 =	sshrl.u32 @!p0 s1, $0x3  }
0xed: {  	s4 =	simm.s32 @!p0 $0x0;
	[tilespmem:v6+s29+$0x0] =	vst.idx.add.f32.msk vm2, v19;
	s0 =	sshrl.u32 @!p0 s0, $0x3;
	s1 =	sadd.s32 @!p0 s18, s1  }
0xee: {  	[tilespmem:s4], [sflag:$0x1] =	stream.strided.gather @!p0 [hbm4b:s1+s2], $0x3000, s3, s2, $0x38;
	[tilespmem:$0x18000] =	vst v63  }
0xef: {  	s13 =	simm.s32 $0x2;
	s0 =	sadd.s32 @!p0 s19, s0;
	s1 =	simm.s32 @!p0 $0x3000  }
0xf0: {  	[tilespmem:s1], [sflag:$0x1] =	stream.linear.gather @!p0 [hbm4b:s0+s4], $0x1000, $0x38;
	[tilespmem:$0x18000] =	vst v63  }
0xf1: {  	_ =	swait.ge [sflag:s13], $0x3000  }
0xf2: {  	s0 =	simm.s32 $0x0;
	[sflag:s13] =	ssyncset.done $0x0  }
0xf3: {  	s3 =	sand.u32 $0xC00, s0;
	[sflag:s13] =	ssyncadd.s32 $0xFFFFD000  }
0xf4: {  	s14 =	simm.s32 $0x10;
	s8 =	sadd.s32 $0x0, s3;
	_ =	swait.ge [sflag:s13], $0x1000  }
0xf5: {  	s6 =	sand.u32 $0x70, s14;
	s15 =	sadd.s32 $0x7000, s8;
	[sflag:s13] =	ssyncset.done $0x0  }
0xf6: {  	s16 =	sor.u32 s6, s15;
	[sflag:s13] =	ssyncadd.s32 $0xFFFFF000  }
0xf7: {  	s5 =	simm.s32 $0x0;
	v3 =	vld [tilespmem:s16+$0x0]  }
0xf8: {  	s7 =	sand.u32 $0x60, s5  }
0xf9: {  	s2 =	sor.u32 s7, s15  }
0xfa: {  	v4 =	vld [tilespmem:s2+$0x0];
	_ =	sdelay $0x1  }
0xfb: {  	v3 =	vmul.f32 $3.200000000e+01, v3;
	_ =	sdelay $0x1  }
0xfc: {  	s17 =	simm.s32 $0x0;
	v3 =	vadd.f32 $8.388608000e+06, v3  }
0xfd: {  	v5 =	vmov s17;
	v4 =	vmul.f32 $3.200000000e+01, v4  }
0xfe: {  	v5 =	vshll.u32 v5, $0x7;
	v3 =	vadd.f32 $-8.388608000e+06, v3  }
0xff: {  	v5 =	vand.u32 $0x380, v5;
	v4 =	vadd.f32 $8.388608000e+06, v4  }
0x100: {  	vm1 =	vmmov vm3;
	s20 =	simm.s32 $0x0;
	v16 =	vbroadcast v5, $0x0;
	v3 =	vtrunc.f32 v3  }
0x101: {  	v10 =	vmov s20;
	s18 =	sand.u32 $0x1E0, s5;
	s1 =	sand.u32 $0x1F0, s14;
	v4 =	vadd.f32 $-8.388608000e+06, v4;
	v3 =	vcvt.f32.s32 v3  }
0x102: {  	v6 =	vor.u32 s18, v1;
	v17 =	vor.u32 $0x3000, v16;
	v7 =	vor.u32 s1, v1  }
0x103: {  	v9 =	vsub.s32 v7, v3;
	v7 =	vadd.s32 v3, v7;
	v3 =	vtrunc.f32 v4  }
0x104: {  	vm0 =	vgt.s32 v9, $0x0;
	vm1 =	vgt.s32 v7, $0x0;
	v3 =	vcvt.f32.s32 v3  }
0x105: {  	s19 =	simm.s32 $0x20;
	vm2 =	vlt.u32 v9, $0x200;
	v11 =	vnsel vm0, $0x0, v9;
	v4 =	vnsel vm1, $0x0, v7  }
0x106: {  	s21 =	sand.u32 $0x1E0, s19;
	v4 =	vmin.u32 v4, $0x1FF;
	v5 =	vsub.s32 v6, v3;
	v6 =	vadd.s32 v3, v6  }
0x107: {  	s4 =	simm.s32 $0x100;
	v3 =	vor.u32 s21, v1;
	v11 =	vmin.u32 v11, $0x1FF;
	v8 =	vshll.u32 v4, $0x3  }
0x108: {  	s22 =	sand.u32 $0xC00, s4;
	v12 =	vand.u32 $0x7F, v4;
	v4 =	vshll.u32 v10, $0x7;
	vm0 =	vgt.s32 v5, $0x0  }
0x109: {  	s9 =	simm.s32 $0x30;
	s5 =	sadd.s32 $0x0, s22;
	vm3 =	vlt.u32 v5, $0x200;
	vm1 =	vlt.u32 v6, $0x200;
	v10 =	vnsel vm0, $0x0, v5  }
0x10a: {  	s10 =	sadd.s32 $0x7000, s5;
	s2 =	sand.u32 $0x70, s9;
	vm0 =	vgt.s32 v6, $0x0;
	v14 =	vor.u32 v16, v12;
	v10 =	vmin.u32 v10, $0x1FF  }
0x10b: {  	s11 =	sor.u32 s2, s10;
	v13 =	vnsel vm0, $0x0, v6;
	v15 =	vand.u32 $0x7F, v10;
	v10 =	vshll.u32 v10, $0x3  }
0x10c: {  	s1 =	sand.u32 $0x60, s19;
	vm0 =	vlt.u32 v7, $0x200;
	v5 =	vmin.u32 v13, $0x1FF;
	v7 =	vand.u32 $0xC00, v10;
	v10 =	vld [tilespmem:s11+$0x0]  }
0x10d: {  	s10 =	sor.u32 s1, s10;
	v13 =	vand.u32 $0xC00, v8;
	v8 =	vor.u32 v12, v17;
	v12 =	vand.u32 $0x7F, v5  }
0x10e: {  	s24 =	sadd.s32 $0x6000, s8;
	s26 =	sadd.s32 $0x5000, s8;
	s8 =	sadd.s32 $0x4000, s8;
	v19 =	vld [tilespmem:s10+$0x0];
	v18 =	vshll.u32 v5, $0x3;
	v5 =	vor.u32 v13, v8;
	v20 =	vor.u32 v16, v15  }
0x10f: {  	s28 =	sor.u32 s7, s8;
	v8 =	vand.u32 $0xC00, v18;
	v18 =	vor.u32 v12, v17;
	v12 =	vor.u32 v16, v12  }
0x110: {  	s12 =	sor.u32 s6, s24;
	v59 =	vld [tilespmem:s28+$0x0];
	v20 =	vor.u32 v7, v20;
	v21 =	vor.u32 v8, v12;
	v12 =	vor.u32 v15, v17  }
0x111: {  	v6 =	vld [tilespmem:s12+$0x0];
	s11 =	sor.u32 s7, s26;
	v22 =	vor.u32 v8, v18;
	v18 =	vor.u32 $0x1000, v20;
	v10 =	vmul.f32 $3.200000000e+01, v10  }
0x112: {  	s13 =	sor.u32 s6, s26;
	v62 =	vand.u32 $0x7F, v11;
	v11 =	vshll.u32 v11, $0x3;
	v61 =	vld [tilespmem:s11+$0x0];
	v7 =	vor.u32 v7, v12  }
0x113: {  	s7 =	sor.u32 s7, s24;
	v8 =	vld [tilespmem:s13+$0x0];
	v12 =	vor.u32 v13, v14;
	v13 =	vmul.f32 $3.200000000e+01, v19;
	v19 =	vadd.f32 $8.388608000e+06, v10  }
0x114: {  	s6 =	sor.u32 s6, s8;
	v4 =	vand.u32 $0x380, v4;
	v11 =	vand.u32 $0xC00, v11;
	v15 =	vld [tilespmem:s7+$0x0];
	v20 =	vor.u32 $0x5000, v20  }
0x115: {  	v16 =	vor.u32 v16, v62;
	v9 =	vadd.f32 $8.388608000e+06, v13;
	v13 =	vld [tilespmem:s6+$0x0];
	v19 =	vadd.f32 $-8.388608000e+06, v19  }
0x116: {  	s30 =	sand.u32 $0x1F0, s9;
	v16 =	vor.u32 v11, v16;
	v23 =	vor.u32 $0x7000, v21;
	v60 =	vor.u32 $0x9000, v21;
	[tilespmem:v18+s23+$0x0] =	vst.idx.add.f32.msk vm3, v2  }
0x117: {  	v14 =	vor.u32 $0xB000, v21;
	v21 =	vor.u32 s30, v1;
	[tilespmem:v18+s29+$0x0] =	vst.idx.add.f32.msk vm3, v59;
	v19 =	vtrunc.f32 v19  }
0x118: {  	v10 =	vor.u32 $0x9000, v12;
	[tilespmem:v7+s29+$0x0] =	vst.idx.add.f32.msk vm3, v61;
	v7 =	vor.u32 v62, v17;
	v63 =	vcvt.f32.s32 v19  }
0x119: {  	v9 =	vadd.f32 $-8.388608000e+06, v9;
	v17 =	vor.u32 $0x5000, v16;
	[tilespmem:v20+s29+$0x0] =	vst.idx.add.f32.msk vm3, v15;
	v18 =	vor.u32 v11, v7  }
0x11a: {  	[tilespmem:v22+s23+$0x0] =	vst.idx.add.f32.msk vm1, v2;
	v19 =	vor.u32 $0x1000, v16;
	v7 =	vsub.s32 v21, v63;
	v11 =	vadd.s32 v63, v21  }
0x11b: {  	s31 =	sadd.s32 $0x4000, s5;
	s8 =	simm.s32 $0x2;
	v9 =	vtrunc.f32 v9;
	[tilespmem:v23+s29+$0x0] =	vst.idx.add.f32.msk vm1, v59;
	vm3 =	vgt.s32 v7, $0x0;
	vm4 =	vgt.s32 v11, $0x0  }
0x11c: {  	s9 =	simm.s32 $0x50;
	s7 =	sor.u32 s1, s31;
	s6 =	sor.u32 s2, s31;
	v20 =	vcvt.f32.s32 v9;
	[tilespmem:v60+s29+$0x0] =	vst.idx.add.f32.msk vm1, v61;
	v9 =	vnsel vm3, $0x0, v7;
	v16 =	vnsel vm4, $0x0, v11  }
.LBB2_9:
0x11d: {  	v21 =	vbroadcast v4, $0x0  }
0x11e: {  	s8 =	sadd.s32 $0x2, s8;
	s10 =	sadd.s32 $0xFFFFFFF0, s9;
	v4 =	vmin.u32 v16, $0x1FF;
	s4 =	sadd.s32 $0x100, s4;
	[tilespmem:v14+s29+$0x0] =	vst.idx.add.f32.msk vm1, v15;
	v14 =	vor.u32 $0x7000, v12;
	vm1 =	vmmov vm0  }
0x11f: {  	s11 =	sshrl.u32 s8, $0x5;
	s12 =	sand.u32 $0x1E0, s10;
	s10 =	sand.u32 $0x60, s10;
	v15 =	vsub.s32 v3, v20;
	v16 =	vadd.s32 v20, v3;
	v20 =	vshll.u32 v4, $0x3;
	[tilespmem:v19+s23+$0x0] =	vst.idx.add.f32.msk vm2, v2  }
0x120: {  	s13 =	sand.u32 $0xC00, s4;
	p0 =	slt.u32 s8, $0xFE;
	v23 =	vand.u32 $0x7F, v4;
	s14 =	sshll.u32 s11, $0x7;
	v3 =	vor.u32 s12, v1;
	v22 =	vmov s11;
	[tilespmem:v19+s29+$0x0] =	vst.idx.add.f32.msk vm2, v13  }
0x121: {  	v12 =	vor.u32 $0xB000, v12;
	vm3 =	vgt.s32 v15, $0x0;
	s12 =	sadd.s32 s14, s13;
	v4 =	vshll.u32 v22, $0x7;
	[tilespmem:v18+s29+$0x0] =	vst.idx.add.f32.msk vm2, v8  }
0x122: {  	v18 =	vnsel vm3, $0x0, v15;
	vm3 =	vgt.s32 v16, $0x0;
	s11 =	sadd.s32 $0x7000, s12;
	s13 =	sadd.s32 $0x4000, s12;
	v4 =	vand.u32 $0x380, v4;
	[tilespmem:v17+s29+$0x0] =	vst.idx.add.f32.msk vm2, v6  }
0x123: {  	s16 =	sand.u32 $0x70, s9;
	v19 =	vor.u32 v21, v23;
	v17 =	vmin.u32 v18, $0x1FF;
	v18 =	vnsel vm3, $0x0, v16;
	s14 =	sor.u32 s10, s11;
	s15 =	sor.u32 s10, s13;
	[tilespmem:v5+s23+$0x0] =	vst.idx.add.f32.msk vm0, v2  }
0x124: {  	s17 =	sor.u32 s16, s11;
	s11 =	sor.u32 s16, s13;
	v22 =	vand.u32 $0x7F, v17;
	v5 =	vshll.u32 v17, $0x3;
	vm0 =	vlt.u32 v11, $0x200;
	[tilespmem:v14+s29+$0x0] =	vst.idx.add.f32.msk vm1, v13  }
0x125: {  	vm3 =	vlt.u32 v15, $0x200;
	v17 =	vor.u32 $0x3000, v21;
	v11 =	vand.u32 $0xC00, v5;
	[tilespmem:v10+s29+$0x0] =	vst.idx.add.f32.msk vm1, v8  }
0x126: {  	v5 =	vmin.u32 v18, $0x1FF;
	v13 =	vor.u32 v23, v17;
	v10 =	vand.u32 $0xC00, v20;
	v8 =	vld [tilespmem:s17+$0x0]  }
0x127: {  	v14 =	vand.u32 $0x7F, v5;
	v15 =	vshll.u32 v5, $0x3;
	v5 =	vor.u32 v10, v13;
	[tilespmem:v12+s29+$0x0] =	vst.idx.add.f32.msk vm1, v6  }
0x128: {  	s13 =	sadd.s32 $0x6000, s5;
	v6 =	vand.u32 $0xC00, v15;
	v12 =	vor.u32 v14, v17;
	v14 =	vor.u32 v21, v14;
	v13 =	vld [tilespmem:s14+$0x0]  }
0x129: {  	s5 =	sadd.s32 $0x5000, s5;
	v15 =	vor.u32 v21, v22;
	vm1 =	vlt.u32 v16, $0x200;
	s14 =	sor.u32 s1, s13;
	v14 =	vor.u32 v6, v14;
	s13 =	sor.u32 s2, s13  }
0x12a: {  	s17 =	sor.u32 s1, s5;
	v16 =	vor.u32 v11, v15;
	v15 =	vor.u32 v22, v17;
	v20 =	vor.u32 v6, v12;
	s2 =	sor.u32 s2, s5;
	s1 =	smov.u32 s10;
	v6 =	vld [tilespmem:s13+$0x0]  }
0x12b: {  	s5 =	smov.u32 s12;
	v22 =	vor.u32 $0x1000, v16;
	v23 =	vor.u32 $0x7000, v14;
	v18 =	vmul.f32 $3.200000000e+01, v8;
	v8 =	vld [tilespmem:s2+$0x0];
	s2 =	smov.u32 s16  }
0x12c: {  	v12 =	vor.u32 v10, v19;
	v11 =	vor.u32 v11, v15;
	v25 =	vor.u32 $0x9000, v14;
	v24 =	vld [tilespmem:s7+$0x0];
	s7 =	smov.u32 s15  }
0x12d: {  	v14 =	vor.u32 $0xB000, v14;
	v13 =	vmul.f32 $3.200000000e+01, v13;
	v18 =	vadd.f32 $8.388608000e+06, v18;
	v26 =	vld [tilespmem:s17+$0x0]  }
0x12e: {  	vm2 =	vlt.u32 v7, $0x200;
	v16 =	vor.u32 $0x5000, v16;
	v10 =	vor.u32 $0x9000, v12;
	v15 =	vld [tilespmem:s14+$0x0]  }
0x12f: {  	v9 =	vmin.u32 v9, $0x1FF;
	s10 =	sand.u32 $0x1F0, s9;
	v7 =	vadd.f32 $8.388608000e+06, v13;
	v18 =	vadd.f32 $-8.388608000e+06, v18;
	v13 =	vld [tilespmem:s6+$0x0];
	s6 =	smov.u32 s11  }
0x130: {  	v19 =	vand.u32 $0x7F, v9;
	v9 =	vshll.u32 v9, $0x3;
	v27 =	vor.u32 s10, v1;
	[tilespmem:v22+s23+$0x0] =	vst.idx.add.f32.msk vm3, v2  }
0x131: {  	v9 =	vand.u32 $0xC00, v9;
	v21 =	vor.u32 v21, v19;
	v18 =	vtrunc.f32 v18;
	[tilespmem:v22+s29+$0x0] =	vst.idx.add.f32.msk vm3, v24  }
.Ltmp5:
0x132: {  	v21 =	vor.u32 v9, v21;
	v22 =	vcvt.f32.s32 v18;
	[tilespmem:v11+s29+$0x0] =	vst.idx.add.f32.msk vm3, v26;
	v11 =	vor.u32 v19, v17;
	(pc) =	sbr.rel @p0 .LBB2_9-.Ltmp5, $4  }
0x133: {  	v28 =	vadd.f32 $-8.388608000e+06, v7;
	v19 =	vor.u32 $0x1000, v21;
	[tilespmem:v16+s29+$0x0] =	vst.idx.add.f32.msk vm3, v15;
	v18 =	vor.u32 v9, v11  }
0x134: {  	v17 =	vor.u32 $0x5000, v21;
	v7 =	vsub.s32 v27, v22;
	v11 =	vadd.s32 v22, v27;
	[tilespmem:v20+s23+$0x0] =	vst.idx.add.f32.msk vm1, v2  }
0x135: {  	v9 =	vtrunc.f32 v28;
	vm3 =	vgt.s32 v7, $0x0;
	vm4 =	vgt.s32 v11, $0x0;
	[tilespmem:v23+s29+$0x0] =	vst.idx.add.f32.msk vm1, v24  }
0x136: {  	s9 =	sadd.s32 $0x20, s9;
	v20 =	vcvt.f32.s32 v9;
	v9 =	vnsel vm3, $0x0, v7;
	v16 =	vnsel vm4, $0x0, v11;
	[tilespmem:v25+s29+$0x0] =	vst.idx.add.f32.msk vm1, v26  }
0x137: {  	_ =	sdelay $0x4  }
0x138: {  	[tilespmem:v14+s29+$0x0] =	vst.idx.add.f32.msk vm1, v15  }
0x139: {  	v47 =	vor.u32 $0x7000, v12;
	[tilespmem:v19+s23+$0x0] =	vst.idx.add.f32.msk vm2, v2  }
0x13a: {  	vm9 =	vmmov vm0;
	[tilespmem:v19+s29+$0x0] =	vst.idx.add.f32.msk vm2, v13  }
0x13b: {  	v49 =	vor.u32 $0xB000, v12;
	v48 =	vsub.s32 v3, v20;
	[tilespmem:v18+s29+$0x0] =	vst.idx.add.f32.msk vm2, v8  }
0x13c: {  	vm3 =	vgt.s32 v48, $0x0;
	[tilespmem:v17+s29+$0x0] =	vst.idx.add.f32.msk vm2, v6  }
0x13d: {  	v50 =	vnsel vm3, $0x0, v48;
	[tilespmem:v5+s23+$0x0] =	vst.idx.add.f32.msk vm0, v2  }
0x13e: {  	v4 =	vbroadcast v4, $0x0;
	v5 =	vmin.u32 v50, $0x1FF;
	[tilespmem:v47+s29+$0x0] =	vst.idx.add.f32.msk vm0, v13  }
0x13f: {  	v3 =	vadd.s32 v20, v3;
	v51 =	vand.u32 $0x7F, v5;
	v5 =	vshll.u32 v5, $0x3;
	[tilespmem:v10+s29+$0x0] =	vst.idx.add.f32.msk vm0, v8  }
0x140: {  	vm10 =	vgt.s32 v3, $0x0;
	v5 =	vand.u32 $0xC00, v5;
	[tilespmem:v49+s29+$0x0] =	vst.idx.add.f32.msk vm9, v6;
	v6 =	vor.u32 v4, v51  }
0x141: {  	s19 =	sadd.s32 $0x5000, s5;
	v56 =	vld [tilespmem:s7+$0x0];
	vm11 =	vlt.u32 v48, $0x200;
	v8 =	vnsel vm10, $0x0, v3;
	v6 =	vor.u32 v5, v6  }
0x142: {  	v59 =	vld [tilespmem:s6+$0x0];
	s20 =	sor.u32 s2, s19;
	v52 =	vor.u32 $0x3000, v4;
	v8 =	vmin.u32 v8, $0x1FF;
	v53 =	vor.u32 $0x1000, v6  }
0x143: {  	s4 =	sadd.s32 $0x6000, s5;
	s21 =	sor.u32 s1, s19;
	v54 =	vld [tilespmem:s20+$0x0];
	v13 =	vor.u32 v51, v52;
	v55 =	vand.u32 $0x7F, v8;
	v8 =	vshll.u32 v8, $0x3  }
0x144: {  	s22 =	sor.u32 s1, s4;
	v58 =	vld [tilespmem:s21+$0x0];
	vm12 =	vlt.u32 v3, $0x200;
	v5 =	vor.u32 v5, v13;
	v8 =	vand.u32 $0xC00, v8  }
0x145: {  	s8 =	sor.u32 s2, s4;
	v3 =	vld [tilespmem:s22+$0x0];
	v57 =	vor.u32 v55, v52;
	v17 =	vor.u32 v4, v55;
	v6 =	vor.u32 $0x5000, v6  }
0x146: {  	v9 =	vmin.u32 v9, $0x1FF;
	v10 =	vld [tilespmem:s8+$0x0];
	v17 =	vor.u32 v8, v17;
	v8 =	vor.u32 v8, v57  }
0x147: {  	v21 =	vand.u32 $0x7F, v9;
	v9 =	vshll.u32 v9, $0x3;
	v60 =	vor.u32 $0x7000, v17;
	[tilespmem:v53+s23+$0x0] =	vst.idx.add.f32.msk vm11, v2  }
0x148: {  	v9 =	vand.u32 $0xC00, v9;
	v61 =	vor.u32 v4, v21;
	v22 =	vor.u32 $0x9000, v17;
	[tilespmem:v53+s29+$0x0] =	vst.idx.add.f32.msk vm11, v56  }
0x149: {  	vm13 =	vlt.u32 v7, $0x200;
	v17 =	vor.u32 $0xB000, v17;
	[tilespmem:v5+s29+$0x0] =	vst.idx.add.f32.msk vm11, v58;
	v5 =	vor.u32 v9, v61  }
0x14a: {  	v7 =	vmin.u32 v16, $0x1FF;
	[tilespmem:v6+s29+$0x0] =	vst.idx.add.f32.msk vm11, v3;
	v6 =	vor.u32 $0x1000, v5  }
0x14b: {  	v62 =	vshll.u32 v7, $0x3;
	v7 =	vand.u32 $0x7F, v7;
	v63 =	vor.u32 v21, v52;
	[tilespmem:v8+s23+$0x0] =	vst.idx.add.f32.msk vm12, v2  }
0x14c: {  	vm14 =	vlt.u32 v11, $0x200;
	v4 =	vor.u32 v4, v7;
	v8 =	vor.u32 v9, v63;
	[tilespmem:v60+s29+$0x0] =	vst.idx.add.f32.msk vm12, v56  }
0x14d: {  	v7 =	vor.u32 v7, v52;
	v5 =	vor.u32 $0x5000, v5;
	v9 =	vand.u32 $0xC00, v62;
	[tilespmem:v22+s29+$0x0] =	vst.idx.add.f32.msk vm12, v58  }
0x14e: {  	v7 =	vor.u32 v9, v7;
	v4 =	vor.u32 v9, v4;
	[tilespmem:v17+s29+$0x0] =	vst.idx.add.f32.msk vm12, v3  }
0x14f: {  	v3 =	vor.u32 $0x7000, v4;
	[tilespmem:v6+s23+$0x0] =	vst.idx.add.f32.msk vm13, v2  }
0x150: {  	v9 =	vor.u32 $0x9000, v4;
	[tilespmem:v6+s29+$0x0] =	vst.idx.add.f32.msk vm13, v59  }
0x151: {  	v4 =	vor.u32 $0xB000, v4;
	[tilespmem:v8+s29+$0x0] =	vst.idx.add.f32.msk vm13, v54  }
0x152: {  	s24 =	simm.s32 $0x0;
	[tilespmem:v5+s29+$0x0] =	vst.idx.add.f32.msk vm13, v10  }
0x153: {  	s26 =	simm.s32 $0x0;
	s13 =	sand.u32 $0x1000, s24;
	[tilespmem:v7+s23+$0x0] =	vst.idx.add.f32.msk vm14, v2  }
0x154: {  	s2 =	sand.u32 $0x40, s0;
	s15 =	sand.u32 $0x380, s26;
	s28 =	sor.u32 s3, s13;
	[tilespmem:v3+s29+$0x0] =	vst.idx.add.f32.msk vm14, v59  }
0x155: {  	s6 =	sor.u32 $0x30, s2;
	s0 =	sor.u32 s15, s28;
	[tilespmem:v9+s29+$0x0] =	vst.idx.add.f32.msk vm14, v54  }
0x156: {  	s7 =	sor.u32 s6, s0;
	[tilespmem:v4+s29+$0x0] =	vst.idx.add.f32.msk vm14, v10  }
0x157: {  	s31 =	sor.u32 $0x10, s2;
	s30 =	sor.u32 $0x20, s2;
	s8 =	sor.u32 s2, s0;
	v3 =	vld [tilespmem:s7+$0x8000]  }
0x158: {  	s18 =	sor.u32 s31, s0;
	v4 =	vld [tilespmem:s8+$0x8000];
	[dreg:$0x1e] =	wrdreg s30  }
0x159: {  	s1 =	sor.u32 s30, s0;
	v5 =	vld [tilespmem:s18+$0x8000]  }
0x15a: {  	v7 =	vld [tilespmem:s1+$0x8000]  }
0x15b: {  	p3 =	por $0x1, $0x1  }
.Ltmp6:
0x15c: {  	v3 =	vmax.f32 v3, $1.000000000e+00;
	(pc) =	sbr.rel @!p3 .LBB2_11-.Ltmp6, $4  }
0x15d: {  	v6 =	vld [tilespmem:s8+$0xC000];
	v4 =	vmax.f32 v4, $1.000000000e+00;
	(erf) = vrcp.f32 v3  }
0x15e: {  	v9 =	vld [tilespmem:s18+$0xC000];
	v3 =	vmax.f32 v5, $1.000000000e+00;
	(erf) = vrcp.f32 v4  }
0x15f: {  	p0 =	por $0x0, $0x0;
	v4 =	vmax.f32 v7, $1.000000000e+00;
	v7 =	vld [tilespmem:s1+$0xC000];
	[dreg:$0x17] =	wrdreg s25;
	(erf) = vrcp.f32 v3  }
0x160: {  	p1 =	por $0x0, $0x0;
	p2 =	por $0x0, $0x0;
	vm15 =	vmmov vm14;
	[dreg:$0x19] =	wrdreg s15;
	(erf) = vrcp.f32 v4  }
0x161: {  	_ = 	snop  }
0x162: {  	s3 =	simm.s32 $0x40;
	s5 =	simm.s32 $0x40;
	v3 =	vld [tilespmem:s7+$0xC000];
	s9 =	simm.s32 $0x200  }
0x163: {  	s10 =	simm.s32 $0x10;
	s5 =	sand.u32 $0x1000, s5;
	s9 =	sand.u32 $0xC00, s9  }
0x164: {  	s28 =	sand.u32 $0x40, s3;
	s24 =	sand.u32 $0x380, s10;
	s23 =	sor.u32 s9, s5  }
0x165: {  	s30 =	sor.u32 $0x30, s28;
	s17 =	sor.u32 s24, s23  }
0x166: {  	s9 =	sor.u32 s30, s17;
	v8 =	vpop (erf)  }
0x167: {  	s22 =	sor.u32 $0x10, s28;
	s10 =	sor.u32 s28, s17;
	v10 =	vld [tilespmem:s9+$0x8000];
	v5 =	vmul.f32 v8, v3;
	v3 =	vpop (erf)  }
0x168: {  	s19 =	sor.u32 $0x20, s28;
	s23 =	sor.u32 s22, s17;
	v11 =	vld [tilespmem:s10+$0x8000];
	v6 =	vmul.f32 v3, v6  }
0x169: {  	s12 =	sor.u32 s19, s17;
	v12 =	vld [tilespmem:s23+$0x8000];
	v4 =	vpop (erf);
	v13 =	vmax.f32 v5, $0.0e+00  }
0x16a: {  	s26 =	sor.u32 $0xE000, s0;
	v14 =	vld [tilespmem:s12+$0x8000];
	v9 =	vmul.f32 v4, v9;
	v13 =	vmin.f32 v13, $1.000000000e+00;
	v15 =	vmax.f32 v6, $0.0e+00  }
0x16b: {  	p3 =	por $0x1, $0x1;
	s24 =	sor.u32 s6, s26;
	v6 =	vld [tilespmem:s10+$0xC000];
	v5 =	vpop (erf);
	[tilespmem:s7+$0xC000] =	vst v13;
	v63 =	vmin.f32 v15, $1.000000000e+00  }
.Ltmp7:
0x16c: {  	v9 =	vmax.f32 v9, $0.0e+00;
	v10 =	vmax.f32 v10, $1.000000000e+00;
	v7 =	vmul.f32 v5, v7;
	v17 =	vld [tilespmem:s24+$0x0];
	(pc) =	sbr.rel @!p3 .LBB2_13-.Ltmp7, $4  }
0x16d: {  	s21 =	sor.u32 s2, s26;
	v11 =	vmax.f32 v11, $1.000000000e+00;
	v15 =	vmin.f32 v9, $1.000000000e+00;
	(erf) = vrcp.f32 v10;
	v9 =	vld [tilespmem:s23+$0xC000];
	[tilespmem:s8+$0xC000] =	vst v63  }
0x16e: {  	v12 =	vmax.f32 v12, $1.000000000e+00;
	(erf) = vrcp.f32 v11;
	[tilespmem:s18+$0xC000] =	vst v15;
	v19 =	vld [tilespmem:s21+$0x0];
	v10 =	vmax.f32 v7, $0.0e+00  }
0x16f: {  	s20 =	sor.u32 s31, s26;
	v11 =	vmax.f32 v14, $1.000000000e+00;
	v7 =	vld [tilespmem:s12+$0xC000];
	(erf) = vrcp.f32 v12;
	s4 =	rddreg [dreg:$0x1e];
	v10 =	vmin.f32 v10, $1.000000000e+00  }
0x170: {  	p0 =	por $0x1, $0x1;
	v20 =	vld [tilespmem:s20+$0x0];
	s26 =	sor.u32 s4, s26;
	(erf) = vrcp.f32 v11;
	[tilespmem:s1+$0xC000] =	vst v10  }
0x171: {  	v11 =	vmul.f32 v17, v8  }
0x172: {  	s1 =	simm.s32 $0x80;
	s8 =	smov.u32 s31;
	s11 =	simm.s32 $0x80  }
0x173: {  	v10 =	vld [tilespmem:s26+$0x0];
	s3 =	simm.s32 $0x400;
	s4 =	simm.s32 $0x20;
	s0 =	sor.u32 $0x10000, s0;
	v11 =	vmax.f32 v11, $0.0e+00  }
0x174: {  	v12 =	vld [tilespmem:s9+$0xC000];
	s31 =	sand.u32 $0x40, s1;
	s1 =	sand.u32 $0x1000, s11;
	s3 =	sand.u32 $0xC00, s3;
	v11 =	vmin.f32 v11, $1.000000000e+00  }
0x175: {  	s14 =	sand.u32 $0x380, s4;
	s1 =	sor.u32 s3, s1;
	s15 =	sor.u32 $0x30, s31;
	[tilespmem:s24+$0x0] =	vst v11  }
0x176: {  	s16 =	sor.u32 s6, s0;
	v13 =	vmul.f32 v19, v3;
	s14 =	sor.u32 s14, s1;
	[dreg:$0x6] =	wrdreg s15  }
0x177: {  	s18 =	sor.u32 $0x10, s31;
	v14 =	vmul.f32 v20, v4;
	s11 =	sor.u32 s15, s14;
	v17 =	vld [tilespmem:s16+$0x0]  }
0x178: {  	v13 =	vmax.f32 v13, $0.0e+00;
	s25 =	sor.u32 s31, s14;
	s24 =	sor.u32 $0x20, s31;
	v16 =	vpop (erf);
	v15 =	vmul.f32 v10, v5;
	v18 =	vld [tilespmem:s11+$0x8000];
	[smem:$0x7FC] =	sst s18  }
0x179: {  	v13 =	vmin.f32 v13, $1.000000000e+00;
	v12 =	vmul.f32 v16, v12;
	v11 =	vpop (erf);
	v14 =	vmax.f32 v14, $0.0e+00;
	v19 =	vld [tilespmem:s25+$0x8000];
	[dreg:$0x5] =	wrdreg s24  }
0x17a: {  	v6 =	vmul.f32 v11, v6;
	v14 =	vmin.f32 v14, $1.000000000e+00;
	v15 =	vmax.f32 v15, $0.0e+00;
	[tilespmem:s21+$0x0] =	vst v13  }
0x17b: {  	s4 =	sor.u32 s18, s14;
	v10 =	vpop (erf);
	v20 =	vmax.f32 v12, $0.0e+00;
	v15 =	vmin.f32 v15, $1.000000000e+00;
	[tilespmem:s20+$0x0] =	vst v14  }
0x17c: {  	s1 =	sor.u32 s24, s14;
	v13 =	vld [tilespmem:s4+$0x8000];
	v9 =	vmul.f32 v10, v9;
	v21 =	vmax.f32 v6, $0.0e+00;
	v6 =	vmin.f32 v20, $1.000000000e+00;
	[tilespmem:s26+$0x0] =	vst v15  }
0x17d: {  	s5 =	sor.u32 $0xE000, s17;
	v14 =	vld [tilespmem:s1+$0x8000];
	v12 =	vpop (erf);
	[tilespmem:s9+$0xC000] =	vst v6;
	v20 =	vmin.f32 v21, $1.000000000e+00  }
0x17e: {  	s24 =	sor.u32 s30, s5;
	v6 =	vld [tilespmem:s25+$0xC000];
	v9 =	vmax.f32 v9, $0.0e+00;
	v7 =	vmul.f32 v12, v7;
	v8 =	vmul.f32 v17, v8;
	[tilespmem:s10+$0xC000] =	vst v20  }
0x17f: {  	v15 =	vmax.f32 v18, $1.000000000e+00;
	v18 =	vmin.f32 v9, $1.000000000e+00;
	v17 =	vld [tilespmem:s24+$0x0];
	v19 =	vmax.f32 v19, $1.000000000e+00;
	[smem:$0x7FD] =	sst s4  }
0x180: {  	p3 =	por $0x1, $0x1;
	(erf) = vrcp.f32 v15;
	v21 =	vmax.f32 v7, $0.0e+00;
	v8 =	vmax.f32 v8, $0.0e+00;
	[tilespmem:s23+$0xC000] =	vst v18  }
.Ltmp8:
0x181: {  	v9 =	vld [tilespmem:s4+$0xC000];
	v13 =	vmax.f32 v13, $1.000000000e+00;
	(erf) = vrcp.f32 v19;
	[dreg:$0x1f] =	wrdreg s1;
	v8 =	vmin.f32 v8, $1.000000000e+00;
	(pc) =	sbr.rel @!p3 .LBB2_15-.Ltmp8, $4  }
0x182: {  	s21 =	sor.u32 s28, s5;
	(erf) = vrcp.f32 v13;
	v13 =	vmin.f32 v21, $1.000000000e+00;
	v7 =	vld [tilespmem:s1+$0xC000];
	[tilespmem:s16+$0x0] =	vst v8  }
0x183: {  	s7 =	sor.u32 s8, s0;
	s20 =	sor.u32 s22, s5;
	v19 =	vld [tilespmem:s21+$0x0];
	s26 =	rddreg [dreg:$0x1e];
	[tilespmem:s12+$0xC000] =	vst v13  }
0x184: {  	p1 =	por $0x1, $0x1;
	v14 =	vmax.f32 v14, $1.000000000e+00;
	v20 =	vld [tilespmem:s20+$0x0];
	s16 =	sor.u32 s26, s0;
	[dreg:$0x1c] =	wrdreg s7  }
0x185: {  	s18 =	sor.u32 s2, s0;
	(erf) = vrcp.f32 v14;
	s26 =	sor.u32 s19, s5;
	[dreg:$0x1d] =	wrdreg s16  }
0x186: {  	[dreg:$0x18] =	wrdreg s13;
	v8 =	vmul.f32 v17, v16  }
0x187: {  	v13 =	vld [tilespmem:s26+$0x0]  }
0x188: {  	s2 =	simm.s32 $0xC0;
	v17 =	vld [tilespmem:s11+$0xC000];
	v8 =	vmax.f32 v8, $0.0e+00  }
0x189: {  	s3 =	simm.s32 $0xC0;
	s0 =	simm.s32 $0x600;
	s6 =	simm.s32 $0x30;
	v8 =	vmin.f32 v8, $1.000000000e+00  }
0x18a: {  	s1 =	sand.u32 $0x40, s2;
	s3 =	sand.u32 $0x1000, s3;
	s5 =	sand.u32 $0xC00, s0;
	v18 =	vld [tilespmem:s18+$0x0]  }
0x18b: {  	s6 =	sand.u32 $0x380, s6;
	v14 =	vld [tilespmem:s7+$0x0];
	s5 =	sor.u32 s5, s3;
	v19 =	vmul.f32 v19, v11;
	s3 =	sor.u32 $0x10000, s17  }
0x18c: {  	v15 =	vld [tilespmem:s16+$0x0];
	s10 =	sor.u32 $0x30, s1;
	s17 =	sor.u32 s6, s5;
	v20 =	vmul.f32 v20, v10;
	s5 =	sor.u32 s30, s3;
	[tilespmem:s24+$0x0] =	vst v8;
	v8 =	vpop (erf)  }
0x18d: {  	s13 =	sor.u32 s10, s17;
	v19 =	vmax.f32 v19, $0.0e+00;
	v24 =	vld [tilespmem:s5+$0x0];
	v21 =	vmul.f32 v13, v12;
	v17 =	vmul.f32 v8, v17;
	v13 =	vpop (erf)  }
0x18e: {  	v25 =	vld [tilespmem:s13+$0x8000];
	v19 =	vmin.f32 v19, $1.000000000e+00;
	v20 =	vmax.f32 v20, $0.0e+00;
	[dreg:$0x7] =	wrdreg s1;
	v6 =	vmul.f32 v13, v6  }
0x18f: {  	s30 =	sor.u32 $0x10, s1;
	s9 =	sor.u32 s1, s17;
	v20 =	vmin.f32 v20, $1.000000000e+00;
	[tilespmem:s21+$0x0] =	vst v19;
	v17 =	vmax.f32 v17, $0.0e+00  }
0x190: {  	s15 =	smov.u32 s19;
	s19 =	sor.u32 $0x20, s1;
	s6 =	sor.u32 s30, s17;
	v26 =	vld [tilespmem:s9+$0x8000];
	[tilespmem:s20+$0x0] =	vst v20;
	v27 =	vmax.f32 v6, $0.0e+00;
	v6 =	vmin.f32 v17, $1.000000000e+00  }
0x191: {  	s12 =	sor.u32 s19, s17;
	v19 =	vld [tilespmem:s6+$0x8000];
	v21 =	vmax.f32 v21, $0.0e+00;
	[tilespmem:s11+$0xC000] =	vst v6  }
0x192: {  	v20 =	vld [tilespmem:s12+$0x8000];
	v21 =	vmin.f32 v21, $1.000000000e+00;
	[dreg:$0x8] =	wrdreg s9  }
0x193: {  	v22 =	vpop (erf);
	v27 =	vmin.f32 v27, $1.000000000e+00;
	s20 =	rddreg [dreg:$0x6];
	[tilespmem:s26+$0x0] =	vst v21  }
0x194: {  	v9 =	vmul.f32 v22, v9;
	[tilespmem:s25+$0xC000] =	vst v27  }
0x195: {  	s21 =	sld [smem:$0x7FD]  }
0x196: {  	s8 =	smov.u32 s22;
	s4 =	smov.u32 s14;
	v16 =	vmul.f32 v24, v16;
	v9 =	vmax.f32 v9, $0.0e+00  }
0x197: {  	s14 =	sor.u32 $0xE000, s14;
	p3 =	por $0x1, $0x1;
	p2 =	por $0x1, $0x1;
	v23 =	vpop (erf);
	v24 =	vmin.f32 v9, $1.000000000e+00  }
0x198: {  	s29 =	sor.u32 s28, s3;
	s28 =	smov.u32 s31;
	s8 =	sor.u32 s8, s3;
	v7 =	vmul.f32 v23, v7;
	v16 =	vmax.f32 v16, $0.0e+00;
	v6 =	vld [tilespmem:s9+$0xC000];
	[tilespmem:s21+$0xC000] =	vst v24  }
.Ltmp9:
0x199: {  	s15 =	sor.u32 s15, s3;
	v21 =	vmax.f32 v25, $1.000000000e+00;
	v9 =	vld [tilespmem:s6+$0xC000];
	v16 =	vmin.f32 v16, $1.000000000e+00;
	s25 =	sld [smem:$0x7FC];
	(pc) =	sbr.rel @!p3 .LBB2_17-.Ltmp9, $4  }
0x19a: {  	s3 =	smov.u32 s16;
	s16 =	smov.u32 s18;
	v26 =	vmax.f32 v26, $1.000000000e+00;
	s24 =	sor.u32 s20, s14;
	v25 =	vmax.f32 v7, $0.0e+00;
	v7 =	vld [tilespmem:s12+$0xC000];
	(erf) = vrcp.f32 v21;
	[tilespmem:s5+$0x0] =	vst v16  }
0x19b: {  	s23 =	smov.u32 s6;
	s11 =	sor.u32 s31, s14;
	v19 =	vmax.f32 v19, $1.000000000e+00;
	v17 =	vld [tilespmem:s24+$0x0];
	v21 =	vmin.f32 v25, $1.000000000e+00;
	(erf) = vrcp.f32 v26;
	s31 =	rddreg [dreg:$0x1f]  }
0x19c: {  	v20 =	vmax.f32 v20, $1.000000000e+00;
	s6 =	simm.s32 $0xC;
	(erf) = vrcp.f32 v19;
	v19 =	vld [tilespmem:s11+$0x0];
	s26 =	rddreg [dreg:$0x5];
	[tilespmem:s31+$0xC000] =	vst v21;
	s9 =	sor.u32 s25, s14  }
0x19d: {  	v25 =	vmul.f32 v18, v3;
	v18 =	vmovc v5;
	(erf) = vrcp.f32 v20;
	v16 =	vmov v4;
	s26 =	sor.u32 s26, s14;
	s1 =	smov.u32 s25;
	v20 =	vld [tilespmem:s9+$0x0];
	[dreg:$0x1b] =	wrdreg s18  }
.LBB2_18:
0x19e: {  	[dreg:$0xd] =	wrdreg s29  }
0x19f: {  	[dreg:$0xb] =	wrdreg s12  }
0x1a0: {  	s6 =	sadd.s32 $0x4, s6;
	s2 =	sadd.s32 $0x40, s2;
	s25 =	smov.u32 s8  }
0x1a1: {  	s20 =	smov.u32 s3;
	s3 =	smov.u32 s15;
	s18 =	smov.u32 s26  }
0x1a2: {  	v21 =	vld [tilespmem:s26+$0x0];
	s26 =	smov.u32 s17;
	s0 =	sadd.s32 $0x200, s0;
	s4 =	sor.u32 $0x10000, s4  }
0x1a3: {  	v14 =	vmul.f32 v14, v16;
	v16 =	vmovc v10;
	v15 =	vmul.f32 v15, v18;
	s22 =	rddreg [dreg:$0x6];
	s17 =	sand.u32 $0x40, s2;
	s5 =	sshll.u32 s6, $0x4;
	v24 =	vmax.f32 v25, $0.0e+00  }
0x1a4: {  	v10 =	vmovc v22;
	v22 =	vld [tilespmem:s13+$0xC000];
	v18 =	vmovc v12;
	v12 =	vmov v23;
	s14 =	sand.u32 $0xC00, s0;
	s21 =	sshll.u32 s6, $0x2;
	s5 =	sand.u32 $0x1000, s5;
	v23 =	vmin.f32 v24, $1.000000000e+00;
	v17 =	vmul.f32 v17, v8  }
0x1a5: {  	v25 =	vld [tilespmem:s29+$0x0];
	s8 =	sor.u32 s1, s4;
	s21 =	sand.u32 $0x380, s21;
	s5 =	sor.u32 s14, s5;
	[tilespmem:s16+$0x0] =	vst v23;
	v23 =	vmax.f32 v15, $0.0e+00;
	v19 =	vmul.f32 v19, v13  }
0x1a6: {  	p3 =	slt.u32 s6, $0x1FC;
	s1 =	sor.u32 $0xE000, s26;
	v24 =	vmax.f32 v14, $0.0e+00;
	v14 =	vld [tilespmem:s25+$0x0];
	s12 =	sor.u32 s21, s5;
	v23 =	vmin.f32 v23, $1.000000000e+00;
	v17 =	vmax.f32 v17, $0.0e+00  }
0x1a7: {  	s31 =	sor.u32 $0x20, s17;
	s14 =	sor.u32 $0x30, s17;
	v15 =	vld [tilespmem:s3+$0x0];
	v20 =	vmul.f32 v20, v10;
	s21 =	sor.u32 s17, s12;
	[tilespmem:s20+$0x0] =	vst v23;
	v19 =	vmax.f32 v19, $0.0e+00;
	v17 =	vmin.f32 v17, $1.000000000e+00  }
0x1a8: {  	s16 =	sor.u32 s22, s4;
	s5 =	sor.u32 $0x10, s17;
	s29 =	sor.u32 s14, s12;
	v29 =	vld [tilespmem:s21+$0x8000];
	v19 =	vmin.f32 v19, $1.000000000e+00;
	[tilespmem:s24+$0x0] =	vst v17  }
0x1a9: {  	v21 =	vmul.f32 v21, v12;
	s22 =	sor.u32 s5, s12;
	s20 =	sor.u32 s28, s4;
	v20 =	vmax.f32 v20, $0.0e+00;
	v17 =	vmin.f32 v24, $1.000000000e+00;
	[tilespmem:s11+$0x0] =	vst v19;
	s24 =	rddreg [dreg:$0x5];
	v26 =	vld [tilespmem:s16+$0x0]  }
0x1aa: {  	v24 =	vpop (erf);
	v19 =	vmin.f32 v20, $1.000000000e+00;
	[tilespmem:s7+$0x0] =	vst v17;
	v17 =	vld [tilespmem:s29+$0x8000];
	s15 =	sor.u32 s24, s4;
	s4 =	smov.u32 s26;
	s26 =	rddreg [dreg:$0x8]  }
0x1ab: {  	v20 =	vmax.f32 v21, $0.0e+00;
	s7 =	sor.u32 s31, s12;
	v27 =	vmul.f32 v24, v22;
	v28 =	vpop (erf);
	s24 =	smov.u32 s17;
	v21 =	vld [tilespmem:s22+$0x8000];
	[tilespmem:s9+$0x0] =	vst v19;
	s9 =	rddreg [dreg:$0x7]  }
0x1ac: {  	s17 =	smov.u32 s12;
	v6 =	vmul.f32 v28, v6;
	v22 =	vpop (erf);
	[dreg:$0x7] =	wrdreg s24;
	s24 =	sor.u32 s10, s1  }
0x1ad: {  	v19 =	vmin.f32 v20, $1.000000000e+00;
	s12 =	smov.u32 s7;
	v9 =	vmul.f32 v22, v9;
	v27 =	vmax.f32 v27, $0.0e+00;
	v23 =	vpop (erf);
	s11 =	smov.u32 s9;
	s9 =	sor.u32 s30, s1  }
0x1ae: {  	v20 =	vld [tilespmem:s7+$0x8000];
	[tilespmem:s18+$0x0] =	vst v19;
	s18 =	smov.u32 s21;
	v30 =	vmax.f32 v6, $0.0e+00;
	v7 =	vmul.f32 v23, v7;
	v27 =	vmin.f32 v27, $1.000000000e+00;
	s28 =	smov.u32 s11;
	s11 =	sor.u32 s11, s1  }
0x1af: {  	v6 =	vld [tilespmem:s21+$0xC000];
	[dreg:$0x8] =	wrdreg s18;
	v19 =	vmin.f32 v30, $1.000000000e+00;
	v9 =	vmax.f32 v9, $0.0e+00;
	[tilespmem:s13+$0xC000] =	vst v27;
	s13 =	smov.u32 s10;
	s10 =	smov.u32 s14;
	v26 =	vmul.f32 v26, v8  }
.Ltmp10:
0x1b0: {  	v29 =	vmax.f32 v29, $1.000000000e+00;
	s14 =	smov.u32 s19;
	v8 =	vmovc v24;
	v24 =	vmax.f32 v17, $1.000000000e+00;
	[tilespmem:s26+$0xC000] =	vst v19;
	v19 =	vmin.f32 v9, $1.000000000e+00;
	v17 =	vld [tilespmem:s24+$0x0];
	[dreg:$0x6] =	wrdreg s13;
	(pc) =	sbr.rel @p3 .LBB2_18-.Ltmp10, $4  }
0x1b1: {  	v27 =	vmax.f32 v7, $0.0e+00;
	s26 =	sor.u32 s19, s1;
	v9 =	vld [tilespmem:s22+$0xC000];
	s1 =	smov.u32 s30;
	[dreg:$0x5] =	wrdreg s14;
	(erf) = vrcp.f32 v24;
	[tilespmem:s23+$0xC000] =	vst v19;
	v19 =	vmax.f32 v26, $0.0e+00  }
0x1b2: {  	s30 =	smov.u32 s5;
	v7 =	vld [tilespmem:s7+$0xC000];
	s19 =	smov.u32 s31;
	s31 =	rddreg [dreg:$0xb];
	v21 =	vmax.f32 v21, $1.000000000e+00;
	(erf) = vrcp.f32 v29;
	v24 =	vmin.f32 v19, $1.000000000e+00  }
0x1b3: {  	s13 =	smov.u32 s29;
	v20 =	vmax.f32 v20, $1.000000000e+00;
	s23 =	smov.u32 s22;
	s22 =	rddreg [dreg:$0xd];
	(erf) = vrcp.f32 v21;
	v19 =	vld [tilespmem:s11+$0x0];
	v21 =	vmin.f32 v27, $1.000000000e+00;
	[tilespmem:s16+$0x0] =	vst v24  }
0x1b4: {  	v25 =	vmul.f32 v25, v11;
	v11 =	vmovc v13;
	v13 =	vmov v28;
	s29 =	smov.u32 s20;
	s7 =	smov.u32 s25;
	s16 =	smov.u32 s22;
	(erf) = vrcp.f32 v20;
	v20 =	vld [tilespmem:s9+$0x0];
	[tilespmem:s31+$0xC000] =	vst v21  }
0x1b5: {  	s6 =	rddreg [dreg:$0x6]  }
0x1b6: {  	s0 =	smov.u32 s4;
	s4 =	rddreg [dreg:$0x5]  }
0x1b7: {  	s2 =	smov.u32 s28;
	s28 =	rddreg [dreg:$0x7]  }
0x1b8: {  	s14 =	smov.u32 s29;
	s5 =	smov.u32 s13;
	s25 =	rddreg [dreg:$0x17]  }
0x1b9: {  	s31 =	smov.u32 s1;
	s22 =	smov.u32 s30;
	s13 =	rddreg [dreg:$0x18]  }
0x1ba: {  	s30 =	smov.u32 s10;
	s29 =	simm.s32 $0xC000;
	s18 =	rddreg [dreg:$0x1b]  }
0x1bb: {  	s20 =	smov.u32 s9;
	s21 =	smov.u32 s11;
	s10 =	rddreg [dreg:$0x8]  }
0x1bc: {  	v21 =	vmovc v10;
	v24 =	vmov v12;
	v10 =	vmov v22;
	v12 =	vmov v23;
	[dreg:$0x1e] =	wrdreg s4;
	s11 =	smov.u32 s13;
	s4 =	smov.u32 s8  }
.LBB2_20:
0x1bd: {  	v22 =	vld [tilespmem:s5+$0xC000];
	_ =	sdelay $0x3  }
0x1be: {  	v23 =	vpop (erf)  }
0x1bf: {  	v17 =	vmul.f32 @p0 v17, v8;
	v22 =	vmul.f32 v23, v22;
	_ =	sdelay $0x1  }
0x1c0: {  	v17 =	vmax.f32 @p0 v17, $0.0e+00;
	v22 =	vmax.f32 v22, $0.0e+00  }
0x1c1: {  	s13 =	sor.u32 @p0 $0x10000, s0;
	v17 =	vmin.f32 @p0 v17, $1.000000000e+00;
	v22 =	vmin.f32 v22, $1.000000000e+00  }
0x1c2: {  	v14 =	vmul.f32 @p2 v14, v16;
	s0 =	sor.u32 @p0 s6, s13;
	[tilespmem:s24+$0x0] =	vst @p0 v17;
	v17 =	vld @p0 [tilespmem:s26+$0x0]  }
0x1c3: {  	s1 =	smov.u32 s5;
	v15 =	vmul.f32 @p2 v15, v18;
	s24 =	sor.u32 $0xE000, s17;
	v18 =	vld @p0 [tilespmem:s0+$0x0]  }
0x1c4: {  	s8 =	sor.u32 s30, s24;
	[tilespmem:s1+$0xC000] =	vst v22;
	v22 =	vmov @p0 v10;
	v10 =	vmax.f32 @p2 v14, $0.0e+00  }
0x1c5: {  	v16 =	vmax.f32 @p2 v25, $0.0e+00;
	v15 =	vmax.f32 @p2 v15, $0.0e+00;
	v60 =	vld [tilespmem:s8+$0x0]  }
0x1c6: {  	v16 =	vmin.f32 @p2 v16, $1.000000000e+00;
	v15 =	vmin.f32 @p2 v15, $1.000000000e+00;
	v14 =	vmul.f32 @p0 v19, v13  }
0x1c7: {  	v17 =	vmul.f32 @p0 v17, v12;
	v19 =	vmul.f32 @p0 v20, v22;
	v20 =	vmin.f32 @p2 v10, $1.000000000e+00;
	v10 =	vpop (erf)  }
0x1c8: {  	[tilespmem:s16+$0x0] =	vst @p2 v16;
	v18 =	vmul.f32 @p0 v18, v8;
	v14 =	vmax.f32 @p0 v14, $0.0e+00;
	v26 =	vmul.f32 v10, v6;
	v6 =	vpop (erf)  }
0x1c9: {  	[tilespmem:s3+$0x0] =	vst @p2 v15;
	v14 =	vmin.f32 @p0 v14, $1.000000000e+00;
	v16 =	vmax.f32 @p0 v19, $0.0e+00;
	v9 =	vmul.f32 v6, v9;
	v8 =	vpop (erf)  }
0x1ca: {  	v27 =	vld @p1 [tilespmem:s14+$0x0];
	s6 =	smov.u32 @p1 s4;
	[tilespmem:s7+$0x0] =	vst @p2 v20;
	v25 =	vmul.f32 v60, v23;
	v19 =	vmax.f32 v26, $0.0e+00;
	v7 =	vmul.f32 v8, v7  }
0x1cb: {  	s1 =	smov.u32 @p1 s15;
	v17 =	vmax.f32 @p0 v17, $0.0e+00;
	v20 =	vld @p1 [tilespmem:s6+$0x0];
	[tilespmem:s21+$0x0] =	vst @p0 v14;
	v19 =	vmin.f32 v19, $1.000000000e+00;
	v9 =	vmax.f32 v9, $0.0e+00  }
0x1cc: {  	s16 =	sor.u32 s28, s24;
	v25 =	vmax.f32 v25, $0.0e+00;
	[tilespmem:s10+$0xC000] =	vst v19;
	v19 =	vld @p1 [tilespmem:s1+$0x0];
	v9 =	vmin.f32 v9, $1.000000000e+00;
	v7 =	vmax.f32 v7, $0.0e+00  }
0x1cd: {  	s9 =	sor.u32 s22, s24;
	[tilespmem:s23+$0xC000] =	vst v9;
	v9 =	vmin.f32 @p0 v16, $1.000000000e+00;
	v16 =	vmin.f32 @p0 v17, $1.000000000e+00;
	v17 =	vld [tilespmem:s16+$0x0];
	v7 =	vmin.f32 v7, $1.000000000e+00  }
0x1ce: {  	s5 =	sor.u32 s19, s24;
	v18 =	vmax.f32 @p0 v18, $0.0e+00;
	v25 =	vmin.f32 v25, $1.000000000e+00;
	[tilespmem:s12+$0xC000] =	vst v7;
	v61 =	vld [tilespmem:s9+$0x0]  }
0x1cf: {  	v5 =	vpsel p0, v12, v5;
	s2 =	sor.u32 @p0 s2, s13;
	s17 =	sor.u32 $0x10000, s17;
	v11 =	vmul.f32 @p1 v27, v11;
	v14 =	vmin.f32 @p0 v18, $1.000000000e+00;
	[tilespmem:s8+$0x0] =	vst v25;
	v18 =	vld [tilespmem:s5+$0x0]  }
0x1d0: {  	v3 =	vpsel p0, v13, v3;
	v5 =	vpsel p0, v5, v0;
	v4 =	vpsel p0, v22, v4;
	s21 =	sor.u32 s30, s17;
	s12 =	smov.u32 @p0 s2;
	s3 =	rddreg [dreg:$0x1e]  }
0x1d1: {  	v11 =	vpsel p1, v11, v0;
	v22 =	vpsel p1, v24, v0;
	v4 =	vpsel p0, v4, v0;
	s8 =	sor.u32 @p0 s31, s13;
	v12 =	vld [tilespmem:s21+$0x0];
	s18 =	smov.u32 @p0 s12;
	s4 =	rddreg [dreg:$0x1c];
	[tilespmem:s20+$0x0] =	vst @p0 v9  }
0x1d2: {  	v20 =	vpsel p1, v20, v0;
	v9 =	vmax.f32 @p1 v11, $0.0e+00;
	v7 =	vmovc @p1 v21;
	s3 =	sor.u32 @p0 s3, s13;
	s4 =	smov.u32 @p0 s8;
	v13 =	vld @p0 [tilespmem:s18+$0x0];
	s8 =	rddreg [dreg:$0x1d];
	v15 =	vmul.f32 v17, v10  }
0x1d3: {  	v7 =	vpsel p1, v7, v0;
	v19 =	vpsel p1, v19, v0;
	s8 =	smov.u32 @p0 s3;
	s3 =	smov.u32 @p0 s4;
	v17 =	vmul.f32 v61, v6  }
0x1d4: {  	[tilespmem:s26+$0x0] =	vst @p0 v16;
	v7 =	vmul.f32 @p1 v20, v7;
	s4 =	smov.u32 @p0 s8;
	v16 =	vld @p0 [tilespmem:s3+$0x0];
	v15 =	vmax.f32 v15, $0.0e+00;
	v18 =	vmul.f32 v18, v8  }
0x1d5: {  	[tilespmem:s0+$0x0] =	vst @p0 v14;
	v11 =	vmul.f32 @p1 v19, v22;
	v14 =	vld @p0 [tilespmem:s4+$0x0];
	v15 =	vmin.f32 v15, $1.000000000e+00;
	v17 =	vmax.f32 v17, $0.0e+00  }
0x1d6: {  	s23 =	sor.u32 s28, s17;
	v12 =	vmul.f32 v12, v23;
	[tilespmem:s16+$0x0] =	vst v15;
	v15 =	vmin.f32 v17, $1.000000000e+00;
	v17 =	vmax.f32 v18, $0.0e+00  }
0x1d7: {  	s24 =	sor.u32 s22, s17;
	s7 =	smov.u32 @p1 s14;
	v9 =	vmin.f32 @p1 v9, $1.000000000e+00;
	v3 =	vmul.f32 @p0 v13, v3;
	[tilespmem:s9+$0x0] =	vst v15;
	v15 =	vmin.f32 v17, $1.000000000e+00;
	v13 =	vld [tilespmem:s23+$0x0]  }
0x1d8: {  	s7 =	smov.u32 @p1 s7;
	s26 =	sor.u32 s19, s17;
	v7 =	vmax.f32 @p1 v7, $0.0e+00;
	v11 =	vmax.f32 @p1 v11, $0.0e+00;
	v12 =	vmax.f32 v12, $0.0e+00;
	[tilespmem:s5+$0x0] =	vst v15;
	v15 =	vld [tilespmem:s24+$0x0]  }
0x1d9: {  	[tilespmem:s7+$0x0] =	vst @p1 v9;
	v7 =	vmin.f32 @p1 v7, $1.000000000e+00;
	v11 =	vmin.f32 @p1 v11, $1.000000000e+00;
	v9 =	vpsel p0, v16, v0;
	s5 =	smov.u32 @p1 s6;
	v16 =	vld [tilespmem:s26+$0x0]  }
0x1da: {  	s1 =	smov.u32 @p1 s1;
	v3 =	vpsel p0, v3, v0;
	v4 =	vmul.f32 @p0 v9, v4;
	[tilespmem:s5+$0x0] =	vst @p1 v7;
	v7 =	vpsel p0, v14, v0  }
0x1db: {  	[tilespmem:s1+$0x0] =	vst @p1 v11;
	s1 =	smov.u32 @p0 s18;
	v9 =	vmin.f32 v12, $1.000000000e+00;
	v3 =	vmax.f32 @p0 v3, $0.0e+00;
	v5 =	vmul.f32 @p0 v7, v5  }
0x1dc: {  	s2 =	smov.u32 @p0 s3;
	s1 =	smov.u32 @p0 s1;
	[tilespmem:s21+$0x0] =	vst v9;
	v3 =	vmin.f32 @p0 v3, $1.000000000e+00;
	v4 =	vmax.f32 @p0 v4, $0.0e+00;
	v7 =	vmul.f32 v13, v10  }
0x1dd: {  	s3 =	smov.u32 @p0 s4;
	s2 =	smov.u32 @p0 s2;
	[tilespmem:s1+$0x0] =	vst @p0 v3;
	v4 =	vmin.f32 @p0 v4, $1.000000000e+00;
	v3 =	vmax.f32 @p0 v5, $0.0e+00;
	v5 =	vmul.f32 v15, v6  }
0x1de: {  	s1 =	smov.u32 @p0 s3;
	[tilespmem:s2+$0x0] =	vst @p0 v4;
	v3 =	vmin.f32 @p0 v3, $1.000000000e+00;
	v4 =	vmax.f32 v7, $0.0e+00;
	v6 =	vmul.f32 v16, v8  }
0x1df: {  	[tilespmem:s1+$0x0] =	vst @p0 v3;
	v3 =	vmin.f32 v4, $1.000000000e+00;
	v4 =	vmax.f32 v5, $0.0e+00  }
0x1e0: {  	s10 =	simm.s32 $0x2000;
	[tilespmem:s23+$0x0] =	vst v3;
	v3 =	vmax.f32 v6, $0.0e+00;
	v4 =	vmin.f32 v4, $1.000000000e+00  }
0x1e1: {  	s12 =	simm.s32 $0x40000;
	s7 =	sshll.u32 s25, $0xD;
	s0 =	rddreg [dreg:$0x10];
	v3 =	vmin.f32 v3, $1.000000000e+00;
	[tilespmem:s24+$0x0] =	vst v4  }
0x1e2: {  	s13 =	simm.s32 $0x0;
	s9 =	rddreg [dreg:$0x2];
	s0 =	sadd.s32 s0, s7;
	[tilespmem:s26+$0x0] =	vst v3  }
0x1e3: {  	s14 =	sand.u32 $0xC00, s13;
	s1 =	sshrl.u32 s0, $0x3;
	s15 =	rddreg [dreg:$0x19]  }
0x1e4: {  	[dreg:$0x1a] =	wrdreg s1;
	s0 =	sadd.s32 s9, s1;
	s1 =	sor.u32 s14, s11  }
0x1e5: {  	[hbm4b:s0+s10] =	stream.strided.scatter [tilespmem:s29], [sflag:$0x3], $0x6000, s12, s10, $0x38;
	[tilespmem:$0x18000] =	vst v63  }
0x1e6: {  	s6 =	sand.u32 $0x40, s13;
	s1 =	sor.u32 s15, s1  }
0x1e7: {  	s0 =	sor.u32 $0x30, s6;
	s16 =	sor.u32 $0xA000, s1  }
0x1e8: {  	s17 =	sor.u32 s0, s16  }
0x1e9: {  	v3 =	vld [tilespmem:s17+$0x0];
	_ =	sdelay $0x4  }
0x1ea: {  	v3 =	vmax.f32 v3, $1.000000000e+00  }
0x1eb: {  	(erf) = vrcp.f32 v3;
	_ =	sdelay $0x2  }
0x1ec: {  	s20 =	sor.u32 $0x12000, s1;
	s18 =	sor.u32 s6, s16  }
0x1ed: {  	s24 =	simm.s32 $0x200;
	s22 =	sor.u32 s0, s20;
	v3 =	vld [tilespmem:s18+$0x0]  }
0x1ee: {  	s25 =	simm.s32 $0x40;
	s2 =	sor.u32 $0x10, s6;
	s8 =	sand.u32 $0xC00, s24;
	v4 =	vld [tilespmem:s22+$0x0]  }
0x1ef: {  	s26 =	simm.s32 $0x10;
	s9 =	sand.u32 $0x1000, s25;
	s29 =	simm.s32 $0x40  }
0x1f0: {  	s10 =	sand.u32 $0x380, s26;
	s8 =	sor.u32 s8, s9;
	s19 =	sor.u32 s2, s16  }
0x1f1: {  	s23 =	sor.u32 $0x20, s6;
	s14 =	sand.u32 $0x40, s29;
	s9 =	sor.u32 s10, s8;
	v5 =	vld [tilespmem:s19+$0x0]  }
0x1f2: {  	s3 =	sor.u32 s23, s16;
	s8 =	sor.u32 $0xA000, s9;
	s5 =	sor.u32 $0x30, s14;
	v3 =	vmax.f32 v3, $1.000000000e+00;
	v7 =	vpop (erf)  }
0x1f3: {  	v6 =	vld [tilespmem:s3+$0x0];
	s10 =	sor.u32 s5, s8;
	(erf) = vrcp.f32 v3;
	v3 =	vmul.f32 v7, v4  }
0x1f4: {  	v4 =	vld [tilespmem:s10+$0x0]  }
0x1f5: {  	s12 =	sor.u32 s14, s8;
	v3 =	vmax.f32 v3, $0.0e+00  }
0x1f6: {  	s11 =	sor.u32 s6, s20;
	v9 =	vld [tilespmem:s12+$0x0];
	v5 =	vmax.f32 v5, $1.000000000e+00;
	s10 =	sor.u32 $0x14000, s1;
	v3 =	vmin.f32 v3, $1.000000000e+00  }
0x1f7: {  	(erf) = vrcp.f32 v5;
	v5 =	vld [tilespmem:s11+$0x0];
	s7 =	sor.u32 s0, s10;
	[tilespmem:s22+$0x0] =	vst v3  }
0x1f8: {  	v6 =	vmax.f32 v6, $1.000000000e+00;
	v3 =	vld [tilespmem:s7+$0x0]  }
0x1f9: {  	(erf) = vrcp.f32 v6;
	v4 =	vmax.f32 v4, $1.000000000e+00  }
0x1fa: {  	(erf) = vrcp.f32 v4  }
0x1fb: {  	s18 =	sor.u32 s2, s20  }
0x1fc: {  	s24 =	simm.s32 $0x80;
	s26 =	simm.s32 $0x80;
	s29 =	simm.s32 $0x20;
	v8 =	vpop (erf);
	v4 =	vld [tilespmem:s18+$0x0]  }
0x1fd: {  	s13 =	sor.u32 $0x16000, s1;
	s16 =	sor.u32 $0x10, s14;
	s15 =	sor.u32 $0x12000, s9;
	v9 =	vmax.f32 v9, $1.000000000e+00;
	v5 =	vmul.f32 v8, v5;
	v3 =	vmul.f32 v3, v7  }
0x1fe: {  	s4 =	sor.u32 s23, s20;
	s20 =	sor.u32 s5, s15;
	[smem:$0x7FB] =	sst s23  }
0x1ff: {  	s19 =	sor.u32 $0x20, s14;
	s21 =	sor.u32 s16, s8;
	s22 =	simm.s32 $0x400;
	v10 =	vld [tilespmem:s20+$0x0];
	v5 =	vmax.f32 v5, $0.0e+00;
	v3 =	vmax.f32 v3, $0.0e+00  }
0x200: {  	s17 =	sand.u32 $0x1000, s24;
	s8 =	sor.u32 s19, s8;
	s25 =	sand.u32 $0xC00, s22;
	v6 =	vld [tilespmem:s21+$0x0];
	(erf) = vrcp.f32 v9;
	v9 =	vpop (erf);
	v5 =	vmin.f32 v5, $1.000000000e+00  }
0x201: {  	s31 =	sand.u32 $0x40, s26;
	s22 =	sor.u32 s25, s17;
	v11 =	vld [tilespmem:s8+$0x0];
	[tilespmem:s11+$0x0] =	vst v5;
	s11 =	sand.u32 $0x380, s29;
	v4 =	vmul.f32 v9, v4  }
0x202: {  	s17 =	sor.u32 s0, s13;
	s0 =	sor.u32 s14, s15;
	v12 =	vld [tilespmem:s4+$0x0];
	s8 =	sor.u32 s11, s22;
	v5 =	vmin.f32 v3, $1.000000000e+00;
	v3 =	vpop (erf)  }
0x203: {  	s12 =	sor.u32 s6, s10;
	v16 =	vld [tilespmem:s0+$0x0];
	s21 =	sor.u32 $0xA000, s8;
	v4 =	vmax.f32 v4, $0.0e+00;
	[tilespmem:s7+$0x0] =	vst v5;
	s7 =	sor.u32 $0x30, s31;
	v15 =	vpop (erf)  }
0x204: {  	v13 =	vld [tilespmem:s12+$0x0];
	v4 =	vmin.f32 v4, $1.000000000e+00;
	s24 =	sor.u32 s7, s21;
	v5 =	vmul.f32 v15, v10  }
0x205: {  	s26 =	sor.u32 s2, s10;
	v6 =	vmax.f32 v6, $1.000000000e+00;
	[tilespmem:s18+$0x0] =	vst v4;
	v4 =	vld [tilespmem:s24+$0x0]  }
0x206: {  	(erf) = vrcp.f32 v6;
	v6 =	vld [tilespmem:s26+$0x0];
	v10 =	vmax.f32 v11, $1.000000000e+00;
	v5 =	vmax.f32 v5, $0.0e+00  }
0x207: {  	s28 =	sor.u32 $0x10, s31;
	s25 =	sor.u32 s31, s21;
	v14 =	vld [tilespmem:s17+$0x0];
	(erf) = vrcp.f32 v10;
	v10 =	vmul.f32 v3, v12  }
0x208: {  	s29 =	sor.u32 s28, s21;
	s18 =	sor.u32 $0x14000, s9;
	v11 =	vld [tilespmem:s25+$0x0];
	v17 =	vmin.f32 v5, $1.000000000e+00  }
0x209: {  	s1 =	sor.u32 s5, s18;
	v13 =	vmul.f32 v13, v8;
	v12 =	vld [tilespmem:s29+$0x0];
	v10 =	vmax.f32 v10, $0.0e+00;
	[tilespmem:s20+$0x0] =	vst v17;
	v5 =	vpop (erf)  }
0x20a: {  	s11 =	sor.u32 $0x20, s31;
	s25 =	sor.u32 s16, s15;
	v4 =	vmax.f32 v4, $1.000000000e+00;
	v10 =	vmin.f32 v10, $1.000000000e+00;
	v17 =	vld [tilespmem:s1+$0x0];
	v16 =	vmul.f32 v5, v16  }
0x20b: {  	s3 =	sor.u32 s11, s21;
	v19 =	vld [tilespmem:s25+$0x0];
	v6 =	vmul.f32 v6, v9;
	(erf) = vrcp.f32 v4;
	v4 =	vmax.f32 v13, $0.0e+00  }
0x20c: {  	s22 =	sor.u32 s19, s15;
	v18 =	vld [tilespmem:s3+$0x0];
	[tilespmem:s4+$0x0] =	vst v10;
	v4 =	vmin.f32 v4, $1.000000000e+00;
	v16 =	vmax.f32 v16, $0.0e+00  }
0x20d: {  	s21 =	sor.u32 s23, s10;
	v13 =	vld [tilespmem:s22+$0x0];
	v6 =	vmax.f32 v6, $0.0e+00;
	[tilespmem:s12+$0x0] =	vst v4;
	v4 =	vmax.f32 v11, $1.000000000e+00;
	v10 =	vmin.f32 v16, $1.000000000e+00  }
0x20e: {  	v14 =	vmul.f32 v14, v7;
	s20 =	sor.u32 s6, s13;
	(erf) = vrcp.f32 v4;
	v4 =	vmin.f32 v6, $1.000000000e+00;
	[tilespmem:s0+$0x0] =	vst v10;
	v10 =	vld [tilespmem:s21+$0x0]  }
0x20f: {  	v7 =	vpop (erf);
	[tilespmem:s26+$0x0] =	vst v4;
	s26 =	sor.u32 s2, s13;
	v16 =	vmul.f32 v17, v15;
	v17 =	vld [tilespmem:s20+$0x0]  }
0x210: {  	s24 =	sor.u32 $0x12000, s8;
	s4 =	sor.u32 s14, s18;
	v12 =	vmax.f32 v12, $1.000000000e+00;
	v6 =	vmax.f32 v14, $0.0e+00;
	v14 =	vmul.f32 v7, v19;
	v62 =	vld [tilespmem:s26+$0x0]  }
0x211: {  	s23 =	sor.u32 s7, s24;
	s6 =	simm.s32 $0xC0;
	s12 =	simm.s32 $0x600;
	(erf) = vrcp.f32 v12;
	v11 =	vld [tilespmem:s4+$0x0];
	v4 =	vpop (erf)  }
0x212: {  	v19 =	vld [tilespmem:s23+$0x0];
	s10 =	sand.u32 $0xC00, s12;
	s0 =	sand.u32 $0x1000, s6;
	v16 =	vmax.f32 v16, $0.0e+00;
	v12 =	vmul.f32 v4, v13;
	v13 =	vmax.f32 v14, $0.0e+00  }
0x213: {  	s15 =	simm.s32 $0x30;
	s30 =	sor.u32 s31, s24;
	s2 =	sor.u32 s10, s0;
	v14 =	vmin.f32 v6, $1.000000000e+00;
	v16 =	vmin.f32 v16, $1.000000000e+00;
	v6 =	vmin.f32 v13, $1.000000000e+00  }
0x214: {  	v18 =	vmax.f32 v18, $1.000000000e+00;
	s10 =	sor.u32 $0x16000, s9;
	[tilespmem:s1+$0x0] =	vst v16;
	s1 =	sand.u32 $0x380, s15;
	s15 =	simm.s32 $0xC0;
	v12 =	vmax.f32 v12, $0.0e+00;
	v10 =	vmul.f32 v10, v3  }
0x215: {  	(erf) = vrcp.f32 v18;
	s0 =	sor.u32 s5, s10;
	[tilespmem:s17+$0x0] =	vst v14;
	v16 =	vld [tilespmem:s30+$0x0];
	s5 =	sor.u32 s1, s2;
	s3 =	sand.u32 $0x40, s15;
	v12 =	vmin.f32 v12, $1.000000000e+00;
	v9 =	vmul.f32 v62, v9  }
0x216: {  	s29 =	sor.u32 s16, s18;
	[tilespmem:s25+$0x0] =	vst v6;
	v13 =	vld [tilespmem:s0+$0x0];
	v17 =	vmul.f32 v17, v8;
	v11 =	vmul.f32 v11, v5;
	v6 =	vpop (erf);
	s2 =	sor.u32 $0xA000, s5;
	s1 =	sor.u32 $0x30, s3;
	v10 =	vmax.f32 v10, $0.0e+00  }
0x217: {  	v18 =	vld [tilespmem:s29+$0x0];
	[tilespmem:s22+$0x0] =	vst v12;
	v8 =	vmul.f32 v6, v19;
	s9 =	sor.u32 s1, s2;
	v9 =	vmax.f32 v9, $0.0e+00;
	v10 =	vmin.f32 v10, $1.000000000e+00  }
0x218: {  	s17 =	sor.u32 s3, s2;
	v14 =	vld [tilespmem:s9+$0x0];
	v11 =	vmax.f32 v11, $0.0e+00;
	v9 =	vmin.f32 v9, $1.000000000e+00;
	[tilespmem:s21+$0x0] =	vst v10  }
0x219: {  	s9 =	sor.u32 $0x10, s3;
	v12 =	vld [tilespmem:s17+$0x0];
	v11 =	vmin.f32 v11, $1.000000000e+00;
	v19 =	vmax.f32 v8, $0.0e+00;
	[tilespmem:s26+$0x0] =	vst v9  }
0x21a: {  	s6 =	sor.u32 $0x20, s3;
	v17 =	vmax.f32 v17, $0.0e+00;
	s22 =	sor.u32 s9, s2;
	v19 =	vmin.f32 v19, $1.000000000e+00;
	[tilespmem:s4+$0x0] =	vst v11  }
0x21b: {  	s2 =	sor.u32 s6, s2;
	s21 =	sor.u32 $0x14000, s8;
	v10 =	vld [tilespmem:s22+$0x0];
	v13 =	vmul.f32 v13, v15;
	v15 =	vmin.f32 v17, $1.000000000e+00;
	v8 =	vpop (erf);
	[tilespmem:s23+$0x0] =	vst v19  }
0x21c: {  	v63 =	vld [tilespmem:s2+$0x0];
	s25 =	sor.u32 s7, s21;
	[tilespmem:s20+$0x0] =	vst v15;
	v16 =	vmul.f32 v8, v16  }
0x21d: {  	v11 =	vmul.f32 v18, v7;
	s23 =	sor.u32 s28, s24;
	v17 =	vld [tilespmem:s25+$0x0];
	v13 =	vmax.f32 v13, $0.0e+00;
	s20 =	sld [smem:$0x7FB];
	v14 =	vmax.f32 v14, $1.000000000e+00  }
0x21e: {  	s17 =	sor.u32 s11, s24;
	s26 =	sor.u32 s19, s18;
	v15 =	vld [tilespmem:s23+$0x0];
	v9 =	vmax.f32 v12, $1.000000000e+00;
	v16 =	vmax.f32 v16, $0.0e+00;
	(erf) = vrcp.f32 v14  }
0x21f: {  	s22 =	sor.u32 s14, s10;
	s2 =	sor.u32 s31, s21;
	s14 =	sor.u32 s28, s21;
	v12 =	vld [tilespmem:s17+$0x0];
	v14 =	vmin.f32 v16, $1.000000000e+00;
	(erf) = vrcp.f32 v9;
	v9 =	vmax.f32 v11, $0.0e+00  }
0x220: {  	s24 =	simm.s32 $0xC;
	s18 =	smov.u32 s22;
	v13 =	vmin.f32 v13, $1.000000000e+00;
	s13 =	sor.u32 s20, s13;
	v11 =	vld [tilespmem:s26+$0x0];
	[tilespmem:s30+$0x0] =	vst v14;
	v14 =	vmax.f32 v10, $1.000000000e+00  }
0x221: {  	[tilespmem:s0+$0x0] =	vst v13;
	s20 =	sor.u32 s16, s10;
	s10 =	sor.u32 s19, s10;
	v13 =	vmax.f32 v63, $1.000000000e+00;
	s19 =	sor.u32 s11, s21;
	v10 =	vpop (erf);
	v16 =	vmin.f32 v9, $1.000000000e+00;
	(erf) = vrcp.f32 v14;
	v14 =	vld [tilespmem:s2+$0x0]  }
0x222: {  	s21 =	smov.u32 s1;
	s30 =	smov.u32 s31;
	s31 =	sor.u32 $0x12000, s5;
	[tilespmem:s29+$0x0] =	vst v16;
	v16 =	vmul.f32 v17, v6;
	v9 =	vpop (erf);
	(erf) = vrcp.f32 v13;
	v13 =	vld [tilespmem:s22+$0x0]  }
.LBB2_21:
0x223: {  	[dreg:$0x9] =	wrdreg s10  }
0x224: {  	s24 =	sadd.s32 $0x4, s24;
	s16 =	smov.u32 s28;
	s10 =	smov.u32 s11  }
0x225: {  	s11 =	smov.u32 s30;
	s30 =	sor.u32 s21, s31;
	s12 =	sadd.s32 $0x200, s12  }
0x226: {  	s0 =	smov.u32 s19;
	s15 =	sadd.s32 $0x40, s15;
	s1 =	smov.u32 s14  }
0x227: {  	v17 =	vld [tilespmem:s20+$0x0];
	s14 =	smov.u32 s21;
	s19 =	sor.u32 $0x16000, s8;
	s28 =	smov.u32 s13  }
0x228: {  	v19 =	vld [tilespmem:s13+$0x0];
	s13 =	smov.u32 s6;
	s6 =	smov.u32 s3;
	[dreg:$0xa] =	wrdreg s0  }
0x229: {  	s22 =	sshll.u32 s24, $0x4;
	s4 =	sand.u32 $0xC00, s12;
	v16 =	vmax.f32 v16, $0.0e+00;
	[dreg:$0xc] =	wrdreg s1;
	v15 =	vmul.f32 v10, v15  }
0x22a: {  	v18 =	vld [tilespmem:s30+$0x0];
	s29 =	sshll.u32 s24, $0x2;
	s7 =	sor.u32 s7, s19;
	s0 =	sand.u32 $0x1000, s22;
	v16 =	vmin.f32 v16, $1.000000000e+00;
	v12 =	vmul.f32 v9, v12  }
0x22b: {  	s21 =	sand.u32 $0x380, s29;
	s29 =	sor.u32 s3, s31;
	s0 =	sor.u32 s4, s0;
	v11 =	vmul.f32 v11, v4;
	v14 =	vmul.f32 v14, v8;
	v15 =	vmax.f32 v15, $0.0e+00  }
0x22c: {  	s8 =	sand.u32 $0x40, s15;
	p0 =	slt.u32 s24, $0x1FC;
	[tilespmem:s25+$0x0] =	vst v16;
	v16 =	vld [tilespmem:s29+$0x0];
	s21 =	sor.u32 s21, s0;
	v13 =	vmul.f32 v13, v5;
	v12 =	vmax.f32 v12, $0.0e+00;
	v15 =	vmin.f32 v15, $1.000000000e+00  }
0x22d: {  	s22 =	sor.u32 $0x10, s8;
	s4 =	sor.u32 $0x30, s8;
	v22 =	vmul.f32 v17, v7;
	v14 =	vmax.f32 v14, $0.0e+00;
	v12 =	vmin.f32 v12, $1.000000000e+00;
	[tilespmem:s23+$0x0] =	vst v15;
	v15 =	vld [tilespmem:s7+$0x0];
	s23 =	sor.u32 $0xA000, s21  }
0x22e: {  	s0 =	sor.u32 $0x20, s8;
	v20 =	vpop (erf);
	v23 =	vmul.f32 v19, v3;
	v11 =	vmax.f32 v11, $0.0e+00;
	v14 =	vmin.f32 v14, $1.000000000e+00;
	[tilespmem:s17+$0x0] =	vst v12;
	s17 =	sor.u32 s8, s23;
	s25 =	sor.u32 s4, s23  }
0x22f: {  	v13 =	vmax.f32 v13, $0.0e+00;
	v11 =	vmin.f32 v11, $1.000000000e+00;
	v12 =	vmul.f32 v20, v18;
	[tilespmem:s2+$0x0] =	vst v14;
	v17 =	vld [tilespmem:s1+$0x0];
	s3 =	sor.u32 s22, s23;
	s1 =	sor.u32 s0, s23;
	s23 =	sor.u32 s9, s31  }
0x230: {  	v5 =	vmov v8;
	v13 =	vmin.f32 v13, $1.000000000e+00;
	v21 =	vmax.f32 v22, $0.0e+00;
	[tilespmem:s26+$0x0] =	vst v11;
	s26 =	sor.u32 s16, s19;
	s16 =	sor.u32 s11, s19;
	s11 =	smov.u32 s13;
	v11 =	vld [tilespmem:s25+$0x0]  }
0x231: {  	v8 =	vpop (erf);
	v63 =	vmax.f32 v23, $0.0e+00;
	v14 =	vld [tilespmem:s17+$0x0];
	s17 =	sor.u32 s13, s31;
	v12 =	vmax.f32 v12, $0.0e+00;
	[tilespmem:s18+$0x0] =	vst v13;
	v13 =	vmin.f32 v21, $1.000000000e+00;
	s18 =	sor.u32 $0x14000, s5;
	s31 =	sor.u32 s10, s19  }
0x232: {  	v18 =	vpop (erf);
	v16 =	vmul.f32 v8, v16;
	v62 =	vld [tilespmem:s3+$0x0];
	s3 =	smov.u32 s8;
	s8 =	smov.u32 s5;
	s5 =	smov.u32 s21;
	v12 =	vmin.f32 v12, $1.000000000e+00;
	[tilespmem:s20+$0x0] =	vst v13;
	v15 =	vmul.f32 v15, v6  }
0x233: {  	v7 =	vmov v10;
	v3 =	vmov v4;
	v19 =	vpop (erf);
	s21 =	smov.u32 s4;
	v13 =	vld [tilespmem:s1+$0x0];
	s2 =	sor.u32 s6, s18;
	s25 =	sor.u32 s14, s18;
	[tilespmem:s30+$0x0] =	vst v12;
	v12 =	vmin.f32 v63, $1.000000000e+00  }
0x234: {  	v4 =	vmovc v9;
	v10 =	vmovc v18;
	v9 =	vmov v19;
	s1 =	sor.u32 s9, s18;
	s19 =	sor.u32 s13, s18;
	s20 =	smov.u32 s26;
	v18 =	vld [tilespmem:s25+$0x0];
	[tilespmem:s28+$0x0] =	vst v12;
	v12 =	vmax.f32 v16, $0.0e+00;
	v19 =	vmax.f32 v15, $0.0e+00  }
.Ltmp11:
0x235: {  	s26 =	rddreg [dreg:$0x9];
	s10 =	smov.u32 s31;
	v17 =	vmul.f32 v17, v7;
	v11 =	vmax.f32 v11, $1.000000000e+00;
	v15 =	vld [tilespmem:s23+$0x0];
	v16 =	vmin.f32 v19, $1.000000000e+00;
	(pc) =	sbr.rel @p0 .LBB2_21-.Ltmp11, $4  }
0x236: {  	s28 =	smov.u32 s9;
	s9 =	smov.u32 s22;
	s22 =	rddreg [dreg:$0xa];
	v14 =	vmax.f32 v14, $1.000000000e+00;
	(erf) = vrcp.f32 v11;
	v11 =	vmin.f32 v12, $1.000000000e+00;
	v12 =	vld [tilespmem:s17+$0x0];
	[tilespmem:s7+$0x0] =	vst v16  }
0x237: {  	s31 =	sor.u32 $0x12000, s5;
	s18 =	smov.u32 s16;
	s30 =	smov.u32 s6;
	v17 =	vmax.f32 v17, $0.0e+00;
	v16 =	vmax.f32 v62, $1.000000000e+00;
	(erf) = vrcp.f32 v14;
	[tilespmem:s29+$0x0] =	vst v11;
	v11 =	vld [tilespmem:s22+$0x0]  }
0x238: {  	s6 =	smov.u32 s0;
	s13 =	smov.u32 s26;
	v6 =	vmovc v20;
	v13 =	vmax.f32 v13, $1.000000000e+00;
	v17 =	vmin.f32 v17, $1.000000000e+00;
	s29 =	rddreg [dreg:$0xc];
	(erf) = vrcp.f32 v16;
	v14 =	vld [tilespmem:s2+$0x0]  }
0x239: {  	s26 =	smov.u32 s22;
	s7 =	smov.u32 s14;
	s14 =	smov.u32 s1;
	v16 =	vmul.f32 v18, v6;
	[tilespmem:s29+$0x0] =	vst v17;
	(erf) = vrcp.f32 v13;
	v13 =	vld [tilespmem:s16+$0x0]  }
0x23a: {  	s0 =	sor.u32 s21, s31  }
0x23b: {  	s1 =	sor.u32 s3, s31;
	v17 =	vld [tilespmem:s0+$0x0]  }
0x23c: {  	s22 =	sor.u32 s9, s31;
	v18 =	vld [tilespmem:s1+$0x0]  }
0x23d: {  	v19 =	vld [tilespmem:s22+$0x0]  }
0x23e: {  	v15 =	vmul.f32 v10, v15;
	s4 =	sor.u32 s6, s31  }
0x23f: {  	v21 =	vld [tilespmem:s4+$0x0];
	v20 =	vpop (erf)  }
0x240: {  	v15 =	vmax.f32 v15, $0.0e+00;
	v17 =	vmul.f32 v20, v17;
	v22 =	vpop (erf)  }
0x241: {  	v16 =	vmax.f32 v16, $0.0e+00;
	v15 =	vmin.f32 v15, $1.000000000e+00;
	v23 =	vpop (erf);
	v18 =	vmul.f32 v22, v18  }
0x242: {  	v24 =	vmin.f32 v16, $1.000000000e+00;
	[tilespmem:s23+$0x0] =	vst v15;
	v25 =	vmax.f32 v17, $0.0e+00;
	v26 =	vmul.f32 v23, v19  }
0x243: {  	s12 =	sor.u32 $0x14000, s5;
	v12 =	vmul.f32 v9, v12;
	[tilespmem:s25+$0x0] =	vst v24;
	v27 =	vld [tilespmem:s14+$0x0];
	v28 =	vpop (erf);
	v16 =	vmin.f32 v25, $1.000000000e+00;
	v18 =	vmax.f32 v18, $0.0e+00  }
0x244: {  	s15 =	smov.u32 s3;
	v29 =	vld [tilespmem:s20+$0x0];
	s24 =	sor.u32 s21, s12;
	v21 =	vmul.f32 v28, v21;
	[tilespmem:s0+$0x0] =	vst v16;
	v18 =	vmin.f32 v18, $1.000000000e+00;
	v17 =	vmax.f32 v26, $0.0e+00  }
0x245: {  	v11 =	vmul.f32 v11, v4;
	v12 =	vmax.f32 v12, $0.0e+00;
	s25 =	sor.u32 s15, s12;
	[tilespmem:s1+$0x0] =	vst v18;
	v30 =	vld [tilespmem:s24+$0x0];
	v17 =	vmin.f32 v17, $1.000000000e+00  }
0x246: {  	s31 =	sor.u32 s9, s12;
	v14 =	vmul.f32 v14, v8;
	v12 =	vmin.f32 v12, $1.000000000e+00;
	v21 =	vmax.f32 v21, $0.0e+00;
	[tilespmem:s22+$0x0] =	vst v17;
	v31 =	vld [tilespmem:s25+$0x0]  }
0x247: {  	v5 =	vmul.f32 v13, v5;
	v11 =	vmax.f32 v11, $0.0e+00;
	[tilespmem:s17+$0x0] =	vst v12;
	v32 =	vmin.f32 v21, $1.000000000e+00;
	v33 =	vld [tilespmem:s31+$0x0]  }
0x248: {  	s16 =	sor.u32 s6, s12;
	v34 =	vmax.f32 v14, $0.0e+00;
	v11 =	vmin.f32 v11, $1.000000000e+00;
	v36 =	vld [tilespmem:s19+$0x0];
	v35 =	vmul.f32 v27, v10;
	[tilespmem:s4+$0x0] =	vst v32  }
0x249: {  	s8 =	sor.u32 $0x16000, s8;
	v7 =	vmul.f32 v29, v7;
	[tilespmem:s26+$0x0] =	vst v11;
	v37 =	vmin.f32 v34, $1.000000000e+00;
	v5 =	vmax.f32 v5, $0.0e+00;
	v38 =	vld [tilespmem:s16+$0x0]  }
0x24a: {  	v39 =	vld [tilespmem:s13+$0x0];
	s7 =	sor.u32 s7, s8;
	[tilespmem:s2+$0x0] =	vst v37;
	v5 =	vmin.f32 v5, $1.000000000e+00;
	v14 =	vmax.f32 v35, $0.0e+00;
	v40 =	vmul.f32 v30, v20  }
0x24b: {  	v41 =	vld [tilespmem:s7+$0x0];
	s17 =	sor.u32 s30, s8;
	v7 =	vmax.f32 v7, $0.0e+00;
	[tilespmem:s18+$0x0] =	vst v5;
	v14 =	vmin.f32 v14, $1.000000000e+00;
	v17 =	vmul.f32 v31, v22  }
0x24c: {  	s18 =	sor.u32 s28, s8;
	v7 =	vmin.f32 v7, $1.000000000e+00;
	v42 =	vld [tilespmem:s17+$0x0];
	[tilespmem:s14+$0x0] =	vst v14;
	v16 =	vmax.f32 v40, $0.0e+00;
	v13 =	vmul.f32 v33, v23  }
0x24d: {  	[tilespmem:s20+$0x0] =	vst v7;
	v15 =	vmul.f32 v36, v9;
	s22 =	sor.u32 $0x16000, s5;
	v43 =	vld [tilespmem:s18+$0x0];
	v16 =	vmin.f32 v16, $1.000000000e+00;
	v17 =	vmax.f32 v17, $0.0e+00  }
0x24e: {  	v44 =	vld [tilespmem:s10+$0x0];
	s23 =	sor.u32 s21, s22;
	v12 =	vmul.f32 v38, v28;
	[tilespmem:s24+$0x0] =	vst v16;
	v17 =	vmin.f32 v17, $1.000000000e+00;
	v13 =	vmax.f32 v13, $0.0e+00  }
0x24f: {  	v3 =	vmul.f32 v39, v3;
	v15 =	vmax.f32 v15, $0.0e+00;
	s24 =	sor.u32 s15, s22;
	[tilespmem:s25+$0x0] =	vst v17;
	v45 =	vld [tilespmem:s23+$0x0];
	v13 =	vmin.f32 v13, $1.000000000e+00  }
0x250: {  	v5 =	vmul.f32 v41, v6;
	v46 =	vmin.f32 v15, $1.000000000e+00;
	s25 =	sor.u32 s9, s22;
	v12 =	vmax.f32 v12, $0.0e+00;
	[tilespmem:s31+$0x0] =	vst v13;
	v47 =	vld [tilespmem:s24+$0x0]  }
0x251: {  	s26 =	sor.u32 s11, s8;
	v3 =	vmax.f32 v3, $0.0e+00;
	v48 =	vmul.f32 v42, v8;
	[tilespmem:s19+$0x0] =	vst v46;
	v12 =	vmin.f32 v12, $1.000000000e+00;
	v49 =	vld [tilespmem:s25+$0x0]  }
0x252: {  	v3 =	vmin.f32 v3, $1.000000000e+00;
	v5 =	vmax.f32 v5, $0.0e+00;
	s5 =	sor.u32 s6, s22;
	v50 =	vld [tilespmem:s26+$0x0];
	v7 =	vmul.f32 v43, v10;
	[tilespmem:s16+$0x0] =	vst v12  }
0x253: {  	[tilespmem:s13+$0x0] =	vst v3;
	v3 =	vmin.f32 v5, $1.000000000e+00;
	v52 =	vmul.f32 v44, v4;
	v51 =	vmax.f32 v48, $0.0e+00;
	v53 =	vld [tilespmem:s5+$0x0]  }
0x254: {  	[tilespmem:s7+$0x0] =	vst v3;
	v3 =	vmin.f32 v51, $1.000000000e+00;
	v54 =	vmax.f32 v7, $0.0e+00;
	v55 =	vmul.f32 v45, v20  }
0x255: {  	v4 =	vmax.f32 v52, $0.0e+00;
	[tilespmem:s17+$0x0] =	vst v3;
	v3 =	vmin.f32 v54, $1.000000000e+00;
	v56 =	vmul.f32 v47, v22  }
0x256: {  	[tilespmem:s18+$0x0] =	vst v3;
	v3 =	vmin.f32 v4, $1.000000000e+00;
	v57 =	vmax.f32 v55, $0.0e+00;
	v58 =	vmul.f32 v49, v23  }
0x257: {  	v60 =	vmul.f32 v50, v9;
	[tilespmem:s10+$0x0] =	vst v3;
	v3 =	vmin.f32 v57, $1.000000000e+00;
	v59 =	vmax.f32 v56, $0.0e+00  }
0x258: {  	v6 =	vmul.f32 v53, v28;
	[tilespmem:s23+$0x0] =	vst v3;
	v3 =	vmin.f32 v59, $1.000000000e+00;
	v61 =	vmax.f32 v58, $0.0e+00  }
0x259: {  	v62 =	vmax.f32 v60, $0.0e+00;
	[tilespmem:s24+$0x0] =	vst v3;
	v3 =	vmin.f32 v61, $1.000000000e+00  }
0x25a: {  	v63 =	vmax.f32 v6, $0.0e+00;
	[tilespmem:s25+$0x0] =	vst v3;
	v3 =	vmin.f32 v62, $1.000000000e+00  }
0x25b: {  	[tilespmem:s26+$0x0] =	vst v3;
	v3 =	vmin.f32 v63, $1.000000000e+00  }
0x25c: {  	[tilespmem:s5+$0x0] =	vst v3  }
0x25d: {  	s25 =	rddreg [dreg:$0x17]  }
0x25e: {  	s28 =	rddreg [dreg:$0x3];
	s25 =	sadd.s32 $0x1, s25  }
0x25f: {  	s19 =	rddreg [dreg:$0x1];
	p0 =	sne.s32 s25, $0x8  }
.Ltmp12:
0x260: {  	s29 =	simm.s32 $0xC000;
	s18 =	rddreg [dreg:$0x0];
	(pc) =	sbr.rel @p0 .LBB2_2-.Ltmp12, $4  }
.Ltmp13:
0x261: {  	s30 =	simm.s32 $0x2000;
	s1 =	rddreg [dreg:$0x1a];
	(pc) =	sbr.rel @!p0 .LBB2_23-.Ltmp13, $4  }
0x262: {  	s4 =	simm.s32 $0x40000;
	s31 =	simm.s32 $0x12000;
	s20 =	rddreg [dreg:$0xe]  }
0x263: {  	s23 =	simm.s32 $0x8000;
	s21 =	rddreg [dreg:$0xf];
	s0 =	sadd.s32 s28, s1  }
0x264: {  	[hbm4b:s0+s30] =	stream.strided.scatter [tilespmem:s31], [sflag:$0x4], $0x6000, s4, s30, $0x38;
	[tilespmem:$0x18000] =	vst v63  }
0x265: {  	_ = 	snop  }
.LBB2_11:
.Ltmp14:
0x266: {  	(pc) =	sbr.rel .LBB2_20-.Ltmp14, $4  }
0x267: {  	s5 =	smov.u32 s7  }
0x268: {  	s28 =	smov.u32 s2;
	s17 =	smov.u32 s0;
	s22 =	smov.u32 s31  }
0x269: {  	s30 =	smov.u32 s6;
	s10 =	smov.u32 s8;
	s12 =	smov.u32 s1  }
0x26a: {  	s19 =	rddreg [dreg:$0x1e];
	s23 =	smov.u32 s18;
	s11 =	smov.u32 s13  }
.LBB2_13:
.Ltmp15:
0x26b: {  	(pc) =	sbr.rel .LBB2_20-.Ltmp15, $3  }
0x26c: {  	_ =	sdelay $0x1  }
0x26d: {  	_ = 	snop  }
0x26e: {  	s5 =	smov.u32 s9;
	v10 =	vmov v4;
	v12 =	vmov v5;
	v13 =	vmov v3;
	s11 =	smov.u32 s13  }
.LBB2_15:
0x26f: {  	s2 =	smov.u32 s28;
	[dreg:$0x1e] =	wrdreg s19  }
0x270: {  	s28 =	smov.u32 s31;
	s31 =	smov.u32 s22;
	s22 =	sld [smem:$0x7FC]  }
.Ltmp16:
0x271: {  	s6 =	smov.u32 s30;
	s30 =	rddreg [dreg:$0x6];
	(pc) =	sbr.rel .LBB2_20-.Ltmp16, $4  }
0x272: {  	s0 =	smov.u32 s17;
	s4 =	smov.u32 s7;
	s19 =	rddreg [dreg:$0x5]  }
0x273: {  	s15 =	smov.u32 s16;
	s5 =	smov.u32 s11;
	s23 =	sld [smem:$0x7FD]  }
0x274: {  	s17 =	smov.u32 s14;
	s14 =	smov.u32 s18;
	s12 =	rddreg [dreg:$0x1f]  }
0x275: {  	v13 =	vmovc v11;
	v8 =	vmovc v16;
	v21 =	vmov v4;
	v24 =	vmov v5;
	s10 =	smov.u32 s25;
	v11 =	vmov v3;
	s25 =	rddreg [dreg:$0x17];
	s11 =	smov.u32 s13  }
.LBB2_17:
0x276: {  	s3 =	rddreg [dreg:$0x1d]  }
0x277: {  	s18 =	rddreg [dreg:$0x1b]  }
0x278: {  	s6 =	rddreg [dreg:$0x6]  }
0x279: {  	s14 =	smov.u32 s29;
	s5 =	smov.u32 s13;
	s7 =	rddreg [dreg:$0x1c]  }
0x27a: {  	s0 =	smov.u32 s4;
	s2 =	smov.u32 s28;
	s4 =	rddreg [dreg:$0x5]  }
.Ltmp17:
0x27b: {  	s31 =	smov.u32 s1;
	s28 =	rddreg [dreg:$0x7];
	(pc) =	sbr.rel .LBB2_20-.Ltmp17, $4  }
0x27c: {  	s22 =	smov.u32 s30;
	s30 =	smov.u32 s10;
	s25 =	rddreg [dreg:$0x17]  }
0x27d: {  	s29 =	simm.s32 $0xC000;
	s13 =	rddreg [dreg:$0x18];
	s20 =	smov.u32 s9  }
0x27e: {  	v21 =	vmov v10;
	s21 =	smov.u32 s11;
	s10 =	rddreg [dreg:$0x8];
	s16 =	smov.u32 s18  }
0x27f: {  	v24 =	vmovc v12;
	v16 =	vmovc v4;
	v10 =	vmov v22;
	v18 =	vmov v5;
	v12 =	vmov v23;
	[dreg:$0x1e] =	wrdreg s4;
	s11 =	smov.u32 s13;
	s4 =	smov.u32 s8  }
.LBB2_24:
0x280: {  	_ =	sfence.sel $0x180000  }
0x281: {  	[bflag:$0x0] =	sbarrier.arrive $0xFFFF  }
0x282: {  	_ =	strace $0x90000047  }
0x283: {  	s0 =	stileid.u32;
	[bflag:$0x2] =	sbarrier.arrive $0xFFFF  }
0x284: {  	p0 =	sne.s32 s0, $0x0;
	s0 =	rddreg [dreg:$0x4]  }
0x285: {  	s0 =	sadd.s32 @!p0 $0x100000, s0  }
0x286: {  	[sflag:s0] =	ssyncadd.tile.s32 @!p0 $0x1;
	_ =	shalt  }
.Lfunc_end2:
_tile_overlayer_lowered:
.L_overlay_start_2:
0x287: {  	(tag) =	ssettag $0x2  }
0x288: {  	s0 =	rddreg [dreg:$0x0];
	s2 =	stileid.u32  }
0x289: {  	s1 =	rddreg [dreg:$0x1];
	p0 =	sne.s32 s2, $0x0  }
0x28a: {  	s3 =	rddreg [dreg:$0x2];
	[bflag:$0x3] =	sbarrier.arrive $0xFFFF;
	s2 =	simm.s32 @!p0 $0x1C05  }
0x28b: {  	[timem:s3], [sflag:s2] =	dma.local @!p0 [hbm:s0], s1  }
0x28c: {  	s0 =	simm.s32 @!p0 $0x5  }
0x28d: {  	_ =	swait.ge @!p0 [sflag:s0], s1  }
0x28e: {  	s1 =	ssub.s32 @!p0 $0x0, s1;
	[sflag:s0] =	ssyncset.done @!p0 $0x0  }
0x28f: {  	[sflag:s0] =	ssyncadd.s32 @!p0 s1  }
0x290: {  	[bflag:$0x3] =	sbarrier.arrive $0xFFFF  }
0x291: {  	_ =	shalt  }

</sc_bundles>
